<compile_context>
chip_gen: v7x
topology: tpu7x:2x2x1
jax: 0.10.2.dev20260603
libtpu: 0.0.44.dev20260713+nightly
codegen_flags: <defaults>
</compile_context>

<pallas_src>
import functools

import jax
import jax.numpy as jnp
from jax import lax
from jax.experimental import pallas as pl
from jax.experimental.pallas import tpu as pltpu
from jax.experimental.pallas import tpu_sc as plsc

N_WORKERS = 32
N_CHUNKS = 8


def _sc_gather(idx2, idx1, vm8, emb2w8, emb1w8, pairs_pw, D):
    rows_pc = idx2.shape[2]
    pairs_pc = rows_pc // D
    mesh = plsc.VectorSubcoreMesh(core_axis_name="c", subcore_axis_name="s")
    nc = mesh.num_cores
    L = 16

    def body(idx_hbm, idx1_hbm, vm_hbm, emb2_hbm, emb1_hbm,
             out2_hbm, out1_hbm,
             idx_v, rows_v, deep_v, idx1_v, e1_v, vm_v, e1s_v,
             sem, sem1):
        wid = lax.axis_index("s") * nc + lax.axis_index("c")
        iota = lax.iota(jnp.int32, L)
        pltpu.sync_copy(idx1_hbm.at[wid], idx1_v)
        pltpu.sync_copy(vm_hbm.at[wid], vm_v)
        cp1 = pltpu.async_copy(emb1_hbm.at[idx1_v], e1_v, sem1)
        for c in range(N_CHUNKS):
            pltpu.sync_copy(idx_hbm.at[wid, c], idx_v)
            pltpu.async_copy(emb2_hbm.at[idx_v], rows_v, sem).wait()

            def sel_body(g, carry):
                pvec = g * L + iota
                lane = vm_v[pl.ds(c * pairs_pc + g * L, L)]
                for d in range(D):
                    vals = plsc.load_gather(rows_v, [pvec * D + d, lane])
                    plsc.store_scatter(deep_v, [pvec * D + d], vals)
                return carry

            lax.fori_loop(0, pairs_pc // L, sel_body, 0)
            pltpu.sync_copy(deep_v, out2_hbm.at[wid, c])
        cp1.wait()

        def sel1_body(g, carry):
            pvec = g * L + iota
            lane = vm_v[pl.ds(g * L, L)]
            vals = plsc.load_gather(e1_v, [pvec, lane])
            plsc.store_scatter(e1s_v, [pvec], vals)
            return carry

        lax.fori_loop(0, pairs_pw // L, sel1_body, 0)
        pltpu.sync_copy(e1s_v, out1_hbm.at[wid])

    call = pl.kernel(
        body,
        out_type=[
            jax.ShapeDtypeStruct((N_WORKERS, N_CHUNKS, rows_pc), jnp.float32),
            jax.ShapeDtypeStruct((N_WORKERS, pairs_pw), jnp.float32),
        ],
        mesh=mesh,
        scratch_types=[
            pltpu.VMEM((rows_pc,), jnp.int32),
            pltpu.VMEM((rows_pc, 8), jnp.float32),
            pltpu.VMEM((rows_pc,), jnp.float32),
            pltpu.VMEM((pairs_pw,), jnp.int32),
            pltpu.VMEM((pairs_pw, 8), jnp.float32),
            pltpu.VMEM((pairs_pw,), jnp.int32),
            pltpu.VMEM((pairs_pw,), jnp.float32),
            pltpu.SemaphoreType.DMA,
            pltpu.SemaphoreType.DMA,
        ],
        compiler_params=pltpu.CompilerParams(
            use_tc_tiling_on_sc=False, needs_layout_passes=False),
    )
    return call(idx2, idx1, vm8.reshape(N_WORKERS, pairs_pw), emb2w8, emb1w8)


def _tc_dense(raw, e1w, Xv, E, S, W1, b1, W2, b2, bias, blk):
    B, FD = raw.shape
    F = Xv.shape[1]
    hp = jax.lax.Precision.HIGHEST

    def body(xv_ref, e1_ref, raw_ref, E_ref, S_ref, W1_ref, b1_ref,
             W2_ref, b2_ref, bias_ref, out_ref):
        xv = xv_ref[...]
        rawb = raw_ref[...]
        xve = jnp.dot(xv, E_ref[...], precision=hp)
        deep = rawb * xve
        fm1 = jnp.sum(e1_ref[...] * xv, axis=1)
        se = jnp.dot(deep, S_ref[...], precision=hp)
        sq = jnp.dot(deep * deep, S_ref[...], precision=hp)
        fm2 = 0.5 * jnp.sum(se * se - sq, axis=1)
        x1 = jnp.maximum(jnp.dot(deep, W1_ref[...], precision=hp) + b1_ref[...], 0.0)
        x2 = jnp.maximum(jnp.dot(x1, W2_ref[...], precision=hp) + b2_ref[...], 0.0)
        out_ref[...] = fm1 + fm2 + jnp.sum(x2, axis=1) + bias_ref[0, 0]

    grid = B // blk
    full = lambda shape: pl.BlockSpec(shape, lambda i: (0,) * len(shape))
    return pl.pallas_call(
        body,
        grid=(grid,),
        in_specs=[
            pl.BlockSpec((blk, F), lambda i: (i, 0)),
            pl.BlockSpec((blk, F), lambda i: (i, 0)),
            pl.BlockSpec((blk, FD), lambda i: (i, 0)),
            full(E.shape),
            full(S.shape),
            full(W1.shape),
            full((b1.shape[0],)),
            full(W2.shape),
            full((b2.shape[0],)),
            pl.BlockSpec(memory_space=pltpu.SMEM),
        ],
        out_specs=pl.BlockSpec((blk,), lambda i: (i,)),
        out_shape=jax.ShapeDtypeStruct((B,), jnp.float32),
        compiler_params=pltpu.CompilerParams(
            dimension_semantics=("arbitrary",),
        ),
    )(Xv, e1w, raw, E, S, W1, b1, W2, b2, bias.reshape(1, 1))


def kernel(Xi, Xv, emb1, emb2, W1, b1, W2, b2, bias):
    F, V, D = emb2.shape
    B = Xi.shape[0]
    v = Xi[..., 0].astype(jnp.int32)
    v8 = jnp.right_shift(v, 3)
    vm8 = jnp.bitwise_and(v, 7)
    fd = (jnp.arange(F, dtype=jnp.int32) * D)[None, :, None] + \
        jnp.arange(D, dtype=jnp.int32)[None, None, :]
    pairs_pc = (B * F) // (N_WORKERS * N_CHUNKS)
    idx2 = (fd * (V // 8) + v8[:, :, None]).reshape(
        N_WORKERS, N_CHUNKS, pairs_pc * D)
    idx1 = ((jnp.arange(F, dtype=jnp.int32) * (V // 8))[None, :] + v8).reshape(
        N_WORKERS, (B * F) // N_WORKERS)

    emb2w8 = jnp.transpose(emb2, (0, 2, 1)).reshape(F * D * V // 8, 8)
    emb1w8 = emb1.reshape(F * V // 8, 8)
    e2sel, e1sel = _sc_gather(idx2, idx1, vm8, emb2w8, emb1w8,
                              (B * F) // N_WORKERS, D)

    raw = e2sel.reshape(B, F * D)
    e1w = e1sel.reshape(B, F)

    E = jnp.kron(jnp.eye(F, dtype=jnp.float32), jnp.ones((1, D), jnp.float32))
    S = jnp.tile(jnp.eye(D, dtype=jnp.float32), (F, 1))

    return _tc_dense(raw, e1w, Xv, E, S, W1, b1, W2, b2, bias, blk=512)

# --- scband reference (transcript-rebuilt; emitter-appended) ---
"""Pipeline reference for scband-deep-fm-69286412419117 (READ-ONLY COPY).

The authoritative reference and input builder live on the scoring server;
editing this copy changes nothing except your own understanding.
"""

import jax, jax.numpy as jnp
import numpy as np

B = 4096
F = 26
V = 100000
D = 16
H1 = 32
H2 = 32

def setup_inputs(seed: int = 0) -> dict:
    key = jax.random.key(seed)
    ks = jax.random.split(key, 9)
    Xi = jax.random.randint(ks[0], (B, F, 1), 0, V)
    Xv = jax.random.uniform(ks[1], (B, F), dtype=jnp.float32)
    emb1 = jax.random.normal(ks[2], (F, V, 1), dtype=jnp.float32) * 0.01
    emb2 = jax.random.normal(ks[3], (F, V, D), dtype=jnp.float32) * 0.01
    W1 = jax.random.normal(ks[4], (F * D, H1), dtype=jnp.float32) * (1.0 / np.sqrt(F * D))
    b1 = jnp.zeros((H1,), dtype=jnp.float32)
    W2 = jax.random.normal(ks[5], (H1, H2), dtype=jnp.float32) * (1.0 / np.sqrt(H1))
    b2 = jnp.zeros((H2,), dtype=jnp.float32)
    bias = jax.random.normal(ks[6], (1,), dtype=jnp.float32)
    return {"Xi": Xi, "Xv": Xv, "emb1": emb1, "emb2": emb2, "W1": W1, "b1": b1, "W2": W2, "b2": b2, "bias": bias}

def reference(Xi, Xv, emb1, emb2, W1, b1, W2, b2, bias):
    idx = Xi[..., 0]  # [B, F]
    f_idx = jnp.arange(F)[None, :]
    # FM first order: per-field embedding dim 1, summed over the length-1 axis, scaled by Xv
    e1 = emb1[f_idx, idx]              # [B, F, 1]
    fm_first_order = e1[..., 0] * Xv   # [B, F]
    # FM second order embeddings scaled by Xv
    e2 = emb2[f_idx, idx]              # [B, F, D]
    e2w = e2 * Xv[:, :, None]          # [B, F, D]
    sum_emb = jnp.sum(e2w, axis=1)     # [B, D]
    sum_sq = sum_emb * sum_emb
    sq_sum = jnp.sum(e2w * e2w, axis=1)
    fm_second_order = 0.5 * (sum_sq - sq_sum)  # [B, D]
    # Deep part
    deep_emb = e2w.reshape(e2w.shape[0], F * D)
    x = jax.nn.relu(deep_emb @ W1 + b1)
    x = jax.nn.relu(x @ W2 + b2)
    total = jnp.sum(fm_first_order, axis=1) + jnp.sum(fm_second_order, axis=1) + jnp.sum(x, axis=1) + bias
    return total

if __name__ == "__main__":
    import jax
    _d = setup_inputs()
    print(jax.jit(kernel)(*tuple(_d.values())))

</pallas_src>

<mosaic_0001>
#map = affine_map<(d0, d1) -> (0, 0, 0)>
#map1 = affine_map<(d0, d1) -> (0, 0)>
module attributes {stable_mosaic.version = 14 : i64} {
  func.func @body(%arg0: i32, %arg1: i32, %arg2: memref<32x8x6656xi32, #tpu.memory_space<hbm>>, %arg3: memref<32x3328xi32, #tpu.memory_space<hbm>>, %arg4: memref<32x3328xi32, #tpu.memory_space<hbm>>, %arg5: memref<5200000x8xf32, #tpu.memory_space<hbm>>, %arg6: memref<325000x8xf32, #tpu.memory_space<hbm>>, %arg7: memref<32x8x6656xf32, #tpu.memory_space<hbm>>, %arg8: memref<32x3328xf32, #tpu.memory_space<hbm>>, %arg9: memref<6656xi32, #tpu.memory_space<vmem>>, %arg10: memref<6656x8xf32, #tpu.memory_space<vmem>>, %arg11: memref<6656xf32, #tpu.memory_space<vmem>>, %arg12: memref<3328xi32, #tpu.memory_space<vmem>>, %arg13: memref<3328x8xf32, #tpu.memory_space<vmem>>, %arg14: memref<3328xi32, #tpu.memory_space<vmem>>, %arg15: memref<3328xf32, #tpu.memory_space<vmem>>, %arg16: memref<!tpu.dma_semaphore, #tpu.memory_space<semaphore_mem>>, %arg17: memref<!tpu.dma_semaphore, #tpu.memory_space<semaphore_mem>>) attributes {dimension_semantics = [#tpu.dimension_semantics<core_parallel>, #tpu.dimension_semantics<subcore_parallel>], iteration_bounds = array<i64: 2, 16>, scalar_prefetch = 0 : i64, scratch_operands = 9 : i64, tpu.core_type = #tpu.core_type<sc_vector_subcore>, window_params = [{transform_indices = #map}, {transform_indices = #map1}, {transform_indices = #map1}, {transform_indices = #map1}, {transform_indices = #map1}, {transform_indices = #map}, {transform_indices = #map1}]} {
    %mul3A = arith.constant 2 : i32
    %mul3A_0 = arith.muli %arg1, %mul3A : i32
    %add3A = arith.addi %mul3A_0, %arg0 : i32
    %iota3A = tpu.iota {dimensions = array<i32: 0>} : vector<16xi32>
    "tpu.region"() ({
      %run_scoped3A_121 = tpu.sem_alloc : memref<!tpu.dma_semaphore, #tpu.memory_space<semaphore_mem>>
      %dma_start3A_122 = arith.constant 0 : i32
      %dma_start3A_123 = tpu.memref_slice %arg3[%add3A, %dma_start3A_122] : memref<32x3328xi32, #tpu.memory_space<hbm>> -> memref<1x3328xi32, #tpu.memory_space<hbm>>
      %dma_start3A_124 = tpu.memref_squeeze %dma_start3A_123 : memref<1x3328xi32, #tpu.memory_space<hbm>> -> memref<3328xi32, #tpu.memory_space<hbm>>
      %dma_start3A_125 = arith.constant 0 : i32
      %dma_start3A_126 = tpu.memref_slice %arg3[%add3A, %dma_start3A_125] : memref<32x3328xi32, #tpu.memory_space<hbm>> -> memref<1x3328xi32, #tpu.memory_space<hbm>>
      %dma_start3A_127 = tpu.memref_squeeze %dma_start3A_126 : memref<1x3328xi32, #tpu.memory_space<hbm>> -> memref<3328xi32, #tpu.memory_space<hbm>>
      tpu.enqueue_dma source(%dma_start3A_127 : memref<3328xi32, #tpu.memory_space<hbm>>) target(%arg12 : memref<3328xi32, #tpu.memory_space<vmem>>) target_semaphore(%run_scoped3A_121 : memref<!tpu.dma_semaphore, #tpu.memory_space<semaphore_mem>>)
      %dma_wait3A_128 = arith.constant 0 : i32
      %dma_wait3A_129 = tpu.memref_slice %arg3[%add3A, %dma_wait3A_128] : memref<32x3328xi32, #tpu.memory_space<hbm>> -> memref<1x3328xi32, #tpu.memory_space<hbm>>
      %dma_wait3A_130 = tpu.memref_squeeze %dma_wait3A_129 : memref<1x3328xi32, #tpu.memory_space<hbm>> -> memref<3328xi32, #tpu.memory_space<hbm>>
      %dma_wait3A_131 = arith.constant 0 : i32
      %dma_wait3A_132 = tpu.memref_slice %arg3[%add3A, %dma_wait3A_131] : memref<32x3328xi32, #tpu.memory_space<hbm>> -> memref<1x3328xi32, #tpu.memory_space<hbm>>
      %dma_wait3A_133 = tpu.memref_squeeze %dma_wait3A_132 : memref<1x3328xi32, #tpu.memory_space<hbm>> -> memref<3328xi32, #tpu.memory_space<hbm>>
      tpu.wait_dma2 semaphore(%run_scoped3A_121 : memref<!tpu.dma_semaphore, #tpu.memory_space<semaphore_mem>>) src(%dma_wait3A_133 : memref<3328xi32, #tpu.memory_space<hbm>>) dst(%arg12 : memref<3328xi32, #tpu.memory_space<vmem>>)
      tpu.yield
    }) : () -> ()
    "tpu.region"() ({
      %run_scoped3A_121 = tpu.sem_alloc : memref<!tpu.dma_semaphore, #tpu.memory_space<semaphore_mem>>
      %dma_start3A_122 = arith.constant 0 : i32
      %dma_start3A_123 = tpu.memref_slice %arg4[%add3A, %dma_start3A_122] : memref<32x3328xi32, #tpu.memory_space<hbm>> -> memref<1x3328xi32, #tpu.memory_space<hbm>>
      %dma_start3A_124 = tpu.memref_squeeze %dma_start3A_123 : memref<1x3328xi32, #tpu.memory_space<hbm>> -> memref<3328xi32, #tpu.memory_space<hbm>>
      %dma_start3A_125 = arith.constant 0 : i32
      %dma_start3A_126 = tpu.memref_slice %arg4[%add3A, %dma_start3A_125] : memref<32x3328xi32, #tpu.memory_space<hbm>> -> memref<1x3328xi32, #tpu.memory_space<hbm>>
      %dma_start3A_127 = tpu.memref_squeeze %dma_start3A_126 : memref<1x3328xi32, #tpu.memory_space<hbm>> -> memref<3328xi32, #tpu.memory_space<hbm>>
      tpu.enqueue_dma source(%dma_start3A_127 : memref<3328xi32, #tpu.memory_space<hbm>>) target(%arg14 : memref<3328xi32, #tpu.memory_space<vmem>>) target_semaphore(%run_scoped3A_121 : memref<!tpu.dma_semaphore, #tpu.memory_space<semaphore_mem>>)
      %dma_wait3A_128 = arith.constant 0 : i32
      %dma_wait3A_129 = tpu.memref_slice %arg4[%add3A, %dma_wait3A_128] : memref<32x3328xi32, #tpu.memory_space<hbm>> -> memref<1x3328xi32, #tpu.memory_space<hbm>>
      %dma_wait3A_130 = tpu.memref_squeeze %dma_wait3A_129 : memref<1x3328xi32, #tpu.memory_space<hbm>> -> memref<3328xi32, #tpu.memory_space<hbm>>
      %dma_wait3A_131 = arith.constant 0 : i32
      %dma_wait3A_132 = tpu.memref_slice %arg4[%add3A, %dma_wait3A_131] : memref<32x3328xi32, #tpu.memory_space<hbm>> -> memref<1x3328xi32, #tpu.memory_space<hbm>>
      %dma_wait3A_133 = tpu.memref_squeeze %dma_wait3A_132 : memref<1x3328xi32, #tpu.memory_space<hbm>> -> memref<3328xi32, #tpu.memory_space<hbm>>
      tpu.wait_dma2 semaphore(%run_scoped3A_121 : memref<!tpu.dma_semaphore, #tpu.memory_space<semaphore_mem>>) src(%dma_wait3A_133 : memref<3328xi32, #tpu.memory_space<hbm>>) dst(%arg14 : memref<3328xi32, #tpu.memory_space<vmem>>)
      tpu.yield
    }) : () -> ()
    %dma_start3A = arith.constant 0 : i32
    %dma_start3A_1 = arith.constant 0 : i32
    %dma_start3A_2 = tpu.memref_slice %arg6[%dma_start3A, %dma_start3A_1] : memref<325000x8xf32, #tpu.memory_space<hbm>> -> memref<325000x8xf32, #tpu.memory_space<hbm>>
    tpu.enqueue_indirect_dma source(%dma_start3A_2 : memref<325000x8xf32, #tpu.memory_space<hbm>>) target(%arg13 : memref<3328x8xf32, #tpu.memory_space<vmem>>) offsets(%arg12 : memref<3328xi32, #tpu.memory_space<vmem>>) semaphore(%arg17 : memref<!tpu.dma_semaphore, #tpu.memory_space<semaphore_mem>>)
    %run_scoped3A = arith.constant 0 : i32
    "tpu.region"() ({
      %run_scoped3A_121 = tpu.sem_alloc : memref<!tpu.dma_semaphore, #tpu.memory_space<semaphore_mem>>
      %dma_start3A_122 = arith.constant 0 : i32
      %dma_start3A_123 = tpu.memref_slice %arg2[%add3A, %run_scoped3A, %dma_start3A_122] : memref<32x8x6656xi32, #tpu.memory_space<hbm>> -> memref<1x1x6656xi32, #tpu.memory_space<hbm>>
      %dma_start3A_124 = tpu.memref_squeeze %dma_start3A_123 : memref<1x1x6656xi32, #tpu.memory_space<hbm>> -> memref<6656xi32, #tpu.memory_space<hbm>>
      %dma_start3A_125 = arith.constant 0 : i32
      %dma_start3A_126 = tpu.memref_slice %arg2[%add3A, %run_scoped3A, %dma_start3A_125] : memref<32x8x6656xi32, #tpu.memory_space<hbm>> -> memref<1x1x6656xi32, #tpu.memory_space<hbm>>
      %dma_start3A_127 = tpu.memref_squeeze %dma_start3A_126 : memref<1x1x6656xi32, #tpu.memory_space<hbm>> -> memref<6656xi32, #tpu.memory_space<hbm>>
      tpu.enqueue_dma source(%dma_start3A_127 : memref<6656xi32, #tpu.memory_space<hbm>>) target(%arg9 : memref<6656xi32, #tpu.memory_space<vmem>>) target_semaphore(%run_scoped3A_121 : memref<!tpu.dma_semaphore, #tpu.memory_space<semaphore_mem>>)
      %dma_wait3A_128 = arith.constant 0 : i32
      %dma_wait3A_129 = tpu.memref_slice %arg2[%add3A, %run_scoped3A, %dma_wait3A_128] : memref<32x8x6656xi32, #tpu.memory_space<hbm>> -> memref<1x1x6656xi32, #tpu.memory_space<hbm>>
      %dma_wait3A_130 = tpu.memref_squeeze %dma_wait3A_129 : memref<1x1x6656xi32, #tpu.memory_space<hbm>> -> memref<6656xi32, #tpu.memory_space<hbm>>
      %dma_wait3A_131 = arith.constant 0 : i32
      %dma_wait3A_132 = tpu.memref_slice %arg2[%add3A, %run_scoped3A, %dma_wait3A_131] : memref<32x8x6656xi32, #tpu.memory_space<hbm>> -> memref<1x1x6656xi32, #tpu.memory_space<hbm>>
      %dma_wait3A_133 = tpu.memref_squeeze %dma_wait3A_132 : memref<1x1x6656xi32, #tpu.memory_space<hbm>> -> memref<6656xi32, #tpu.memory_space<hbm>>
      tpu.wait_dma2 semaphore(%run_scoped3A_121 : memref<!tpu.dma_semaphore, #tpu.memory_space<semaphore_mem>>) src(%dma_wait3A_133 : memref<6656xi32, #tpu.memory_space<hbm>>) dst(%arg9 : memref<6656xi32, #tpu.memory_space<vmem>>)
      tpu.yield
    }) : () -> ()
    %dma_start3A_3 = arith.constant 0 : i32
    %dma_start3A_4 = arith.constant 0 : i32
    %dma_start3A_5 = tpu.memref_slice %arg5[%dma_start3A_3, %dma_start3A_4] : memref<5200000x8xf32, #tpu.memory_space<hbm>> -> memref<5200000x8xf32, #tpu.memory_space<hbm>>
    tpu.enqueue_indirect_dma source(%dma_start3A_5 : memref<5200000x8xf32, #tpu.memory_space<hbm>>) target(%arg10 : memref<6656x8xf32, #tpu.memory_space<vmem>>) offsets(%arg9 : memref<6656xi32, #tpu.memory_space<vmem>>) semaphore(%arg16 : memref<!tpu.dma_semaphore, #tpu.memory_space<semaphore_mem>>)
    %dma_wait3A = arith.constant 0 : i32
    %dma_wait3A_6 = arith.constant 0 : i32
    %dma_wait3A_7 = tpu.memref_slice %arg5[%dma_wait3A, %dma_wait3A_6] : memref<5200000x8xf32, #tpu.memory_space<hbm>> -> memref<5200000x8xf32, #tpu.memory_space<hbm>>
    tpu.wait_indirect_dma semaphore(%arg16 : memref<!tpu.dma_semaphore, #tpu.memory_space<semaphore_mem>>) src(%dma_wait3A_7 : memref<5200000x8xf32, #tpu.memory_space<hbm>>) dst(%arg10 : memref<6656x8xf32, #tpu.memory_space<vmem>>)
    %scan3A = arith.constant 0 : i32
    %scan3A_8 = arith.constant 0 : i32
    %scan3A_9 = arith.constant 26 : i32
    %scan3A_10 = arith.addi %scan3A_8, %scan3A_9 : i32
    %scan3A_11 = arith.constant 1 : i32
    scf.for %scan3A_121 = %scan3A_8 to %scan3A_10 step %scan3A_11  : i32 {
      %mul3A_122 = arith.constant 16 : i32
      %mul3A_123 = arith.muli %scan3A_121, %mul3A_122 : i32
      %add3A_124 = vector.broadcast %mul3A_123 : i32 to vector<16xi32>
      %add3A_125 = arith.addi %add3A_124, %iota3A : vector<16xi32>
      %mul3A_126 = arith.constant 16 : i32
      %mul3A_127 = arith.muli %scan3A_121, %mul3A_126 : i32
      %add3A_128 = arith.constant 0 : i32
      %add3A_129 = arith.addi %add3A_128, %mul3A_127 : i32
      %get3A = arith.index_cast %add3A_129 : i32 to index
      %get3A_130 = tpu.vector_load %arg14[%get3A] {strides = array<i32>} : memref<3328xi32, #tpu.memory_space<vmem>>, vector<16xi32>,
      %mul3A_131 = arith.constant 16 : i32
      %mul3A_132 = vector.broadcast %mul3A_131 : i32 to vector<16xi32>
      %mul3A_133 = arith.muli %add3A_125, %mul3A_132 : vector<16xi32>
      %add3A_134 = arith.constant 0 : i32
      %add3A_135 = vector.broadcast %add3A_134 : i32 to vector<16xi32>
      %add3A_136 = arith.addi %mul3A_133, %add3A_135 : vector<16xi32>
      %gather3A = tpu.vector_load_idx %arg10[%add3A_136, %get3A_130] : memref<6656x8xf32, #tpu.memory_space<vmem>>[vector<16xi32>, vector<16xi32>], vector<16xf32>,
      %mul3A_137 = arith.constant 16 : i32
      %mul3A_138 = vector.broadcast %mul3A_137 : i32 to vector<16xi32>
      %mul3A_139 = arith.muli %add3A_125, %mul3A_138 : vector<16xi32>
      %add3A_140 = arith.constant 0 : i32
      %add3A_141 = vector.broadcast %add3A_140 : i32 to vector<16xi32>
      %add3A_142 = arith.addi %mul3A_139, %add3A_141 : vector<16xi32>
      tpu.vector_store_idx %arg11[%add3A_142], %gather3A : memref<6656xf32, #tpu.memory_space<vmem>>[vector<16xi32>], vector<16xf32>,
      %mul3A_143 = arith.constant 16 : i32
      %mul3A_144 = vector.broadcast %mul3A_143 : i32 to vector<16xi32>
      %mul3A_145 = arith.muli %add3A_125, %mul3A_144 : vector<16xi32>
      %add3A_146 = arith.constant 1 : i32
      %add3A_147 = vector.broadcast %add3A_146 : i32 to vector<16xi32>
      %add3A_148 = arith.addi %mul3A_145, %add3A_147 : vector<16xi32>
      %gather3A_149 = tpu.vector_load_idx %arg10[%add3A_148, %get3A_130] : memref<6656x8xf32, #tpu.memory_space<vmem>>[vector<16xi32>, vector<16xi32>], vector<16xf32>,
      %mul3A_150 = arith.constant 16 : i32
      %mul3A_151 = vector.broadcast %mul3A_150 : i32 to vector<16xi32>
      %mul3A_152 = arith.muli %add3A_125, %mul3A_151 : vector<16xi32>
      %add3A_153 = arith.constant 1 : i32
      %add3A_154 = vector.broadcast %add3A_153 : i32 to vector<16xi32>
      %add3A_155 = arith.addi %mul3A_152, %add3A_154 : vector<16xi32>
      tpu.vector_store_idx %arg11[%add3A_155], %gather3A_149 : memref<6656xf32, #tpu.memory_space<vmem>>[vector<16xi32>], vector<16xf32>,
      %mul3A_156 = arith.constant 16 : i32
      %mul3A_157 = vector.broadcast %mul3A_156 : i32 to vector<16xi32>
      %mul3A_158 = arith.muli %add3A_125, %mul3A_157 : vector<16xi32>
      %add3A_159 = arith.constant 2 : i32
      %add3A_160 = vector.broadcast %add3A_159 : i32 to vector<16xi32>
      %add3A_161 = arith.addi %mul3A_158, %add3A_160 : vector<16xi32>
      %gather3A_162 = tpu.vector_load_idx %arg10[%add3A_161, %get3A_130] : memref<6656x8xf32, #tpu.memory_space<vmem>>[vector<16xi32>, vector<16xi32>], vector<16xf32>,
      %mul3A_163 = arith.constant 16 : i32
      %mul3A_164 = vector.broadcast %mul3A_163 : i32 to vector<16xi32>
      %mul3A_165 = arith.muli %add3A_125, %mul3A_164 : vector<16xi32>
      %add3A_166 = arith.constant 2 : i32
      %add3A_167 = vector.broadcast %add3A_166 : i32 to vector<16xi32>
      %add3A_168 = arith.addi %mul3A_165, %add3A_167 : vector<16xi32>
      tpu.vector_store_idx %arg11[%add3A_168], %gather3A_162 : memref<6656xf32, #tpu.memory_space<vmem>>[vector<16xi32>], vector<16xf32>,
      %mul3A_169 = arith.constant 16 : i32
      %mul3A_170 = vector.broadcast %mul3A_169 : i32 to vector<16xi32>
      %mul3A_171 = arith.muli %add3A_125, %mul3A_170 : vector<16xi32>
      %add3A_172 = arith.constant 3 : i32
      %add3A_173 = vector.broadcast %add3A_172 : i32 to vector<16xi32>
      %add3A_174 = arith.addi %mul3A_171, %add3A_173 : vector<16xi32>
      %gather3A_175 = tpu.vector_load_idx %arg10[%add3A_174, %get3A_130] : memref<6656x8xf32, #tpu.memory_space<vmem>>[vector<16xi32>, vector<16xi32>], vector<16xf32>,
      %mul3A_176 = arith.constant 16 : i32
      %mul3A_177 = vector.broadcast %mul3A_176 : i32 to vector<16xi32>
      %mul3A_178 = arith.muli %add3A_125, %mul3A_177 : vector<16xi32>
      %add3A_179 = arith.constant 3 : i32
      %add3A_180 = vector.broadcast %add3A_179 : i32 to vector<16xi32>
      %add3A_181 = arith.addi %mul3A_178, %add3A_180 : vector<16xi32>
      tpu.vector_store_idx %arg11[%add3A_181], %gather3A_175 : memref<6656xf32, #tpu.memory_space<vmem>>[vector<16xi32>], vector<16xf32>,
      %mul3A_182 = arith.constant 16 : i32
      %mul3A_183 = vector.broadcast %mul3A_182 : i32 to vector<16xi32>
      %mul3A_184 = arith.muli %add3A_125, %mul3A_183 : vector<16xi32>
      %add3A_185 = arith.constant 4 : i32
      %add3A_186 = vector.broadcast %add3A_185 : i32 to vector<16xi32>
      %add3A_187 = arith.addi %mul3A_184, %add3A_186 : vector<16xi32>
      %gather3A_188 = tpu.vector_load_idx %arg10[%add3A_187, %get3A_130] : memref<6656x8xf32, #tpu.memory_space<vmem>>[vector<16xi32>, vector<16xi32>], vector<16xf32>,
      %mul3A_189 = arith.constant 16 : i32
      %mul3A_190 = vector.broadcast %mul3A_189 : i32 to vector<16xi32>
      %mul3A_191 = arith.muli %add3A_125, %mul3A_190 : vector<16xi32>
      %add3A_192 = arith.constant 4 : i32
      %add3A_193 = vector.broadcast %add3A_192 : i32 to vector<16xi32>
      %add3A_194 = arith.addi %mul3A_191, %add3A_193 : vector<16xi32>
      tpu.vector_store_idx %arg11[%add3A_194], %gather3A_188 : memref<6656xf32, #tpu.memory_space<vmem>>[vector<16xi32>], vector<16xf32>,
      %mul3A_195 = arith.constant 16 : i32
      %mul3A_196 = vector.broadcast %mul3A_195 : i32 to vector<16xi32>
      %mul3A_197 = arith.muli %add3A_125, %mul3A_196 : vector<16xi32>
      %add3A_198 = arith.constant 5 : i32
      %add3A_199 = vector.broadcast %add3A_198 : i32 to vector<16xi32>
      %add3A_200 = arith.addi %mul3A_197, %add3A_199 : vector<16xi32>
      %gather3A_201 = tpu.vector_load_idx %arg10[%add3A_200, %get3A_130] : memref<6656x8xf32, #tpu.memory_space<vmem>>[vector<16xi32>, vector<16xi32>], vector<16xf32>,
      %mul3A_202 = arith.constant 16 : i32
      %mul3A_203 = vector.broadcast %mul3A_202 : i32 to vector<16xi32>
      %mul3A_204 = arith.muli %add3A_125, %mul3A_203 : vector<16xi32>
      %add3A_205 = arith.constant 5 : i32
      %add3A_206 = vector.broadcast %add3A_205 : i32 to vector<16xi32>
      %add3A_207 = arith.addi %mul3A_204, %add3A_206 : vector<16xi32>
      tpu.vector_store_idx %arg11[%add3A_207], %gather3A_201 : memref<6656xf32, #tpu.memory_space<vmem>>[vector<16xi32>], vector<16xf32>,
      %mul3A_208 = arith.constant 16 : i32
      %mul3A_209 = vector.broadcast %mul3A_208 : i32 to vector<16xi32>
      %mul3A_210 = arith.muli %add3A_125, %mul3A_209 : vector<16xi32>
      %add3A_211 = arith.constant 6 : i32
      %add3A_212 = vector.broadcast %add3A_211 : i32 to vector<16xi32>
      %add3A_213 = arith.addi %mul3A_210, %add3A_212 : vector<16xi32>
      %gather3A_214 = tpu.vector_load_idx %arg10[%add3A_213, %get3A_130] : memref<6656x8xf32, #tpu.memory_space<vmem>>[vector<16xi32>, vector<16xi32>], vector<16xf32>,
      %mul3A_215 = arith.constant 16 : i32
      %mul3A_216 = vector.broadcast %mul3A_215 : i32 to vector<16xi32>
      %mul3A_217 = arith.muli %add3A_125, %mul3A_216 : vector<16xi32>
      %add3A_218 = arith.constant 6 : i32
      %add3A_219 = vector.broadcast %add3A_218 : i32 to vector<16xi32>
      %add3A_220 = arith.addi %mul3A_217, %add3A_219 : vector<16xi32>
      tpu.vector_store_idx %arg11[%add3A_220], %gather3A_214 : memref<6656xf32, #tpu.memory_space<vmem>>[vector<16xi32>], vector<16xf32>,
      %mul3A_221 = arith.constant 16 : i32
      %mul3A_222 = vector.broadcast %mul3A_221 : i32 to vector<16xi32>
      %mul3A_223 = arith.muli %add3A_125, %mul3A_222 : vector<16xi32>
      %add3A_224 = arith.constant 7 : i32
      %add3A_225 = vector.broadcast %add3A_224 : i32 to vector<16xi32>
      %add3A_226 = arith.addi %mul3A_223, %add3A_225 : vector<16xi32>
      %gather3A_227 = tpu.vector_load_idx %arg10[%add3A_226, %get3A_130] : memref<6656x8xf32, #tpu.memory_space<vmem>>[vector<16xi32>, vector<16xi32>], vector<16xf32>,
      %mul3A_228 = arith.constant 16 : i32
      %mul3A_229 = vector.broadcast %mul3A_228 : i32 to vector<16xi32>
      %mul3A_230 = arith.muli %add3A_125, %mul3A_229 : vector<16xi32>
      %add3A_231 = arith.constant 7 : i32
      %add3A_232 = vector.broadcast %add3A_231 : i32 to vector<16xi32>
      %add3A_233 = arith.addi %mul3A_230, %add3A_232 : vector<16xi32>
      tpu.vector_store_idx %arg11[%add3A_233], %gather3A_227 : memref<6656xf32, #tpu.memory_space<vmem>>[vector<16xi32>], vector<16xf32>,
      %mul3A_234 = arith.constant 16 : i32
      %mul3A_235 = vector.broadcast %mul3A_234 : i32 to vector<16xi32>
      %mul3A_236 = arith.muli %add3A_125, %mul3A_235 : vector<16xi32>
      %add3A_237 = arith.constant 8 : i32
      %add3A_238 = vector.broadcast %add3A_237 : i32 to vector<16xi32>
      %add3A_239 = arith.addi %mul3A_236, %add3A_238 : vector<16xi32>
      %gather3A_240 = tpu.vector_load_idx %arg10[%add3A_239, %get3A_130] : memref<6656x8xf32, #tpu.memory_space<vmem>>[vector<16xi32>, vector<16xi32>], vector<16xf32>,
      %mul3A_241 = arith.constant 16 : i32
      %mul3A_242 = vector.broadcast %mul3A_241 : i32 to vector<16xi32>
      %mul3A_243 = arith.muli %add3A_125, %mul3A_242 : vector<16xi32>
      %add3A_244 = arith.constant 8 : i32
      %add3A_245 = vector.broadcast %add3A_244 : i32 to vector<16xi32>
      %add3A_246 = arith.addi %mul3A_243, %add3A_245 : vector<16xi32>
      tpu.vector_store_idx %arg11[%add3A_246], %gather3A_240 : memref<6656xf32, #tpu.memory_space<vmem>>[vector<16xi32>], vector<16xf32>,
      %mul3A_247 = arith.constant 16 : i32
      %mul3A_248 = vector.broadcast %mul3A_247 : i32 to vector<16xi32>
      %mul3A_249 = arith.muli %add3A_125, %mul3A_248 : vector<16xi32>
      %add3A_250 = arith.constant 9 : i32
      %add3A_251 = vector.broadcast %add3A_250 : i32 to vector<16xi32>
      %add3A_252 = arith.addi %mul3A_249, %add3A_251 : vector<16xi32>
      %gather3A_253 = tpu.vector_load_idx %arg10[%add3A_252, %get3A_130] : memref<6656x8xf32, #tpu.memory_space<vmem>>[vector<16xi32>, vector<16xi32>], vector<16xf32>,
      %mul3A_254 = arith.constant 16 : i32
      %mul3A_255 = vector.broadcast %mul3A_254 : i32 to vector<16xi32>
      %mul3A_256 = arith.muli %add3A_125, %mul3A_255 : vector<16xi32>
      %add3A_257 = arith.constant 9 : i32
      %add3A_258 = vector.broadcast %add3A_257 : i32 to vector<16xi32>
      %add3A_259 = arith.addi %mul3A_256, %add3A_258 : vector<16xi32>
      tpu.vector_store_idx %arg11[%add3A_259], %gather3A_253 : memref<6656xf32, #tpu.memory_space<vmem>>[vector<16xi32>], vector<16xf32>,
      %mul3A_260 = arith.constant 16 : i32
      %mul3A_261 = vector.broadcast %mul3A_260 : i32 to vector<16xi32>
      %mul3A_262 = arith.muli %add3A_125, %mul3A_261 : vector<16xi32>
      %add3A_263 = arith.constant 10 : i32
      %add3A_264 = vector.broadcast %add3A_263 : i32 to vector<16xi32>
      %add3A_265 = arith.addi %mul3A_262, %add3A_264 : vector<16xi32>
      %gather3A_266 = tpu.vector_load_idx %arg10[%add3A_265, %get3A_130] : memref<6656x8xf32, #tpu.memory_space<vmem>>[vector<16xi32>, vector<16xi32>], vector<16xf32>,
      %mul3A_267 = arith.constant 16 : i32
      %mul3A_268 = vector.broadcast %mul3A_267 : i32 to vector<16xi32>
      %mul3A_269 = arith.muli %add3A_125, %mul3A_268 : vector<16xi32>
      %add3A_270 = arith.constant 10 : i32
      %add3A_271 = vector.broadcast %add3A_270 : i32 to vector<16xi32>
      %add3A_272 = arith.addi %mul3A_269, %add3A_271 : vector<16xi32>
      tpu.vector_store_idx %arg11[%add3A_272], %gather3A_266 : memref<6656xf32, #tpu.memory_space<vmem>>[vector<16xi32>], vector<16xf32>,
      %mul3A_273 = arith.constant 16 : i32
      %mul3A_274 = vector.broadcast %mul3A_273 : i32 to vector<16xi32>
      %mul3A_275 = arith.muli %add3A_125, %mul3A_274 : vector<16xi32>
      %add3A_276 = arith.constant 11 : i32
      %add3A_277 = vector.broadcast %add3A_276 : i32 to vector<16xi32>
      %add3A_278 = arith.addi %mul3A_275, %add3A_277 : vector<16xi32>
      %gather3A_279 = tpu.vector_load_idx %arg10[%add3A_278, %get3A_130] : memref<6656x8xf32, #tpu.memory_space<vmem>>[vector<16xi32>, vector<16xi32>], vector<16xf32>,
      %mul3A_280 = arith.constant 16 : i32
      %mul3A_281 = vector.broadcast %mul3A_280 : i32 to vector<16xi32>
      %mul3A_282 = arith.muli %add3A_125, %mul3A_281 : vector<16xi32>
      %add3A_283 = arith.constant 11 : i32
      %add3A_284 = vector.broadcast %add3A_283 : i32 to vector<16xi32>
      %add3A_285 = arith.addi %mul3A_282, %add3A_284 : vector<16xi32>
      tpu.vector_store_idx %arg11[%add3A_285], %gather3A_279 : memref<6656xf32, #tpu.memory_space<vmem>>[vector<16xi32>], vector<16xf32>,
      %mul3A_286 = arith.constant 16 : i32
      %mul3A_287 = vector.broadcast %mul3A_286 : i32 to vector<16xi32>
      %mul3A_288 = arith.muli %add3A_125, %mul3A_287 : vector<16xi32>
      %add3A_289 = arith.constant 12 : i32
      %add3A_290 = vector.broadcast %add3A_289 : i32 to vector<16xi32>
      %add3A_291 = arith.addi %mul3A_288, %add3A_290 : vector<16xi32>
      %gather3A_292 = tpu.vector_load_idx %arg10[%add3A_291, %get3A_130] : memref<6656x8xf32, #tpu.memory_space<vmem>>[vector<16xi32>, vector<16xi32>], vector<16xf32>,
      %mul3A_293 = arith.constant 16 : i32
      %mul3A_294 = vector.broadcast %mul3A_293 : i32 to vector<16xi32>
      %mul3A_295 = arith.muli %add3A_125, %mul3A_294 : vector<16xi32>
      %add3A_296 = arith.constant 12 : i32
      %add3A_297 = vector.broadcast %add3A_296 : i32 to vector<16xi32>
      %add3A_298 = arith.addi %mul3A_295, %add3A_297 : vector<16xi32>
      tpu.vector_store_idx %arg11[%add3A_298], %gather3A_292 : memref<6656xf32, #tpu.memory_space<vmem>>[vector<16xi32>], vector<16xf32>,
      %mul3A_299 = arith.constant 16 : i32
      %mul3A_300 = vector.broadcast %mul3A_299 : i32 to vector<16xi32>
      %mul3A_301 = arith.muli %add3A_125, %mul3A_300 : vector<16xi32>
      %add3A_302 = arith.constant 13 : i32
      %add3A_303 = vector.broadcast %add3A_302 : i32 to vector<16xi32>
      %add3A_304 = arith.addi %mul3A_301, %add3A_303 : vector<16xi32>
      %gather3A_305 = tpu.vector_load_idx %arg10[%add3A_304, %get3A_130] : memref<6656x8xf32, #tpu.memory_space<vmem>>[vector<16xi32>, vector<16xi32>], vector<16xf32>,
      %mul3A_306 = arith.constant 16 : i32
      %mul3A_307 = vector.broadcast %mul3A_306 : i32 to vector<16xi32>
      %mul3A_308 = arith.muli %add3A_125, %mul3A_307 : vector<16xi32>
      %add3A_309 = arith.constant 13 : i32
      %add3A_310 = vector.broadcast %add3A_309 : i32 to vector<16xi32>
      %add3A_311 = arith.addi %mul3A_308, %add3A_310 : vector<16xi32>
      tpu.vector_store_idx %arg11[%add3A_311], %gather3A_305 : memref<6656xf32, #tpu.memory_space<vmem>>[vector<16xi32>], vector<16xf32>,
      %mul3A_312 = arith.constant 16 : i32
      %mul3A_313 = vector.broadcast %mul3A_312 : i32 to vector<16xi32>
      %mul3A_314 = arith.muli %add3A_125, %mul3A_313 : vector<16xi32>
      %add3A_315 = arith.constant 14 : i32
      %add3A_316 = vector.broadcast %add3A_315 : i32 to vector<16xi32>
      %add3A_317 = arith.addi %mul3A_314, %add3A_316 : vector<16xi32>
      %gather3A_318 = tpu.vector_load_idx %arg10[%add3A_317, %get3A_130] : memref<6656x8xf32, #tpu.memory_space<vmem>>[vector<16xi32>, vector<16xi32>], vector<16xf32>,
      %mul3A_319 = arith.constant 16 : i32
      %mul3A_320 = vector.broadcast %mul3A_319 : i32 to vector<16xi32>
      %mul3A_321 = arith.muli %add3A_125, %mul3A_320 : vector<16xi32>
      %add3A_322 = arith.constant 14 : i32
      %add3A_323 = vector.broadcast %add3A_322 : i32 to vector<16xi32>
      %add3A_324 = arith.addi %mul3A_321, %add3A_323 : vector<16xi32>
      tpu.vector_store_idx %arg11[%add3A_324], %gather3A_318 : memref<6656xf32, #tpu.memory_space<vmem>>[vector<16xi32>], vector<16xf32>,
      %mul3A_325 = arith.constant 16 : i32
      %mul3A_326 = vector.broadcast %mul3A_325 : i32 to vector<16xi32>
      %mul3A_327 = arith.muli %add3A_125, %mul3A_326 : vector<16xi32>
      %add3A_328 = arith.constant 15 : i32
      %add3A_329 = vector.broadcast %add3A_328 : i32 to vector<16xi32>
      %add3A_330 = arith.addi %mul3A_327, %add3A_329 : vector<16xi32>
      %gather3A_331 = tpu.vector_load_idx %arg10[%add3A_330, %get3A_130] : memref<6656x8xf32, #tpu.memory_space<vmem>>[vector<16xi32>, vector<16xi32>], vector<16xf32>,
      %mul3A_332 = arith.constant 16 : i32
      %mul3A_333 = vector.broadcast %mul3A_332 : i32 to vector<16xi32>
      %mul3A_334 = arith.muli %add3A_125, %mul3A_333 : vector<16xi32>
      %add3A_335 = arith.constant 15 : i32
      %add3A_336 = vector.broadcast %add3A_335 : i32 to vector<16xi32>
      %add3A_337 = arith.addi %mul3A_334, %add3A_336 : vector<16xi32>
      tpu.vector_store_idx %arg11[%add3A_337], %gather3A_331 : memref<6656xf32, #tpu.memory_space<vmem>>[vector<16xi32>], vector<16xf32>,
    }
    %scan3A_12 = arith.constant 26 : i32
    %run_scoped3A_13 = arith.constant 0 : i32
    "tpu.region"() ({
      %run_scoped3A_121 = tpu.sem_alloc : memref<!tpu.dma_semaphore, #tpu.memory_space<semaphore_mem>>
      %dma_start3A_122 = arith.constant 0 : i32
      %dma_start3A_123 = tpu.memref_slice %arg7[%add3A, %run_scoped3A_13, %dma_start3A_122] : memref<32x8x6656xf32, #tpu.memory_space<hbm>> -> memref<1x1x6656xf32, #tpu.memory_space<hbm>>
      %dma_start3A_124 = tpu.memref_squeeze %dma_start3A_123 : memref<1x1x6656xf32, #tpu.memory_space<hbm>> -> memref<6656xf32, #tpu.memory_space<hbm>>
      %dma_start3A_125 = arith.constant 0 : i32
      %dma_start3A_126 = tpu.memref_slice %arg7[%add3A, %run_scoped3A_13, %dma_start3A_125] : memref<32x8x6656xf32, #tpu.memory_space<hbm>> -> memref<1x1x6656xf32, #tpu.memory_space<hbm>>
      %dma_start3A_127 = tpu.memref_squeeze %dma_start3A_126 : memref<1x1x6656xf32, #tpu.memory_space<hbm>> -> memref<6656xf32, #tpu.memory_space<hbm>>
      tpu.enqueue_dma source(%arg11 : memref<6656xf32, #tpu.memory_space<vmem>>) target(%dma_start3A_127 : memref<6656xf32, #tpu.memory_space<hbm>>) target_semaphore(%run_scoped3A_121 : memref<!tpu.dma_semaphore, #tpu.memory_space<semaphore_mem>>)
      %dma_wait3A_128 = arith.constant 0 : i32
      %dma_wait3A_129 = tpu.memref_slice %arg7[%add3A, %run_scoped3A_13, %dma_wait3A_128] : memref<32x8x6656xf32, #tpu.memory_space<hbm>> -> memref<1x1x6656xf32, #tpu.memory_space<hbm>>
      %dma_wait3A_130 = tpu.memref_squeeze %dma_wait3A_129 : memref<1x1x6656xf32, #tpu.memory_space<hbm>> -> memref<6656xf32, #tpu.memory_space<hbm>>
      %dma_wait3A_131 = arith.constant 0 : i32
      %dma_wait3A_132 = tpu.memref_slice %arg7[%add3A, %run_scoped3A_13, %dma_wait3A_131] : memref<32x8x6656xf32, #tpu.memory_space<hbm>> -> memref<1x1x6656xf32, #tpu.memory_space<hbm>>
      %dma_wait3A_133 = tpu.memref_squeeze %dma_wait3A_132 : memref<1x1x6656xf32, #tpu.memory_space<hbm>> -> memref<6656xf32, #tpu.memory_space<hbm>>
      tpu.wait_dma2 semaphore(%run_scoped3A_121 : memref<!tpu.dma_semaphore, #tpu.memory_space<semaphore_mem>>) src(%arg11 : memref<6656xf32, #tpu.memory_space<vmem>>) dst(%dma_wait3A_133 : memref<6656xf32, #tpu.memory_space<hbm>>)
      tpu.yield
    }) : () -> ()
    %run_scoped3A_14 = arith.constant 1 : i32
    "tpu.region"() ({
      %run_scoped3A_121 = tpu.sem_alloc : memref<!tpu.dma_semaphore, #tpu.memory_space<semaphore_mem>>
      %dma_start3A_122 = arith.constant 0 : i32
      %dma_start3A_123 = tpu.memref_slice %arg2[%add3A, %run_scoped3A_14, %dma_start3A_122] : memref<32x8x6656xi32, #tpu.memory_space<hbm>> -> memref<1x1x6656xi32, #tpu.memory_space<hbm>>
      %dma_start3A_124 = tpu.memref_squeeze %dma_start3A_123 : memref<1x1x6656xi32, #tpu.memory_space<hbm>> -> memref<6656xi32, #tpu.memory_space<hbm>>
      %dma_start3A_125 = arith.constant 0 : i32
      %dma_start3A_126 = tpu.memref_slice %arg2[%add3A, %run_scoped3A_14, %dma_start3A_125] : memref<32x8x6656xi32, #tpu.memory_space<hbm>> -> memref<1x1x6656xi32, #tpu.memory_space<hbm>>
      %dma_start3A_127 = tpu.memref_squeeze %dma_start3A_126 : memref<1x1x6656xi32, #tpu.memory_space<hbm>> -> memref<6656xi32, #tpu.memory_space<hbm>>
      tpu.enqueue_dma source(%dma_start3A_127 : memref<6656xi32, #tpu.memory_space<hbm>>) target(%arg9 : memref<6656xi32, #tpu.memory_space<vmem>>) target_semaphore(%run_scoped3A_121 : memref<!tpu.dma_semaphore, #tpu.memory_space<semaphore_mem>>)
      %dma_wait3A_128 = arith.constant 0 : i32
      %dma_wait3A_129 = tpu.memref_slice %arg2[%add3A, %run_scoped3A_14, %dma_wait3A_128] : memref<32x8x6656xi32, #tpu.memory_space<hbm>> -> memref<1x1x6656xi32, #tpu.memory_space<hbm>>
      %dma_wait3A_130 = tpu.memref_squeeze %dma_wait3A_129 : memref<1x1x6656xi32, #tpu.memory_space<hbm>> -> memref<6656xi32, #tpu.memory_space<hbm>>
      %dma_wait3A_131 = arith.constant 0 : i32
      %dma_wait3A_132 = tpu.memref_slice %arg2[%add3A, %run_scoped3A_14, %dma_wait3A_131] : memref<32x8x6656xi32, #tpu.memory_space<hbm>> -> memref<1x1x6656xi32, #tpu.memory_space<hbm>>
      %dma_wait3A_133 = tpu.memref_squeeze %dma_wait3A_132 : memref<1x1x6656xi32, #tpu.memory_space<hbm>> -> memref<6656xi32, #tpu.memory_space<hbm>>
      tpu.wait_dma2 semaphore(%run_scoped3A_121 : memref<!tpu.dma_semaphore, #tpu.memory_space<semaphore_mem>>) src(%dma_wait3A_133 : memref<6656xi32, #tpu.memory_space<hbm>>) dst(%arg9 : memref<6656xi32, #tpu.memory_space<vmem>>)
      tpu.yield
    }) : () -> ()
    %dma_start3A_15 = arith.constant 0 : i32
    %dma_start3A_16 = arith.constant 0 : i32
    %dma_start3A_17 = tpu.memref_slice %arg5[%dma_start3A_15, %dma_start3A_16] : memref<5200000x8xf32, #tpu.memory_space<hbm>> -> memref<5200000x8xf32, #tpu.memory_space<hbm>>
    tpu.enqueue_indirect_dma source(%dma_start3A_17 : memref<5200000x8xf32, #tpu.memory_space<hbm>>) target(%arg10 : memref<6656x8xf32, #tpu.memory_space<vmem>>) offsets(%arg9 : memref<6656xi32, #tpu.memory_space<vmem>>) semaphore(%arg16 : memref<!tpu.dma_semaphore, #tpu.memory_space<semaphore_mem>>)
    %dma_wait3A_18 = arith.constant 0 : i32
    %dma_wait3A_19 = arith.constant 0 : i32
    %dma_wait3A_20 = tpu.memref_slice %arg5[%dma_wait3A_18, %dma_wait3A_19] : memref<5200000x8xf32, #tpu.memory_space<hbm>> -> memref<5200000x8xf32, #tpu.memory_space<hbm>>
    tpu.wait_indirect_dma semaphore(%arg16 : memref<!tpu.dma_semaphore, #tpu.memory_space<semaphore_mem>>) src(%dma_wait3A_20 : memref<5200000x8xf32, #tpu.memory_space<hbm>>) dst(%arg10 : memref<6656x8xf32, #tpu.memory_space<vmem>>)
    %scan3A_21 = arith.constant 0 : i32
    %scan3A_22 = arith.constant 0 : i32
    %scan3A_23 = arith.constant 26 : i32
    %scan3A_24 = arith.addi %scan3A_22, %scan3A_23 : i32
    %scan3A_25 = arith.constant 1 : i32
    scf.for %scan3A_121 = %scan3A_22 to %scan3A_24 step %scan3A_25  : i32 {
      %mul3A_122 = arith.constant 16 : i32
      %mul3A_123 = arith.muli %scan3A_121, %mul3A_122 : i32
      %add3A_124 = vector.broadcast %mul3A_123 : i32 to vector<16xi32>
      %add3A_125 = arith.addi %add3A_124, %iota3A : vector<16xi32>
      %mul3A_126 = arith.constant 16 : i32
      %mul3A_127 = arith.muli %scan3A_121, %mul3A_126 : i32
      %add3A_128 = arith.constant 416 : i32
      %add3A_129 = arith.addi %add3A_128, %mul3A_127 : i32
      %get3A = arith.index_cast %add3A_129 : i32 to index
      %get3A_130 = tpu.vector_load %arg14[%get3A] {strides = array<i32>} : memref<3328xi32, #tpu.memory_space<vmem>>, vector<16xi32>,
      %mul3A_131 = arith.constant 16 : i32
      %mul3A_132 = vector.broadcast %mul3A_131 : i32 to vector<16xi32>
      %mul3A_133 = arith.muli %add3A_125, %mul3A_132 : vector<16xi32>
      %add3A_134 = arith.constant 0 : i32
      %add3A_135 = vector.broadcast %add3A_134 : i32 to vector<16xi32>
      %add3A_136 = arith.addi %mul3A_133, %add3A_135 : vector<16xi32>
      %gather3A = tpu.vector_load_idx %arg10[%add3A_136, %get3A_130] : memref<6656x8xf32, #tpu.memory_space<vmem>>[vector<16xi32>, vector<16xi32>], vector<16xf32>,
      %mul3A_137 = arith.constant 16 : i32
      %mul3A_138 = vector.broadcast %mul3A_137 : i32 to vector<16xi32>
      %mul3A_139 = arith.muli %add3A_125, %mul3A_138 : vector<16xi32>
      %add3A_140 = arith.constant 0 : i32
      %add3A_141 = vector.broadcast %add3A_140 : i32 to vector<16xi32>
      %add3A_142 = arith.addi %mul3A_139, %add3A_141 : vector<16xi32>
      tpu.vector_store_idx %arg11[%add3A_142], %gather3A : memref<6656xf32, #tpu.memory_space<vmem>>[vector<16xi32>], vector<16xf32>,
      %mul3A_143 = arith.constant 16 : i32
      %mul3A_144 = vector.broadcast %mul3A_143 : i32 to vector<16xi32>
      %mul3A_145 = arith.muli %add3A_125, %mul3A_144 : vector<16xi32>
      %add3A_146 = arith.constant 1 : i32
      %add3A_147 = vector.broadcast %add3A_146 : i32 to vector<16xi32>
      %add3A_148 = arith.addi %mul3A_145, %add3A_147 : vector<16xi32>
      %gather3A_149 = tpu.vector_load_idx %arg10[%add3A_148, %get3A_130] : memref<6656x8xf32, #tpu.memory_space<vmem>>[vector<16xi32>, vector<16xi32>], vector<16xf32>,
      %mul3A_150 = arith.constant 16 : i32
      %mul3A_151 = vector.broadcast %mul3A_150 : i32 to vector<16xi32>
      %mul3A_152 = arith.muli %add3A_125, %mul3A_151 : vector<16xi32>
      %add3A_153 = arith.constant 1 : i32
      %add3A_154 = vector.broadcast %add3A_153 : i32 to vector<16xi32>
      %add3A_155 = arith.addi %mul3A_152, %add3A_154 : vector<16xi32>
      tpu.vector_store_idx %arg11[%add3A_155], %gather3A_149 : memref<6656xf32, #tpu.memory_space<vmem>>[vector<16xi32>], vector<16xf32>,
      %mul3A_156 = arith.constant 16 : i32
      %mul3A_157 = vector.broadcast %mul3A_156 : i32 to vector<16xi32>
      %mul3A_158 = arith.muli %add3A_125, %mul3A_157 : vector<16xi32>
      %add3A_159 = arith.constant 2 : i32
      %add3A_160 = vector.broadcast %add3A_159 : i32 to vector<16xi32>
      %add3A_161 = arith.addi %mul3A_158, %add3A_160 : vector<16xi32>
      %gather3A_162 = tpu.vector_load_idx %arg10[%add3A_161, %get3A_130] : memref<6656x8xf32, #tpu.memory_space<vmem>>[vector<16xi32>, vector<16xi32>], vector<16xf32>,
      %mul3A_163 = arith.constant 16 : i32
      %mul3A_164 = vector.broadcast %mul3A_163 : i32 to vector<16xi32>
      %mul3A_165 = arith.muli %add3A_125, %mul3A_164 : vector<16xi32>
      %add3A_166 = arith.constant 2 : i32
      %add3A_167 = vector.broadcast %add3A_166 : i32 to vector<16xi32>
      %add3A_168 = arith.addi %mul3A_165, %add3A_167 : vector<16xi32>
      tpu.vector_store_idx %arg11[%add3A_168], %gather3A_162 : memref<6656xf32, #tpu.memory_space<vmem>>[vector<16xi32>], vector<16xf32>,
      %mul3A_169 = arith.constant 16 : i32
      %mul3A_170 = vector.broadcast %mul3A_169 : i32 to vector<16xi32>
      %mul3A_171 = arith.muli %add3A_125, %mul3A_170 : vector<16xi32>
      %add3A_172 = arith.constant 3 : i32
      %add3A_173 = vector.broadcast %add3A_172 : i32 to vector<16xi32>
      %add3A_174 = arith.addi %mul3A_171, %add3A_173 : vector<16xi32>
      %gather3A_175 = tpu.vector_load_idx %arg10[%add3A_174, %get3A_130] : memref<6656x8xf32, #tpu.memory_space<vmem>>[vector<16xi32>, vector<16xi32>], vector<16xf32>,
      %mul3A_176 = arith.constant 16 : i32
      %mul3A_177 = vector.broadcast %mul3A_176 : i32 to vector<16xi32>
      %mul3A_178 = arith.muli %add3A_125, %mul3A_177 : vector<16xi32>
      %add3A_179 = arith.constant 3 : i32
      %add3A_180 = vector.broadcast %add3A_179 : i32 to vector<16xi32>
      %add3A_181 = arith.addi %mul3A_178, %add3A_180 : vector<16xi32>
      tpu.vector_store_idx %arg11[%add3A_181], %gather3A_175 : memref<6656xf32, #tpu.memory_space<vmem>>[vector<16xi32>], vector<16xf32>,
      %mul3A_182 = arith.constant 16 : i32
      %mul3A_183 = vector.broadcast %mul3A_182 : i32 to vector<16xi32>
      %mul3A_184 = arith.muli %add3A_125, %mul3A_183 : vector<16xi32>
      %add3A_185 = arith.constant 4 : i32
      %add3A_186 = vector.broadcast %add3A_185 : i32 to vector<16xi32>
      %add3A_187 = arith.addi %mul3A_184, %add3A_186 : vector<16xi32>
      %gather3A_188 = tpu.vector_load_idx %arg10[%add3A_187, %get3A_130] : memref<6656x8xf32, #tpu.memory_space<vmem>>[vector<16xi32>, vector<16xi32>], vector<16xf32>,
      %mul3A_189 = arith.constant 16 : i32
      %mul3A_190 = vector.broadcast %mul3A_189 : i32 to vector<16xi32>
      %mul3A_191 = arith.muli %add3A_125, %mul3A_190 : vector<16xi32>
      %add3A_192 = arith.constant 4 : i32
      %add3A_193 = vector.broadcast %add3A_192 : i32 to vector<16xi32>
      %add3A_194 = arith.addi %mul3A_191, %add3A_193 : vector<16xi32>
      tpu.vector_store_idx %arg11[%add3A_194], %gather3A_188 : memref<6656xf32, #tpu.memory_space<vmem>>[vector<16xi32>], vector<16xf32>,
      %mul3A_195 = arith.constant 16 : i32
      %mul3A_196 = vector.broadcast %mul3A_195 : i32 to vector<16xi32>
      %mul3A_197 = arith.muli %add3A_125, %mul3A_196 : vector<16xi32>
      %add3A_198 = arith.constant 5 : i32
      %add3A_199 = vector.broadcast %add3A_198 : i32 to vector<16xi32>
      %add3A_200 = arith.addi %mul3A_197, %add3A_199 : vector<16xi32>
      %gather3A_201 = tpu.vector_load_idx %arg10[%add3A_200, %get3A_130] : memref<6656x8xf32, #tpu.memory_space<vmem>>[vector<16xi32>, vector<16xi32>], vector<16xf32>,
      %mul3A_202 = arith.constant 16 : i32
      %mul3A_203 = vector.broadcast %mul3A_202 : i32 to vector<16xi32>
      %mul3A_204 = arith.muli %add3A_125, %mul3A_203 : vector<16xi32>
      %add3A_205 = arith.constant 5 : i32
      %add3A_206 = vector.broadcast %add3A_205 : i32 to vector<16xi32>
      %add3A_207 = arith.addi %mul3A_204, %add3A_206 : vector<16xi32>
      tpu.vector_store_idx %arg11[%add3A_207], %gather3A_201 : memref<6656xf32, #tpu.memory_space<vmem>>[vector<16xi32>], vector<16xf32>,
      %mul3A_208 = arith.constant 16 : i32
      %mul3A_209 = vector.broadcast %mul3A_208 : i32 to vector<16xi32>
      %mul3A_210 = arith.muli %add3A_125, %mul3A_209 : vector<16xi32>
      %add3A_211 = arith.constant 6 : i32
      %add3A_212 = vector.broadcast %add3A_211 : i32 to vector<16xi32>
      %add3A_213 = arith.addi %mul3A_210, %add3A_212 : vector<16xi32>
      %gather3A_214 = tpu.vector_load_idx %arg10[%add3A_213, %get3A_130] : memref<6656x8xf32, #tpu.memory_space<vmem>>[vector<16xi32>, vector<16xi32>], vector<16xf32>,
      %mul3A_215 = arith.constant 16 : i32
      %mul3A_216 = vector.broadcast %mul3A_215 : i32 to vector<16xi32>
      %mul3A_217 = arith.muli %add3A_125, %mul3A_216 : vector<16xi32>
      %add3A_218 = arith.constant 6 : i32
      %add3A_219 = vector.broadcast %add3A_218 : i32 to vector<16xi32>
      %add3A_220 = arith.addi %mul3A_217, %add3A_219 : vector<16xi32>
      tpu.vector_store_idx %arg11[%add3A_220], %gather3A_214 : memref<6656xf32, #tpu.memory_space<vmem>>[vector<16xi32>], vector<16xf32>,
      %mul3A_221 = arith.constant 16 : i32
      %mul3A_222 = vector.broadcast %mul3A_221 : i32 to vector<16xi32>
      %mul3A_223 = arith.muli %add3A_125, %mul3A_222 : vector<16xi32>
      %add3A_224 = arith.constant 7 : i32
      %add3A_225 = vector.broadcast %add3A_224 : i32 to vector<16xi32>
      %add3A_226 = arith.addi %mul3A_223, %add3A_225 : vector<16xi32>
      %gather3A_227 = tpu.vector_load_idx %arg10[%add3A_226, %get3A_130] : memref<6656x8xf32, #tpu.memory_space<vmem>>[vector<16xi32>, vector<16xi32>], vector<16xf32>,
      %mul3A_228 = arith.constant 16 : i32
      %mul3A_229 = vector.broadcast %mul3A_228 : i32 to vector<16xi32>
      %mul3A_230 = arith.muli %add3A_125, %mul3A_229 : vector<16xi32>
      %add3A_231 = arith.constant 7 : i32
      %add3A_232 = vector.broadcast %add3A_231 : i32 to vector<16xi32>
      %add3A_233 = arith.addi %mul3A_230, %add3A_232 : vector<16xi32>
      tpu.vector_store_idx %arg11[%add3A_233], %gather3A_227 : memref<6656xf32, #tpu.memory_space<vmem>>[vector<16xi32>], vector<16xf32>,
      %mul3A_234 = arith.constant 16 : i32
      %mul3A_235 = vector.broadcast %mul3A_234 : i32 to vector<16xi32>
      %mul3A_236 = arith.muli %add3A_125, %mul3A_235 : vector<16xi32>
      %add3A_237 = arith.constant 8 : i32
      %add3A_238 = vector.broadcast %add3A_237 : i32 to vector<16xi32>
      %add3A_239 = arith.addi %mul3A_236, %add3A_238 : vector<16xi32>
      %gather3A_240 = tpu.vector_load_idx %arg10[%add3A_239, %get3A_130] : memref<6656x8xf32, #tpu.memory_space<vmem>>[vector<16xi32>, vector<16xi32>], vector<16xf32>,
      %mul3A_241 = arith.constant 16 : i32
      %mul3A_242 = vector.broadcast %mul3A_241 : i32 to vector<16xi32>
      %mul3A_243 = arith.muli %add3A_125, %mul3A_242 : vector<16xi32>
      %add3A_244 = arith.constant 8 : i32
      %add3A_245 = vector.broadcast %add3A_244 : i32 to vector<16xi32>
      %add3A_246 = arith.addi %mul3A_243, %add3A_245 : vector<16xi32>
      tpu.vector_store_idx %arg11[%add3A_246], %gather3A_240 : memref<6656xf32, #tpu.memory_space<vmem>>[vector<16xi32>], vector<16xf32>,
      %mul3A_247 = arith.constant 16 : i32
      %mul3A_248 = vector.broadcast %mul3A_247 : i32 to vector<16xi32>
      %mul3A_249 = arith.muli %add3A_125, %mul3A_248 : vector<16xi32>
      %add3A_250 = arith.constant 9 : i32
      %add3A_251 = vector.broadcast %add3A_250 : i32 to vector<16xi32>
      %add3A_252 = arith.addi %mul3A_249, %add3A_251 : vector<16xi32>
      %gather3A_253 = tpu.vector_load_idx %arg10[%add3A_252, %get3A_130] : memref<6656x8xf32, #tpu.memory_space<vmem>>[vector<16xi32>, vector<16xi32>], vector<16xf32>,
      %mul3A_254 = arith.constant 16 : i32
      %mul3A_255 = vector.broadcast %mul3A_254 : i32 to vector<16xi32>
      %mul3A_256 = arith.muli %add3A_125, %mul3A_255 : vector<16xi32>
      %add3A_257 = arith.constant 9 : i32
      %add3A_258 = vector.broadcast %add3A_257 : i32 to vector<16xi32>
      %add3A_259 = arith.addi %mul3A_256, %add3A_258 : vector<16xi32>
      tpu.vector_store_idx %arg11[%add3A_259], %gather3A_253 : memref<6656xf32, #tpu.memory_space<vmem>>[vector<16xi32>], vector<16xf32>,
      %mul3A_260 = arith.constant 16 : i32
      %mul3A_261 = vector.broadcast %mul3A_260 : i32 to vector<16xi32>
      %mul3A_262 = arith.muli %add3A_125, %mul3A_261 : vector<16xi32>
      %add3A_263 = arith.constant 10 : i32
      %add3A_264 = vector.broadcast %add3A_263 : i32 to vector<16xi32>
      %add3A_265 = arith.addi %mul3A_262, %add3A_264 : vector<16xi32>
      %gather3A_266 = tpu.vector_load_idx %arg10[%add3A_265, %get3A_130] : memref<6656x8xf32, #tpu.memory_space<vmem>>[vector<16xi32>, vector<16xi32>], vector<16xf32>,
      %mul3A_267 = arith.constant 16 : i32
      %mul3A_268 = vector.broadcast %mul3A_267 : i32 to vector<16xi32>
      %mul3A_269 = arith.muli %add3A_125, %mul3A_268 : vector<16xi32>
      %add3A_270 = arith.constant 10 : i32
      %add3A_271 = vector.broadcast %add3A_270 : i32 to vector<16xi32>
      %add3A_272 = arith.addi %mul3A_269, %add3A_271 : vector<16xi32>
      tpu.vector_store_idx %arg11[%add3A_272], %gather3A_266 : memref<6656xf32, #tpu.memory_space<vmem>>[vector<16xi32>], vector<16xf32>,
      %mul3A_273 = arith.constant 16 : i32
      %mul3A_274 = vector.broadcast %mul3A_273 : i32 to vector<16xi32>
      %mul3A_275 = arith.muli %add3A_125, %mul3A_274 : vector<16xi32>
      %add3A_276 = arith.constant 11 : i32
      %add3A_277 = vector.broadcast %add3A_276 : i32 to vector<16xi32>
      %add3A_278 = arith.addi %mul3A_275, %add3A_277 : vector<16xi32>
      %gather3A_279 = tpu.vector_load_idx %arg10[%add3A_278, %get3A_130] : memref<6656x8xf32, #tpu.memory_space<vmem>>[vector<16xi32>, vector<16xi32>], vector<16xf32>,
      %mul3A_280 = arith.constant 16 : i32
      %mul3A_281 = vector.broadcast %mul3A_280 : i32 to vector<16xi32>
      %mul3A_282 = arith.muli %add3A_125, %mul3A_281 : vector<16xi32>
      %add3A_283 = arith.constant 11 : i32
      %add3A_284 = vector.broadcast %add3A_283 : i32 to vector<16xi32>
      %add3A_285 = arith.addi %mul3A_282, %add3A_284 : vector<16xi32>
      tpu.vector_store_idx %arg11[%add3A_285], %gather3A_279 : memref<6656xf32, #tpu.memory_space<vmem>>[vector<16xi32>], vector<16xf32>,
      %mul3A_286 = arith.constant 16 : i32
      %mul3A_287 = vector.broadcast %mul3A_286 : i32 to vector<16xi32>
      %mul3A_288 = arith.muli %add3A_125, %mul3A_287 : vector<16xi32>
      %add3A_289 = arith.constant 12 : i32
      %add3A_290 = vector.broadcast %add3A_289 : i32 to vector<16xi32>
      %add3A_291 = arith.addi %mul3A_288, %add3A_290 : vector<16xi32>
      %gather3A_292 = tpu.vector_load_idx %arg10[%add3A_291, %get3A_130] : memref<6656x8xf32, #tpu.memory_space<vmem>>[vector<16xi32>, vector<16xi32>], vector<16xf32>,
      %mul3A_293 = arith.constant 16 : i32
      %mul3A_294 = vector.broadcast %mul3A_293 : i32 to vector<16xi32>
      %mul3A_295 = arith.muli %add3A_125, %mul3A_294 : vector<16xi32>
      %add3A_296 = arith.constant 12 : i32
      %add3A_297 = vector.broadcast %add3A_296 : i32 to vector<16xi32>
      %add3A_298 = arith.addi %mul3A_295, %add3A_297 : vector<16xi32>
      tpu.vector_store_idx %arg11[%add3A_298], %gather3A_292 : memref<6656xf32, #tpu.memory_space<vmem>>[vector<16xi32>], vector<16xf32>,
      %mul3A_299 = arith.constant 16 : i32
      %mul3A_300 = vector.broadcast %mul3A_299 : i32 to vector<16xi32>
      %mul3A_301 = arith.muli %add3A_125, %mul3A_300 : vector<16xi32>
      %add3A_302 = arith.constant 13 : i32
      %add3A_303 = vector.broadcast %add3A_302 : i32 to vector<16xi32>
      %add3A_304 = arith.addi %mul3A_301, %add3A_303 : vector<16xi32>
      %gather3A_305 = tpu.vector_load_idx %arg10[%add3A_304, %get3A_130] : memref<6656x8xf32, #tpu.memory_space<vmem>>[vector<16xi32>, vector<16xi32>], vector<16xf32>,
      %mul3A_306 = arith.constant 16 : i32
      %mul3A_307 = vector.broadcast %mul3A_306 : i32 to vector<16xi32>
      %mul3A_308 = arith.muli %add3A_125, %mul3A_307 : vector<16xi32>
      %add3A_309 = arith.constant 13 : i32
      %add3A_310 = vector.broadcast %add3A_309 : i32 to vector<16xi32>
      %add3A_311 = arith.addi %mul3A_308, %add3A_310 : vector<16xi32>
      tpu.vector_store_idx %arg11[%add3A_311], %gather3A_305 : memref<6656xf32, #tpu.memory_space<vmem>>[vector<16xi32>], vector<16xf32>,
      %mul3A_312 = arith.constant 16 : i32
      %mul3A_313 = vector.broadcast %mul3A_312 : i32 to vector<16xi32>
      %mul3A_314 = arith.muli %add3A_125, %mul3A_313 : vector<16xi32>
      %add3A_315 = arith.constant 14 : i32
      %add3A_316 = vector.broadcast %add3A_315 : i32 to vector<16xi32>
      %add3A_317 = arith.addi %mul3A_314, %add3A_316 : vector<16xi32>
      %gather3A_318 = tpu.vector_load_idx %arg10[%add3A_317, %get3A_130] : memref<6656x8xf32, #tpu.memory_space<vmem>>[vector<16xi32>, vector<16xi32>], vector<16xf32>,
      %mul3A_319 = arith.constant 16 : i32
      %mul3A_320 = vector.broadcast %mul3A_319 : i32 to vector<16xi32>
      %mul3A_321 = arith.muli %add3A_125, %mul3A_320 : vector<16xi32>
      %add3A_322 = arith.constant 14 : i32
      %add3A_323 = vector.broadcast %add3A_322 : i32 to vector<16xi32>
      %add3A_324 = arith.addi %mul3A_321, %add3A_323 : vector<16xi32>
      tpu.vector_store_idx %arg11[%add3A_324], %gather3A_318 : memref<6656xf32, #tpu.memory_space<vmem>>[vector<16xi32>], vector<16xf32>,
      %mul3A_325 = arith.constant 16 : i32
      %mul3A_326 = vector.broadcast %mul3A_325 : i32 to vector<16xi32>
      %mul3A_327 = arith.muli %add3A_125, %mul3A_326 : vector<16xi32>
      %add3A_328 = arith.constant 15 : i32
      %add3A_329 = vector.broadcast %add3A_328 : i32 to vector<16xi32>
      %add3A_330 = arith.addi %mul3A_327, %add3A_329 : vector<16xi32>
      %gather3A_331 = tpu.vector_load_idx %arg10[%add3A_330, %get3A_130] : memref<6656x8xf32, #tpu.memory_space<vmem>>[vector<16xi32>, vector<16xi32>], vector<16xf32>,
      %mul3A_332 = arith.constant 16 : i32
      %mul3A_333 = vector.broadcast %mul3A_332 : i32 to vector<16xi32>
      %mul3A_334 = arith.muli %add3A_125, %mul3A_333 : vector<16xi32>
      %add3A_335 = arith.constant 15 : i32
      %add3A_336 = vector.broadcast %add3A_335 : i32 to vector<16xi32>
      %add3A_337 = arith.addi %mul3A_334, %add3A_336 : vector<16xi32>
      tpu.vector_store_idx %arg11[%add3A_337], %gather3A_331 : memref<6656xf32, #tpu.memory_space<vmem>>[vector<16xi32>], vector<16xf32>,
    }
    %scan3A_26 = arith.constant 26 : i32
    %run_scoped3A_27 = arith.constant 1 : i32
    "tpu.region"() ({
      %run_scoped3A_121 = tpu.sem_alloc : memref<!tpu.dma_semaphore, #tpu.memory_space<semaphore_mem>>
      %dma_start3A_122 = arith.constant 0 : i32
      %dma_start3A_123 = tpu.memref_slice %arg7[%add3A, %run_scoped3A_27, %dma_start3A_122] : memref<32x8x6656xf32, #tpu.memory_space<hbm>> -> memref<1x1x6656xf32, #tpu.memory_space<hbm>>
      %dma_start3A_124 = tpu.memref_squeeze %dma_start3A_123 : memref<1x1x6656xf32, #tpu.memory_space<hbm>> -> memref<6656xf32, #tpu.memory_space<hbm>>
      %dma_start3A_125 = arith.constant 0 : i32
      %dma_start3A_126 = tpu.memref_slice %arg7[%add3A, %run_scoped3A_27, %dma_start3A_125] : memref<32x8x6656xf32, #tpu.memory_space<hbm>> -> memref<1x1x6656xf32, #tpu.memory_space<hbm>>
      %dma_start3A_127 = tpu.memref_squeeze %dma_start3A_126 : memref<1x1x6656xf32, #tpu.memory_space<hbm>> -> memref<6656xf32, #tpu.memory_space<hbm>>
      tpu.enqueue_dma source(%arg11 : memref<6656xf32, #tpu.memory_space<vmem>>) target(%dma_start3A_127 : memref<6656xf32, #tpu.memory_space<hbm>>) target_semaphore(%run_scoped3A_121 : memref<!tpu.dma_semaphore, #tpu.memory_space<semaphore_mem>>)
      %dma_wait3A_128 = arith.constant 0 : i32
      %dma_wait3A_129 = tpu.memref_slice %arg7[%add3A, %run_scoped3A_27, %dma_wait3A_128] : memref<32x8x6656xf32, #tpu.memory_space<hbm>> -> memref<1x1x6656xf32, #tpu.memory_space<hbm>>
      %dma_wait3A_130 = tpu.memref_squeeze %dma_wait3A_129 : memref<1x1x6656xf32, #tpu.memory_space<hbm>> -> memref<6656xf32, #tpu.memory_space<hbm>>
      %dma_wait3A_131 = arith.constant 0 : i32
      %dma_wait3A_132 = tpu.memref_slice %arg7[%add3A, %run_scoped3A_27, %dma_wait3A_131] : memref<32x8x6656xf32, #tpu.memory_space<hbm>> -> memref<1x1x6656xf32, #tpu.memory_space<hbm>>
      %dma_wait3A_133 = tpu.memref_squeeze %dma_wait3A_132 : memref<1x1x6656xf32, #tpu.memory_space<hbm>> -> memref<6656xf32, #tpu.memory_space<hbm>>
      tpu.wait_dma2 semaphore(%run_scoped3A_121 : memref<!tpu.dma_semaphore, #tpu.memory_space<semaphore_mem>>) src(%arg11 : memref<6656xf32, #tpu.memory_space<vmem>>) dst(%dma_wait3A_133 : memref<6656xf32, #tpu.memory_space<hbm>>)
      tpu.yield
    }) : () -> ()
    %run_scoped3A_28 = arith.constant 2 : i32
    "tpu.region"() ({
      %run_scoped3A_121 = tpu.sem_alloc : memref<!tpu.dma_semaphore, #tpu.memory_space<semaphore_mem>>
      %dma_start3A_122 = arith.constant 0 : i32
      %dma_start3A_123 = tpu.memref_slice %arg2[%add3A, %run_scoped3A_28, %dma_start3A_122] : memref<32x8x6656xi32, #tpu.memory_space<hbm>> -> memref<1x1x6656xi32, #tpu.memory_space<hbm>>
      %dma_start3A_124 = tpu.memref_squeeze %dma_start3A_123 : memref<1x1x6656xi32, #tpu.memory_space<hbm>> -> memref<6656xi32, #tpu.memory_space<hbm>>
      %dma_start3A_125 = arith.constant 0 : i32
      %dma_start3A_126 = tpu.memref_slice %arg2[%add3A, %run_scoped3A_28, %dma_start3A_125] : memref<32x8x6656xi32, #tpu.memory_space<hbm>> -> memref<1x1x6656xi32, #tpu.memory_space<hbm>>
      %dma_start3A_127 = tpu.memref_squeeze %dma_start3A_126 : memref<1x1x6656xi32, #tpu.memory_space<hbm>> -> memref<6656xi32, #tpu.memory_space<hbm>>
      tpu.enqueue_dma source(%dma_start3A_127 : memref<6656xi32, #tpu.memory_space<hbm>>) target(%arg9 : memref<6656xi32, #tpu.memory_space<vmem>>) target_semaphore(%run_scoped3A_121 : memref<!tpu.dma_semaphore, #tpu.memory_space<semaphore_mem>>)
      %dma_wait3A_128 = arith.constant 0 : i32
      %dma_wait3A_129 = tpu.memref_slice %arg2[%add3A, %run_scoped3A_28, %dma_wait3A_128] : memref<32x8x6656xi32, #tpu.memory_space<hbm>> -> memref<1x1x6656xi32, #tpu.memory_space<hbm>>
      %dma_wait3A_130 = tpu.memref_squeeze %dma_wait3A_129 : memref<1x1x6656xi32, #tpu.memory_space<hbm>> -> memref<6656xi32, #tpu.memory_space<hbm>>
      %dma_wait3A_131 = arith.constant 0 : i32
      %dma_wait3A_132 = tpu.memref_slice %arg2[%add3A, %run_scoped3A_28, %dma_wait3A_131] : memref<32x8x6656xi32, #tpu.memory_space<hbm>> -> memref<1x1x6656xi32, #tpu.memory_space<hbm>>
      %dma_wait3A_133 = tpu.memref_squeeze %dma_wait3A_132 : memref<1x1x6656xi32, #tpu.memory_space<hbm>> -> memref<6656xi32, #tpu.memory_space<hbm>>
      tpu.wait_dma2 semaphore(%run_scoped3A_121 : memref<!tpu.dma_semaphore, #tpu.memory_space<semaphore_mem>>) src(%dma_wait3A_133 : memref<6656xi32, #tpu.memory_space<hbm>>) dst(%arg9 : memref<6656xi32, #tpu.memory_space<vmem>>)
      tpu.yield
    }) : () -> ()
    %dma_start3A_29 = arith.constant 0 : i32
    %dma_start3A_30 = arith.constant 0 : i32
    %dma_start3A_31 = tpu.memref_slice %arg5[%dma_start3A_29, %dma_start3A_30] : memref<5200000x8xf32, #tpu.memory_space<hbm>> -> memref<5200000x8xf32, #tpu.memory_space<hbm>>
    tpu.enqueue_indirect_dma source(%dma_start3A_31 : memref<5200000x8xf32, #tpu.memory_space<hbm>>) target(%arg10 : memref<6656x8xf32, #tpu.memory_space<vmem>>) offsets(%arg9 : memref<6656xi32, #tpu.memory_space<vmem>>) semaphore(%arg16 : memref<!tpu.dma_semaphore, #tpu.memory_space<semaphore_mem>>)
    %dma_wait3A_32 = arith.constant 0 : i32
    %dma_wait3A_33 = arith.constant 0 : i32
    %dma_wait3A_34 = tpu.memref_slice %arg5[%dma_wait3A_32, %dma_wait3A_33] : memref<5200000x8xf32, #tpu.memory_space<hbm>> -> memref<5200000x8xf32, #tpu.memory_space<hbm>>
    tpu.wait_indirect_dma semaphore(%arg16 : memref<!tpu.dma_semaphore, #tpu.memory_space<semaphore_mem>>) src(%dma_wait3A_34 : memref<5200000x8xf32, #tpu.memory_space<hbm>>) dst(%arg10 : memref<6656x8xf32, #tpu.memory_space<vmem>>)
    %scan3A_35 = arith.constant 0 : i32
    %scan3A_36 = arith.constant 0 : i32
    %scan3A_37 = arith.constant 26 : i32
    %scan3A_38 = arith.addi %scan3A_36, %scan3A_37 : i32
    %scan3A_39 = arith.constant 1 : i32
    scf.for %scan3A_121 = %scan3A_36 to %scan3A_38 step %scan3A_39  : i32 {
      %mul3A_122 = arith.constant 16 : i32
      %mul3A_123 = arith.muli %scan3A_121, %mul3A_122 : i32
      %add3A_124 = vector.broadcast %mul3A_123 : i32 to vector<16xi32>
      %add3A_125 = arith.addi %add3A_124, %iota3A : vector<16xi32>
      %mul3A_126 = arith.constant 16 : i32
      %mul3A_127 = arith.muli %scan3A_121, %mul3A_126 : i32
      %add3A_128 = arith.constant 832 : i32
      %add3A_129 = arith.addi %add3A_128, %mul3A_127 : i32
      %get3A = arith.index_cast %add3A_129 : i32 to index
      %get3A_130 = tpu.vector_load %arg14[%get3A] {strides = array<i32>} : memref<3328xi32, #tpu.memory_space<vmem>>, vector<16xi32>,
      %mul3A_131 = arith.constant 16 : i32
      %mul3A_132 = vector.broadcast %mul3A_131 : i32 to vector<16xi32>
      %mul3A_133 = arith.muli %add3A_125, %mul3A_132 : vector<16xi32>
      %add3A_134 = arith.constant 0 : i32
      %add3A_135 = vector.broadcast %add3A_134 : i32 to vector<16xi32>
      %add3A_136 = arith.addi %mul3A_133, %add3A_135 : vector<16xi32>
      %gather3A = tpu.vector_load_idx %arg10[%add3A_136, %get3A_130] : memref<6656x8xf32, #tpu.memory_space<vmem>>[vector<16xi32>, vector<16xi32>], vector<16xf32>,
      %mul3A_137 = arith.constant 16 : i32
      %mul3A_138 = vector.broadcast %mul3A_137 : i32 to vector<16xi32>
      %mul3A_139 = arith.muli %add3A_125, %mul3A_138 : vector<16xi32>
      %add3A_140 = arith.constant 0 : i32
      %add3A_141 = vector.broadcast %add3A_140 : i32 to vector<16xi32>
      %add3A_142 = arith.addi %mul3A_139, %add3A_141 : vector<16xi32>
      tpu.vector_store_idx %arg11[%add3A_142], %gather3A : memref<6656xf32, #tpu.memory_space<vmem>>[vector<16xi32>], vector<16xf32>,
      %mul3A_143 = arith.constant 16 : i32
      %mul3A_144 = vector.broadcast %mul3A_143 : i32 to vector<16xi32>
      %mul3A_145 = arith.muli %add3A_125, %mul3A_144 : vector<16xi32>
      %add3A_146 = arith.constant 1 : i32
      %add3A_147 = vector.broadcast %add3A_146 : i32 to vector<16xi32>
      %add3A_148 = arith.addi %mul3A_145, %add3A_147 : vector<16xi32>
      %gather3A_149 = tpu.vector_load_idx %arg10[%add3A_148, %get3A_130] : memref<6656x8xf32, #tpu.memory_space<vmem>>[vector<16xi32>, vector<16xi32>], vector<16xf32>,
      %mul3A_150 = arith.constant 16 : i32
      %mul3A_151 = vector.broadcast %mul3A_150 : i32 to vector<16xi32>
      %mul3A_152 = arith.muli %add3A_125, %mul3A_151 : vector<16xi32>
      %add3A_153 = arith.constant 1 : i32
      %add3A_154 = vector.broadcast %add3A_153 : i32 to vector<16xi32>
      %add3A_155 = arith.addi %mul3A_152, %add3A_154 : vector<16xi32>
      tpu.vector_store_idx %arg11[%add3A_155], %gather3A_149 : memref<6656xf32, #tpu.memory_space<vmem>>[vector<16xi32>], vector<16xf32>,
      %mul3A_156 = arith.constant 16 : i32
      %mul3A_157 = vector.broadcast %mul3A_156 : i32 to vector<16xi32>
      %mul3A_158 = arith.muli %add3A_125, %mul3A_157 : vector<16xi32>
      %add3A_159 = arith.constant 2 : i32
      %add3A_160 = vector.broadcast %add3A_159 : i32 to vector<16xi32>
      %add3A_161 = arith.addi %mul3A_158, %add3A_160 : vector<16xi32>
      %gather3A_162 = tpu.vector_load_idx %arg10[%add3A_161, %get3A_130] : memref<6656x8xf32, #tpu.memory_space<vmem>>[vector<16xi32>, vector<16xi32>], vector<16xf32>,
      %mul3A_163 = arith.constant 16 : i32
      %mul3A_164 = vector.broadcast %mul3A_163 : i32 to vector<16xi32>
      %mul3A_165 = arith.muli %add3A_125, %mul3A_164 : vector<16xi32>
      %add3A_166 = arith.constant 2 : i32
      %add3A_167 = vector.broadcast %add3A_166 : i32 to vector<16xi32>
      %add3A_168 = arith.addi %mul3A_165, %add3A_167 : vector<16xi32>
      tpu.vector_store_idx %arg11[%add3A_168], %gather3A_162 : memref<6656xf32, #tpu.memory_space<vmem>>[vector<16xi32>], vector<16xf32>,
      %mul3A_169 = arith.constant 16 : i32
      %mul3A_170 = vector.broadcast %mul3A_169 : i32 to vector<16xi32>
      %mul3A_171 = arith.muli %add3A_125, %mul3A_170 : vector<16xi32>
      %add3A_172 = arith.constant 3 : i32
      %add3A_173 = vector.broadcast %add3A_172 : i32 to vector<16xi32>
      %add3A_174 = arith.addi %mul3A_171, %add3A_173 : vector<16xi32>
      %gather3A_175 = tpu.vector_load_idx %arg10[%add3A_174, %get3A_130] : memref<6656x8xf32, #tpu.memory_space<vmem>>[vector<16xi32>, vector<16xi32>], vector<16xf32>,
      %mul3A_176 = arith.constant 16 : i32
      %mul3A_177 = vector.broadcast %mul3A_176 : i32 to vector<16xi32>
      %mul3A_178 = arith.muli %add3A_125, %mul3A_177 : vector<16xi32>
      %add3A_179 = arith.constant 3 : i32
      %add3A_180 = vector.broadcast %add3A_179 : i32 to vector<16xi32>
      %add3A_181 = arith.addi %mul3A_178, %add3A_180 : vector<16xi32>
      tpu.vector_store_idx %arg11[%add3A_181], %gather3A_175 : memref<6656xf32, #tpu.memory_space<vmem>>[vector<16xi32>], vector<16xf32>,
      %mul3A_182 = arith.constant 16 : i32
      %mul3A_183 = vector.broadcast %mul3A_182 : i32 to vector<16xi32>
      %mul3A_184 = arith.muli %add3A_125, %mul3A_183 : vector<16xi32>
      %add3A_185 = arith.constant 4 : i32
      %add3A_186 = vector.broadcast %add3A_185 : i32 to vector<16xi32>
      %add3A_187 = arith.addi %mul3A_184, %add3A_186 : vector<16xi32>
      %gather3A_188 = tpu.vector_load_idx %arg10[%add3A_187, %get3A_130] : memref<6656x8xf32, #tpu.memory_space<vmem>>[vector<16xi32>, vector<16xi32>], vector<16xf32>,
      %mul3A_189 = arith.constant 16 : i32
      %mul3A_190 = vector.broadcast %mul3A_189 : i32 to vector<16xi32>
      %mul3A_191 = arith.muli %add3A_125, %mul3A_190 : vector<16xi32>
      %add3A_192 = arith.constant 4 : i32
      %add3A_193 = vector.broadcast %add3A_192 : i32 to vector<16xi32>
      %add3A_194 = arith.addi %mul3A_191, %add3A_193 : vector<16xi32>
      tpu.vector_store_idx %arg11[%add3A_194], %gather3A_188 : memref<6656xf32, #tpu.memory_space<vmem>>[vector<16xi32>], vector<16xf32>,
      %mul3A_195 = arith.constant 16 : i32
      %mul3A_196 = vector.broadcast %mul3A_195 : i32 to vector<16xi32>
      %mul3A_197 = arith.muli %add3A_125, %mul3A_196 : vector<16xi32>
      %add3A_198 = arith.constant 5 : i32
      %add3A_199 = vector.broadcast %add3A_198 : i32 to vector<16xi32>
      %add3A_200 = arith.addi %mul3A_197, %add3A_199 : vector<16xi32>
      %gather3A_201 = tpu.vector_load_idx %arg10[%add3A_200, %get3A_130] : memref<6656x8xf32, #tpu.memory_space<vmem>>[vector<16xi32>, vector<16xi32>], vector<16xf32>,
      %mul3A_202 = arith.constant 16 : i32
      %mul3A_203 = vector.broadcast %mul3A_202 : i32 to vector<16xi32>
      %mul3A_204 = arith.muli %add3A_125, %mul3A_203 : vector<16xi32>
      %add3A_205 = arith.constant 5 : i32
      %add3A_206 = vector.broadcast %add3A_205 : i32 to vector<16xi32>
      %add3A_207 = arith.addi %mul3A_204, %add3A_206 : vector<16xi32>
      tpu.vector_store_idx %arg11[%add3A_207], %gather3A_201 : memref<6656xf32, #tpu.memory_space<vmem>>[vector<16xi32>], vector<16xf32>,
      %mul3A_208 = arith.constant 16 : i32
      %mul3A_209 = vector.broadcast %mul3A_208 : i32 to vector<16xi32>
      %mul3A_210 = arith.muli %add3A_125, %mul3A_209 : vector<16xi32>
      %add3A_211 = arith.constant 6 : i32
      %add3A_212 = vector.broadcast %add3A_211 : i32 to vector<16xi32>
      %add3A_213 = arith.addi %mul3A_210, %add3A_212 : vector<16xi32>
      %gather3A_214 = tpu.vector_load_idx %arg10[%add3A_213, %get3A_130] : memref<6656x8xf32, #tpu.memory_space<vmem>>[vector<16xi32>, vector<16xi32>], vector<16xf32>,
      %mul3A_215 = arith.constant 16 : i32
      %mul3A_216 = vector.broadcast %mul3A_215 : i32 to vector<16xi32>
      %mul3A_217 = arith.muli %add3A_125, %mul3A_216 : vector<16xi32>
      %add3A_218 = arith.constant 6 : i32
      %add3A_219 = vector.broadcast %add3A_218 : i32 to vector<16xi32>
      %add3A_220 = arith.addi %mul3A_217, %add3A_219 : vector<16xi32>
      tpu.vector_store_idx %arg11[%add3A_220], %gather3A_214 : memref<6656xf32, #tpu.memory_space<vmem>>[vector<16xi32>], vector<16xf32>,
      %mul3A_221 = arith.constant 16 : i32
      %mul3A_222 = vector.broadcast %mul3A_221 : i32 to vector<16xi32>
      %mul3A_223 = arith.muli %add3A_125, %mul3A_222 : vector<16xi32>
      %add3A_224 = arith.constant 7 : i32
      %add3A_225 = vector.broadcast %add3A_224 : i32 to vector<16xi32>
      %add3A_226 = arith.addi %mul3A_223, %add3A_225 : vector<16xi32>
      %gather3A_227 = tpu.vector_load_idx %arg10[%add3A_226, %get3A_130] : memref<6656x8xf32, #tpu.memory_space<vmem>>[vector<16xi32>, vector<16xi32>], vector<16xf32>,
      %mul3A_228 = arith.constant 16 : i32
      %mul3A_229 = vector.broadcast %mul3A_228 : i32 to vector<16xi32>
      %mul3A_230 = arith.muli %add3A_125, %mul3A_229 : vector<16xi32>
      %add3A_231 = arith.constant 7 : i32
      %add3A_232 = vector.broadcast %add3A_231 : i32 to vector<16xi32>
      %add3A_233 = arith.addi %mul3A_230, %add3A_232 : vector<16xi32>
      tpu.vector_store_idx %arg11[%add3A_233], %gather3A_227 : memref<6656xf32, #tpu.memory_space<vmem>>[vector<16xi32>], vector<16xf32>,
      %mul3A_234 = arith.constant 16 : i32
      %mul3A_235 = vector.broadcast %mul3A_234 : i32 to vector<16xi32>
      %mul3A_236 = arith.muli %add3A_125, %mul3A_235 : vector<16xi32>
      %add3A_237 = arith.constant 8 : i32
      %add3A_238 = vector.broadcast %add3A_237 : i32 to vector<16xi32>
      %add3A_239 = arith.addi %mul3A_236, %add3A_238 : vector<16xi32>
      %gather3A_240 = tpu.vector_load_idx %arg10[%add3A_239, %get3A_130] : memref<6656x8xf32, #tpu.memory_space<vmem>>[vector<16xi32>, vector<16xi32>], vector<16xf32>,
      %mul3A_241 = arith.constant 16 : i32
      %mul3A_242 = vector.broadcast %mul3A_241 : i32 to vector<16xi32>
      %mul3A_243 = arith.muli %add3A_125, %mul3A_242 : vector<16xi32>
      %add3A_244 = arith.constant 8 : i32
      %add3A_245 = vector.broadcast %add3A_244 : i32 to vector<16xi32>
      %add3A_246 = arith.addi %mul3A_243, %add3A_245 : vector<16xi32>
      tpu.vector_store_idx %arg11[%add3A_246], %gather3A_240 : memref<6656xf32, #tpu.memory_space<vmem>>[vector<16xi32>], vector<16xf32>,
      %mul3A_247 = arith.constant 16 : i32
      %mul3A_248 = vector.broadcast %mul3A_247 : i32 to vector<16xi32>
      %mul3A_249 = arith.muli %add3A_125, %mul3A_248 : vector<16xi32>
      %add3A_250 = arith.constant 9 : i32
      %add3A_251 = vector.broadcast %add3A_250 : i32 to vector<16xi32>
      %add3A_252 = arith.addi %mul3A_249, %add3A_251 : vector<16xi32>
      %gather3A_253 = tpu.vector_load_idx %arg10[%add3A_252, %get3A_130] : memref<6656x8xf32, #tpu.memory_space<vmem>>[vector<16xi32>, vector<16xi32>], vector<16xf32>,
      %mul3A_254 = arith.constant 16 : i32
      %mul3A_255 = vector.broadcast %mul3A_254 : i32 to vector<16xi32>
      %mul3A_256 = arith.muli %add3A_125, %mul3A_255 : vector<16xi32>
      %add3A_257 = arith.constant 9 : i32
      %add3A_258 = vector.broadcast %add3A_257 : i32 to vector<16xi32>
      %add3A_259 = arith.addi %mul3A_256, %add3A_258 : vector<16xi32>
      tpu.vector_store_idx %arg11[%add3A_259], %gather3A_253 : memref<6656xf32, #tpu.memory_space<vmem>>[vector<16xi32>], vector<16xf32>,
      %mul3A_260 = arith.constant 16 : i32
      %mul3A_261 = vector.broadcast %mul3A_260 : i32 to vector<16xi32>
      %mul3A_262 = arith.muli %add3A_125, %mul3A_261 : vector<16xi32>
      %add3A_263 = arith.constant 10 : i32
      %add3A_264 = vector.broadcast %add3A_263 : i32 to vector<16xi32>
      %add3A_265 = arith.addi %mul3A_262, %add3A_264 : vector<16xi32>
      %gather3A_266 = tpu.vector_load_idx %arg10[%add3A_265, %get3A_130] : memref<6656x8xf32, #tpu.memory_space<vmem>>[vector<16xi32>, vector<16xi32>], vector<16xf32>,
      %mul3A_267 = arith.constant 16 : i32
      %mul3A_268 = vector.broadcast %mul3A_267 : i32 to vector<16xi32>
      %mul3A_269 = arith.muli %add3A_125, %mul3A_268 : vector<16xi32>
      %add3A_270 = arith.constant 10 : i32
      %add3A_271 = vector.broadcast %add3A_270 : i32 to vector<16xi32>
      %add3A_272 = arith.addi %mul3A_269, %add3A_271 : vector<16xi32>
      tpu.vector_store_idx %arg11[%add3A_272], %gather3A_266 : memref<6656xf32, #tpu.memory_space<vmem>>[vector<16xi32>], vector<16xf32>,
      %mul3A_273 = arith.constant 16 : i32
      %mul3A_274 = vector.broadcast %mul3A_273 : i32 to vector<16xi32>
      %mul3A_275 = arith.muli %add3A_125, %mul3A_274 : vector<16xi32>
      %add3A_276 = arith.constant 11 : i32
      %add3A_277 = vector.broadcast %add3A_276 : i32 to vector<16xi32>
      %add3A_278 = arith.addi %mul3A_275, %add3A_277 : vector<16xi32>
      %gather3A_279 = tpu.vector_load_idx %arg10[%add3A_278, %get3A_130] : memref<6656x8xf32, #tpu.memory_space<vmem>>[vector<16xi32>, vector<16xi32>], vector<16xf32>,
      %mul3A_280 = arith.constant 16 : i32
      %mul3A_281 = vector.broadcast %mul3A_280 : i32 to vector<16xi32>
      %mul3A_282 = arith.muli %add3A_125, %mul3A_281 : vector<16xi32>
      %add3A_283 = arith.constant 11 : i32
      %add3A_284 = vector.broadcast %add3A_283 : i32 to vector<16xi32>
      %add3A_285 = arith.addi %mul3A_282, %add3A_284 : vector<16xi32>
      tpu.vector_store_idx %arg11[%add3A_285], %gather3A_279 : memref<6656xf32, #tpu.memory_space<vmem>>[vector<16xi32>], vector<16xf32>,
      %mul3A_286 = arith.constant 16 : i32
      %mul3A_287 = vector.broadcast %mul3A_286 : i32 to vector<16xi32>
      %mul3A_288 = arith.muli %add3A_125, %mul3A_287 : vector<16xi32>
      %add3A_289 = arith.constant 12 : i32
      %add3A_290 = vector.broadcast %add3A_289 : i32 to vector<16xi32>
      %add3A_291 = arith.addi %mul3A_288, %add3A_290 : vector<16xi32>
      %gather3A_292 = tpu.vector_load_idx %arg10[%add3A_291, %get3A_130] : memref<6656x8xf32, #tpu.memory_space<vmem>>[vector<16xi32>, vector<16xi32>], vector<16xf32>,
      %mul3A_293 = arith.constant 16 : i32
      %mul3A_294 = vector.broadcast %mul3A_293 : i32 to vector<16xi32>
      %mul3A_295 = arith.muli %add3A_125, %mul3A_294 : vector<16xi32>
      %add3A_296 = arith.constant 12 : i32
      %add3A_297 = vector.broadcast %add3A_296 : i32 to vector<16xi32>
      %add3A_298 = arith.addi %mul3A_295, %add3A_297 : vector<16xi32>
      tpu.vector_store_idx %arg11[%add3A_298], %gather3A_292 : memref<6656xf32, #tpu.memory_space<vmem>>[vector<16xi32>], vector<16xf32>,
      %mul3A_299 = arith.constant 16 : i32
      %mul3A_300 = vector.broadcast %mul3A_299 : i32 to vector<16xi32>
      %mul3A_301 = arith.muli %add3A_125, %mul3A_300 : vector<16xi32>
      %add3A_302 = arith.constant 13 : i32
      %add3A_303 = vector.broadcast %add3A_302 : i32 to vector<16xi32>
      %add3A_304 = arith.addi %mul3A_301, %add3A_303 : vector<16xi32>
      %gather3A_305 = tpu.vector_load_idx %arg10[%add3A_304, %get3A_130] : memref<6656x8xf32, #tpu.memory_space<vmem>>[vector<16xi32>, vector<16xi32>], vector<16xf32>,
      %mul3A_306 = arith.constant 16 : i32
      %mul3A_307 = vector.broadcast %mul3A_306 : i32 to vector<16xi32>
      %mul3A_308 = arith.muli %add3A_125, %mul3A_307 : vector<16xi32>
      %add3A_309 = arith.constant 13 : i32
      %add3A_310 = vector.broadcast %add3A_309 : i32 to vector<16xi32>
      %add3A_311 = arith.addi %mul3A_308, %add3A_310 : vector<16xi32>
      tpu.vector_store_idx %arg11[%add3A_311], %gather3A_305 : memref<6656xf32, #tpu.memory_space<vmem>>[vector<16xi32>], vector<16xf32>,
      %mul3A_312 = arith.constant 16 : i32
      %mul3A_313 = vector.broadcast %mul3A_312 : i32 to vector<16xi32>
      %mul3A_314 = arith.muli %add3A_125, %mul3A_313 : vector<16xi32>
      %add3A_315 = arith.constant 14 : i32
      %add3A_316 = vector.broadcast %add3A_315 : i32 to vector<16xi32>
      %add3A_317 = arith.addi %mul3A_314, %add3A_316 : vector<16xi32>
      %gather3A_318 = tpu.vector_load_idx %arg10[%add3A_317, %get3A_130] : memref<6656x8xf32, #tpu.memory_space<vmem>>[vector<16xi32>, vector<16xi32>], vector<16xf32>,
      %mul3A_319 = arith.constant 16 : i32
      %mul3A_320 = vector.broadcast %mul3A_319 : i32 to vector<16xi32>
      %mul3A_321 = arith.muli %add3A_125, %mul3A_320 : vector<16xi32>
      %add3A_322 = arith.constant 14 : i32
      %add3A_323 = vector.broadcast %add3A_322 : i32 to vector<16xi32>
      %add3A_324 = arith.addi %mul3A_321, %add3A_323 : vector<16xi32>
      tpu.vector_store_idx %arg11[%add3A_324], %gather3A_318 : memref<6656xf32, #tpu.memory_space<vmem>>[vector<16xi32>], vector<16xf32>,
      %mul3A_325 = arith.constant 16 : i32
      %mul3A_326 = vector.broadcast %mul3A_325 : i32 to vector<16xi32>
      %mul3A_327 = arith.muli %add3A_125, %mul3A_326 : vector<16xi32>
      %add3A_328 = arith.constant 15 : i32
      %add3A_329 = vector.broadcast %add3A_328 : i32 to vector<16xi32>
      %add3A_330 = arith.addi %mul3A_327, %add3A_329 : vector<16xi32>
      %gather3A_331 = tpu.vector_load_idx %arg10[%add3A_330, %get3A_130] : memref<6656x8xf32, #tpu.memory_space<vmem>>[vector<16xi32>, vector<16xi32>], vector<16xf32>,
      %mul3A_332 = arith.constant 16 : i32
      %mul3A_333 = vector.broadcast %mul3A_332 : i32 to vector<16xi32>
      %mul3A_334 = arith.muli %add3A_125, %mul3A_333 : vector<16xi32>
      %add3A_335 = arith.constant 15 : i32
      %add3A_336 = vector.broadcast %add3A_335 : i32 to vector<16xi32>
      %add3A_337 = arith.addi %mul3A_334, %add3A_336 : vector<16xi32>
      tpu.vector_store_idx %arg11[%add3A_337], %gather3A_331 : memref<6656xf32, #tpu.memory_space<vmem>>[vector<16xi32>], vector<16xf32>,
    }
    %scan3A_40 = arith.constant 26 : i32
    %run_scoped3A_41 = arith.constant 2 : i32
    "tpu.region"() ({
      %run_scoped3A_121 = tpu.sem_alloc : memref<!tpu.dma_semaphore, #tpu.memory_space<semaphore_mem>>
      %dma_start3A_122 = arith.constant 0 : i32
      %dma_start3A_123 = tpu.memref_slice %arg7[%add3A, %run_scoped3A_41, %dma_start3A_122] : memref<32x8x6656xf32, #tpu.memory_space<hbm>> -> memref<1x1x6656xf32, #tpu.memory_space<hbm>>
      %dma_start3A_124 = tpu.memref_squeeze %dma_start3A_123 : memref<1x1x6656xf32, #tpu.memory_space<hbm>> -> memref<6656xf32, #tpu.memory_space<hbm>>
      %dma_start3A_125 = arith.constant 0 : i32
      %dma_start3A_126 = tpu.memref_slice %arg7[%add3A, %run_scoped3A_41, %dma_start3A_125] : memref<32x8x6656xf32, #tpu.memory_space<hbm>> -> memref<1x1x6656xf32, #tpu.memory_space<hbm>>
      %dma_start3A_127 = tpu.memref_squeeze %dma_start3A_126 : memref<1x1x6656xf32, #tpu.memory_space<hbm>> -> memref<6656xf32, #tpu.memory_space<hbm>>
      tpu.enqueue_dma source(%arg11 : memref<6656xf32, #tpu.memory_space<vmem>>) target(%dma_start3A_127 : memref<6656xf32, #tpu.memory_space<hbm>>) target_semaphore(%run_scoped3A_121 : memref<!tpu.dma_semaphore, #tpu.memory_space<semaphore_mem>>)
      %dma_wait3A_128 = arith.constant 0 : i32
      %dma_wait3A_129 = tpu.memref_slice %arg7[%add3A, %run_scoped3A_41, %dma_wait3A_128] : memref<32x8x6656xf32, #tpu.memory_space<hbm>> -> memref<1x1x6656xf32, #tpu.memory_space<hbm>>
      %dma_wait3A_130 = tpu.memref_squeeze %dma_wait3A_129 : memref<1x1x6656xf32, #tpu.memory_space<hbm>> -> memref<6656xf32, #tpu.memory_space<hbm>>
      %dma_wait3A_131 = arith.constant 0 : i32
      %dma_wait3A_132 = tpu.memref_slice %arg7[%add3A, %run_scoped3A_41, %dma_wait3A_131] : memref<32x8x6656xf32, #tpu.memory_space<hbm>> -> memref<1x1x6656xf32, #tpu.memory_space<hbm>>
      %dma_wait3A_133 = tpu.memref_squeeze %dma_wait3A_132 : memref<1x1x6656xf32, #tpu.memory_space<hbm>> -> memref<6656xf32, #tpu.memory_space<hbm>>
      tpu.wait_dma2 semaphore(%run_scoped3A_121 : memref<!tpu.dma_semaphore, #tpu.memory_space<semaphore_mem>>) src(%arg11 : memref<6656xf32, #tpu.memory_space<vmem>>) dst(%dma_wait3A_133 : memref<6656xf32, #tpu.memory_space<hbm>>)
      tpu.yield
    }) : () -> ()
    %run_scoped3A_42 = arith.constant 3 : i32
    "tpu.region"() ({
      %run_scoped3A_121 = tpu.sem_alloc : memref<!tpu.dma_semaphore, #tpu.memory_space<semaphore_mem>>
      %dma_start3A_122 = arith.constant 0 : i32
      %dma_start3A_123 = tpu.memref_slice %arg2[%add3A, %run_scoped3A_42, %dma_start3A_122] : memref<32x8x6656xi32, #tpu.memory_space<hbm>> -> memref<1x1x6656xi32, #tpu.memory_space<hbm>>
      %dma_start3A_124 = tpu.memref_squeeze %dma_start3A_123 : memref<1x1x6656xi32, #tpu.memory_space<hbm>> -> memref<6656xi32, #tpu.memory_space<hbm>>
      %dma_start3A_125 = arith.constant 0 : i32
      %dma_start3A_126 = tpu.memref_slice %arg2[%add3A, %run_scoped3A_42, %dma_start3A_125] : memref<32x8x6656xi32, #tpu.memory_space<hbm>> -> memref<1x1x6656xi32, #tpu.memory_space<hbm>>
      %dma_start3A_127 = tpu.memref_squeeze %dma_start3A_126 : memref<1x1x6656xi32, #tpu.memory_space<hbm>> -> memref<6656xi32, #tpu.memory_space<hbm>>
      tpu.enqueue_dma source(%dma_start3A_127 : memref<6656xi32, #tpu.memory_space<hbm>>) target(%arg9 : memref<6656xi32, #tpu.memory_space<vmem>>) target_semaphore(%run_scoped3A_121 : memref<!tpu.dma_semaphore, #tpu.memory_space<semaphore_mem>>)
      %dma_wait3A_128 = arith.constant 0 : i32
      %dma_wait3A_129 = tpu.memref_slice %arg2[%add3A, %run_scoped3A_42, %dma_wait3A_128] : memref<32x8x6656xi32, #tpu.memory_space<hbm>> -> memref<1x1x6656xi32, #tpu.memory_space<hbm>>
      %dma_wait3A_130 = tpu.memref_squeeze %dma_wait3A_129 : memref<1x1x6656xi32, #tpu.memory_space<hbm>> -> memref<6656xi32, #tpu.memory_space<hbm>>
      %dma_wait3A_131 = arith.constant 0 : i32
      %dma_wait3A_132 = tpu.memref_slice %arg2[%add3A, %run_scoped3A_42, %dma_wait3A_131] : memref<32x8x6656xi32, #tpu.memory_space<hbm>> -> memref<1x1x6656xi32, #tpu.memory_space<hbm>>
      %dma_wait3A_133 = tpu.memref_squeeze %dma_wait3A_132 : memref<1x1x6656xi32, #tpu.memory_space<hbm>> -> memref<6656xi32, #tpu.memory_space<hbm>>
      tpu.wait_dma2 semaphore(%run_scoped3A_121 : memref<!tpu.dma_semaphore, #tpu.memory_space<semaphore_mem>>) src(%dma_wait3A_133 : memref<6656xi32, #tpu.memory_space<hbm>>) dst(%arg9 : memref<6656xi32, #tpu.memory_space<vmem>>)
      tpu.yield
    }) : () -> ()
    %dma_start3A_43 = arith.constant 0 : i32
    %dma_start3A_44 = arith.constant 0 : i32
    %dma_start3A_45 = tpu.memref_slice %arg5[%dma_start3A_43, %dma_start3A_44] : memref<5200000x8xf32, #tpu.memory_space<hbm>> -> memref<5200000x8xf32, #tpu.memory_space<hbm>>
    tpu.enqueue_indirect_dma source(%dma_start3A_45 : memref<5200000x8xf32, #tpu.memory_space<hbm>>) target(%arg10 : memref<6656x8xf32, #tpu.memory_space<vmem>>) offsets(%arg9 : memref<6656xi32, #tpu.memory_space<vmem>>) semaphore(%arg16 : memref<!tpu.dma_semaphore, #tpu.memory_space<semaphore_mem>>)
    %dma_wait3A_46 = arith.constant 0 : i32
    %dma_wait3A_47 = arith.constant 0 : i32
    %dma_wait3A_48 = tpu.memref_slice %arg5[%dma_wait3A_46, %dma_wait3A_47] : memref<5200000x8xf32, #tpu.memory_space<hbm>> -> memref<5200000x8xf32, #tpu.memory_space<hbm>>
    tpu.wait_indirect_dma semaphore(%arg16 : memref<!tpu.dma_semaphore, #tpu.memory_space<semaphore_mem>>) src(%dma_wait3A_48 : memref<5200000x8xf32, #tpu.memory_space<hbm>>) dst(%arg10 : memref<6656x8xf32, #tpu.memory_space<vmem>>)
    %scan3A_49 = arith.constant 0 : i32
    %scan3A_50 = arith.constant 0 : i32
    %scan3A_51 = arith.constant 26 : i32
    %scan3A_52 = arith.addi %scan3A_50, %scan3A_51 : i32
    %scan3A_53 = arith.constant 1 : i32
    scf.for %scan3A_121 = %scan3A_50 to %scan3A_52 step %scan3A_53  : i32 {
      %mul3A_122 = arith.constant 16 : i32
      %mul3A_123 = arith.muli %scan3A_121, %mul3A_122 : i32
      %add3A_124 = vector.broadcast %mul3A_123 : i32 to vector<16xi32>
      %add3A_125 = arith.addi %add3A_124, %iota3A : vector<16xi32>
      %mul3A_126 = arith.constant 16 : i32
      %mul3A_127 = arith.muli %scan3A_121, %mul3A_126 : i32
      %add3A_128 = arith.constant 1248 : i32
      %add3A_129 = arith.addi %add3A_128, %mul3A_127 : i32
      %get3A = arith.index_cast %add3A_129 : i32 to index
      %get3A_130 = tpu.vector_load %arg14[%get3A] {strides = array<i32>} : memref<3328xi32, #tpu.memory_space<vmem>>, vector<16xi32>,
      %mul3A_131 = arith.constant 16 : i32
      %mul3A_132 = vector.broadcast %mul3A_131 : i32 to vector<16xi32>
      %mul3A_133 = arith.muli %add3A_125, %mul3A_132 : vector<16xi32>
      %add3A_134 = arith.constant 0 : i32
      %add3A_135 = vector.broadcast %add3A_134 : i32 to vector<16xi32>
      %add3A_136 = arith.addi %mul3A_133, %add3A_135 : vector<16xi32>
      %gather3A = tpu.vector_load_idx %arg10[%add3A_136, %get3A_130] : memref<6656x8xf32, #tpu.memory_space<vmem>>[vector<16xi32>, vector<16xi32>], vector<16xf32>,
      %mul3A_137 = arith.constant 16 : i32
      %mul3A_138 = vector.broadcast %mul3A_137 : i32 to vector<16xi32>
      %mul3A_139 = arith.muli %add3A_125, %mul3A_138 : vector<16xi32>
      %add3A_140 = arith.constant 0 : i32
      %add3A_141 = vector.broadcast %add3A_140 : i32 to vector<16xi32>
      %add3A_142 = arith.addi %mul3A_139, %add3A_141 : vector<16xi32>
      tpu.vector_store_idx %arg11[%add3A_142], %gather3A : memref<6656xf32, #tpu.memory_space<vmem>>[vector<16xi32>], vector<16xf32>,
      %mul3A_143 = arith.constant 16 : i32
      %mul3A_144 = vector.broadcast %mul3A_143 : i32 to vector<16xi32>
      %mul3A_145 = arith.muli %add3A_125, %mul3A_144 : vector<16xi32>
      %add3A_146 = arith.constant 1 : i32
      %add3A_147 = vector.broadcast %add3A_146 : i32 to vector<16xi32>
      %add3A_148 = arith.addi %mul3A_145, %add3A_147 : vector<16xi32>
      %gather3A_149 = tpu.vector_load_idx %arg10[%add3A_148, %get3A_130] : memref<6656x8xf32, #tpu.memory_space<vmem>>[vector<16xi32>, vector<16xi32>], vector<16xf32>,
      %mul3A_150 = arith.constant 16 : i32
      %mul3A_151 = vector.broadcast %mul3A_150 : i32 to vector<16xi32>
      %mul3A_152 = arith.muli %add3A_125, %mul3A_151 : vector<16xi32>
      %add3A_153 = arith.constant 1 : i32
      %add3A_154 = vector.broadcast %add3A_153 : i32 to vector<16xi32>
      %add3A_155 = arith.addi %mul3A_152, %add3A_154 : vector<16xi32>
      tpu.vector_store_idx %arg11[%add3A_155], %gather3A_149 : memref<6656xf32, #tpu.memory_space<vmem>>[vector<16xi32>], vector<16xf32>,
      %mul3A_156 = arith.constant 16 : i32
      %mul3A_157 = vector.broadcast %mul3A_156 : i32 to vector<16xi32>
      %mul3A_158 = arith.muli %add3A_125, %mul3A_157 : vector<16xi32>
      %add3A_159 = arith.constant 2 : i32
      %add3A_160 = vector.broadcast %add3A_159 : i32 to vector<16xi32>
      %add3A_161 = arith.addi %mul3A_158, %add3A_160 : vector<16xi32>
      %gather3A_162 = tpu.vector_load_idx %arg10[%add3A_161, %get3A_130] : memref<6656x8xf32, #tpu.memory_space<vmem>>[vector<16xi32>, vector<16xi32>], vector<16xf32>,
      %mul3A_163 = arith.constant 16 : i32
      %mul3A_164 = vector.broadcast %mul3A_163 : i32 to vector<16xi32>
      %mul3A_165 = arith.muli %add3A_125, %mul3A_164 : vector<16xi32>
      %add3A_166 = arith.constant 2 : i32
      %add3A_167 = vector.broadcast %add3A_166 : i32 to vector<16xi32>
      %add3A_168 = arith.addi %mul3A_165, %add3A_167 : vector<16xi32>
      tpu.vector_store_idx %arg11[%add3A_168], %gather3A_162 : memref<6656xf32, #tpu.memory_space<vmem>>[vector<16xi32>], vector<16xf32>,
      %mul3A_169 = arith.constant 16 : i32
      %mul3A_170 = vector.broadcast %mul3A_169 : i32 to vector<16xi32>
      %mul3A_171 = arith.muli %add3A_125, %mul3A_170 : vector<16xi32>
      %add3A_172 = arith.constant 3 : i32
      %add3A_173 = vector.broadcast %add3A_172 : i32 to vector<16xi32>
      %add3A_174 = arith.addi %mul3A_171, %add3A_173 : vector<16xi32>
      %gather3A_175 = tpu.vector_load_idx %arg10[%add3A_174, %get3A_130] : memref<6656x8xf32, #tpu.memory_space<vmem>>[vector<16xi32>, vector<16xi32>], vector<16xf32>,
      %mul3A_176 = arith.constant 16 : i32
      %mul3A_177 = vector.broadcast %mul3A_176 : i32 to vector<16xi32>
      %mul3A_178 = arith.muli %add3A_125, %mul3A_177 : vector<16xi32>
      %add3A_179 = arith.constant 3 : i32
      %add3A_180 = vector.broadcast %add3A_179 : i32 to vector<16xi32>
      %add3A_181 = arith.addi %mul3A_178, %add3A_180 : vector<16xi32>
      tpu.vector_store_idx %arg11[%add3A_181], %gather3A_175 : memref<6656xf32, #tpu.memory_space<vmem>>[vector<16xi32>], vector<16xf32>,
      %mul3A_182 = arith.constant 16 : i32
      %mul3A_183 = vector.broadcast %mul3A_182 : i32 to vector<16xi32>
      %mul3A_184 = arith.muli %add3A_125, %mul3A_183 : vector<16xi32>
      %add3A_185 = arith.constant 4 : i32
      %add3A_186 = vector.broadcast %add3A_185 : i32 to vector<16xi32>
      %add3A_187 = arith.addi %mul3A_184, %add3A_186 : vector<16xi32>
      %gather3A_188 = tpu.vector_load_idx %arg10[%add3A_187, %get3A_130] : memref<6656x8xf32, #tpu.memory_space<vmem>>[vector<16xi32>, vector<16xi32>], vector<16xf32>,
      %mul3A_189 = arith.constant 16 : i32
      %mul3A_190 = vector.broadcast %mul3A_189 : i32 to vector<16xi32>
      %mul3A_191 = arith.muli %add3A_125, %mul3A_190 : vector<16xi32>
      %add3A_192 = arith.constant 4 : i32
      %add3A_193 = vector.broadcast %add3A_192 : i32 to vector<16xi32>
      %add3A_194 = arith.addi %mul3A_191, %add3A_193 : vector<16xi32>
      tpu.vector_store_idx %arg11[%add3A_194], %gather3A_188 : memref<6656xf32, #tpu.memory_space<vmem>>[vector<16xi32>], vector<16xf32>,
      %mul3A_195 = arith.constant 16 : i32
      %mul3A_196 = vector.broadcast %mul3A_195 : i32 to vector<16xi32>
      %mul3A_197 = arith.muli %add3A_125, %mul3A_196 : vector<16xi32>
      %add3A_198 = arith.constant 5 : i32
      %add3A_199 = vector.broadcast %add3A_198 : i32 to vector<16xi32>
      %add3A_200 = arith.addi %mul3A_197, %add3A_199 : vector<16xi32>
      %gather3A_201 = tpu.vector_load_idx %arg10[%add3A_200, %get3A_130] : memref<6656x8xf32, #tpu.memory_space<vmem>>[vector<16xi32>, vector<16xi32>], vector<16xf32>,
      %mul3A_202 = arith.constant 16 : i32
      %mul3A_203 = vector.broadcast %mul3A_202 : i32 to vector<16xi32>
      %mul3A_204 = arith.muli %add3A_125, %mul3A_203 : vector<16xi32>
      %add3A_205 = arith.constant 5 : i32
      %add3A_206 = vector.broadcast %add3A_205 : i32 to vector<16xi32>
      %add3A_207 = arith.addi %mul3A_204, %add3A_206 : vector<16xi32>
      tpu.vector_store_idx %arg11[%add3A_207], %gather3A_201 : memref<6656xf32, #tpu.memory_space<vmem>>[vector<16xi32>], vector<16xf32>,
      %mul3A_208 = arith.constant 16 : i32
      %mul3A_209 = vector.broadcast %mul3A_208 : i32 to vector<16xi32>
      %mul3A_210 = arith.muli %add3A_125, %mul3A_209 : vector<16xi32>
      %add3A_211 = arith.constant 6 : i32
      %add3A_212 = vector.broadcast %add3A_211 : i32 to vector<16xi32>
      %add3A_213 = arith.addi %mul3A_210, %add3A_212 : vector<16xi32>
      %gather3A_214 = tpu.vector_load_idx %arg10[%add3A_213, %get3A_130] : memref<6656x8xf32, #tpu.memory_space<vmem>>[vector<16xi32>, vector<16xi32>], vector<16xf32>,
      %mul3A_215 = arith.constant 16 : i32
      %mul3A_216 = vector.broadcast %mul3A_215 : i32 to vector<16xi32>
      %mul3A_217 = arith.muli %add3A_125, %mul3A_216 : vector<16xi32>
      %add3A_218 = arith.constant 6 : i32
      %add3A_219 = vector.broadcast %add3A_218 : i32 to vector<16xi32>
      %add3A_220 = arith.addi %mul3A_217, %add3A_219 : vector<16xi32>
      tpu.vector_store_idx %arg11[%add3A_220], %gather3A_214 : memref<6656xf32, #tpu.memory_space<vmem>>[vector<16xi32>], vector<16xf32>,
      %mul3A_221 = arith.constant 16 : i32
      %mul3A_222 = vector.broadcast %mul3A_221 : i32 to vector<16xi32>
      %mul3A_223 = arith.muli %add3A_125, %mul3A_222 : vector<16xi32>
      %add3A_224 = arith.constant 7 : i32
      %add3A_225 = vector.broadcast %add3A_224 : i32 to vector<16xi32>
      %add3A_226 = arith.addi %mul3A_223, %add3A_225 : vector<16xi32>
      %gather3A_227 = tpu.vector_load_idx %arg10[%add3A_226, %get3A_130] : memref<6656x8xf32, #tpu.memory_space<vmem>>[vector<16xi32>, vector<16xi32>], vector<16xf32>,
      %mul3A_228 = arith.constant 16 : i32
      %mul3A_229 = vector.broadcast %mul3A_228 : i32 to vector<16xi32>
      %mul3A_230 = arith.muli %add3A_125, %mul3A_229 : vector<16xi32>
      %add3A_231 = arith.constant 7 : i32
      %add3A_232 = vector.broadcast %add3A_231 : i32 to vector<16xi32>
      %add3A_233 = arith.addi %mul3A_230, %add3A_232 : vector<16xi32>
      tpu.vector_store_idx %arg11[%add3A_233], %gather3A_227 : memref<6656xf32, #tpu.memory_space<vmem>>[vector<16xi32>], vector<16xf32>,
      %mul3A_234 = arith.constant 16 : i32
      %mul3A_235 = vector.broadcast %mul3A_234 : i32 to vector<16xi32>
      %mul3A_236 = arith.muli %add3A_125, %mul3A_235 : vector<16xi32>
      %add3A_237 = arith.constant 8 : i32
      %add3A_238 = vector.broadcast %add3A_237 : i32 to vector<16xi32>
      %add3A_239 = arith.addi %mul3A_236, %add3A_238 : vector<16xi32>
      %gather3A_240 = tpu.vector_load_idx %arg10[%add3A_239, %get3A_130] : memref<6656x8xf32, #tpu.memory_space<vmem>>[vector<16xi32>, vector<16xi32>], vector<16xf32>,
      %mul3A_241 = arith.constant 16 : i32
      %mul3A_242 = vector.broadcast %mul3A_241 : i32 to vector<16xi32>
      %mul3A_243 = arith.muli %add3A_125, %mul3A_242 : vector<16xi32>
      %add3A_244 = arith.constant 8 : i32
      %add3A_245 = vector.broadcast %add3A_244 : i32 to vector<16xi32>
      %add3A_246 = arith.addi %mul3A_243, %add3A_245 : vector<16xi32>
      tpu.vector_store_idx %arg11[%add3A_246], %gather3A_240 : memref<6656xf32, #tpu.memory_space<vmem>>[vector<16xi32>], vector<16xf32>,
      %mul3A_247 = arith.constant 16 : i32
      %mul3A_248 = vector.broadcast %mul3A_247 : i32 to vector<16xi32>
      %mul3A_249 = arith.muli %add3A_125, %mul3A_248 : vector<16xi32>
      %add3A_250 = arith.constant 9 : i32
      %add3A_251 = vector.broadcast %add3A_250 : i32 to vector<16xi32>
      %add3A_252 = arith.addi %mul3A_249, %add3A_251 : vector<16xi32>
      %gather3A_253 = tpu.vector_load_idx %arg10[%add3A_252, %get3A_130] : memref<6656x8xf32, #tpu.memory_space<vmem>>[vector<16xi32>, vector<16xi32>], vector<16xf32>,
      %mul3A_254 = arith.constant 16 : i32
      %mul3A_255 = vector.broadcast %mul3A_254 : i32 to vector<16xi32>
      %mul3A_256 = arith.muli %add3A_125, %mul3A_255 : vector<16xi32>
      %add3A_257 = arith.constant 9 : i32
      %add3A_258 = vector.broadcast %add3A_257 : i32 to vector<16xi32>
      %add3A_259 = arith.addi %mul3A_256, %add3A_258 : vector<16xi32>
      tpu.vector_store_idx %arg11[%add3A_259], %gather3A_253 : memref<6656xf32, #tpu.memory_space<vmem>>[vector<16xi32>], vector<16xf32>,
      %mul3A_260 = arith.constant 16 : i32
      %mul3A_261 = vector.broadcast %mul3A_260 : i32 to vector<16xi32>
      %mul3A_262 = arith.muli %add3A_125, %mul3A_261 : vector<16xi32>
      %add3A_263 = arith.constant 10 : i32
      %add3A_264 = vector.broadcast %add3A_263 : i32 to vector<16xi32>
      %add3A_265 = arith.addi %mul3A_262, %add3A_264 : vector<16xi32>
      %gather3A_266 = tpu.vector_load_idx %arg10[%add3A_265, %get3A_130] : memref<6656x8xf32, #tpu.memory_space<vmem>>[vector<16xi32>, vector<16xi32>], vector<16xf32>,
      %mul3A_267 = arith.constant 16 : i32
      %mul3A_268 = vector.broadcast %mul3A_267 : i32 to vector<16xi32>
      %mul3A_269 = arith.muli %add3A_125, %mul3A_268 : vector<16xi32>
      %add3A_270 = arith.constant 10 : i32
      %add3A_271 = vector.broadcast %add3A_270 : i32 to vector<16xi32>
      %add3A_272 = arith.addi %mul3A_269, %add3A_271 : vector<16xi32>
      tpu.vector_store_idx %arg11[%add3A_272], %gather3A_266 : memref<6656xf32, #tpu.memory_space<vmem>>[vector<16xi32>], vector<16xf32>,
      %mul3A_273 = arith.constant 16 : i32
      %mul3A_274 = vector.broadcast %mul3A_273 : i32 to vector<16xi32>
      %mul3A_275 = arith.muli %add3A_125, %mul3A_274 : vector<16xi32>
      %add3A_276 = arith.constant 11 : i32
      %add3A_277 = vector.broadcast %add3A_276 : i32 to vector<16xi32>
      %add3A_278 = arith.addi %mul3A_275, %add3A_277 : vector<16xi32>
      %gather3A_279 = tpu.vector_load_idx %arg10[%add3A_278, %get3A_130] : memref<6656x8xf32, #tpu.memory_space<vmem>>[vector<16xi32>, vector<16xi32>], vector<16xf32>,
      %mul3A_280 = arith.constant 16 : i32
      %mul3A_281 = vector.broadcast %mul3A_280 : i32 to vector<16xi32>
      %mul3A_282 = arith.muli %add3A_125, %mul3A_281 : vector<16xi32>
      %add3A_283 = arith.constant 11 : i32
      %add3A_284 = vector.broadcast %add3A_283 : i32 to vector<16xi32>
      %add3A_285 = arith.addi %mul3A_282, %add3A_284 : vector<16xi32>
      tpu.vector_store_idx %arg11[%add3A_285], %gather3A_279 : memref<6656xf32, #tpu.memory_space<vmem>>[vector<16xi32>], vector<16xf32>,
      %mul3A_286 = arith.constant 16 : i32
      %mul3A_287 = vector.broadcast %mul3A_286 : i32 to vector<16xi32>
      %mul3A_288 = arith.muli %add3A_125, %mul3A_287 : vector<16xi32>
      %add3A_289 = arith.constant 12 : i32
      %add3A_290 = vector.broadcast %add3A_289 : i32 to vector<16xi32>
      %add3A_291 = arith.addi %mul3A_288, %add3A_290 : vector<16xi32>
      %gather3A_292 = tpu.vector_load_idx %arg10[%add3A_291, %get3A_130] : memref<6656x8xf32, #tpu.memory_space<vmem>>[vector<16xi32>, vector<16xi32>], vector<16xf32>,
      %mul3A_293 = arith.constant 16 : i32
      %mul3A_294 = vector.broadcast %mul3A_293 : i32 to vector<16xi32>
      %mul3A_295 = arith.muli %add3A_125, %mul3A_294 : vector<16xi32>
      %add3A_296 = arith.constant 12 : i32
      %add3A_297 = vector.broadcast %add3A_296 : i32 to vector<16xi32>
      %add3A_298 = arith.addi %mul3A_295, %add3A_297 : vector<16xi32>
      tpu.vector_store_idx %arg11[%add3A_298], %gather3A_292 : memref<6656xf32, #tpu.memory_space<vmem>>[vector<16xi32>], vector<16xf32>,
      %mul3A_299 = arith.constant 16 : i32
      %mul3A_300 = vector.broadcast %mul3A_299 : i32 to vector<16xi32>
      %mul3A_301 = arith.muli %add3A_125, %mul3A_300 : vector<16xi32>
      %add3A_302 = arith.constant 13 : i32
      %add3A_303 = vector.broadcast %add3A_302 : i32 to vector<16xi32>
      %add3A_304 = arith.addi %mul3A_301, %add3A_303 : vector<16xi32>
      %gather3A_305 = tpu.vector_load_idx %arg10[%add3A_304, %get3A_130] : memref<6656x8xf32, #tpu.memory_space<vmem>>[vector<16xi32>, vector<16xi32>], vector<16xf32>,
      %mul3A_306 = arith.constant 16 : i32
      %mul3A_307 = vector.broadcast %mul3A_306 : i32 to vector<16xi32>
      %mul3A_308 = arith.muli %add3A_125, %mul3A_307 : vector<16xi32>
      %add3A_309 = arith.constant 13 : i32
      %add3A_310 = vector.broadcast %add3A_309 : i32 to vector<16xi32>
      %add3A_311 = arith.addi %mul3A_308, %add3A_310 : vector<16xi32>
      tpu.vector_store_idx %arg11[%add3A_311], %gather3A_305 : memref<6656xf32, #tpu.memory_space<vmem>>[vector<16xi32>], vector<16xf32>,
      %mul3A_312 = arith.constant 16 : i32
      %mul3A_313 = vector.broadcast %mul3A_312 : i32 to vector<16xi32>
      %mul3A_314 = arith.muli %add3A_125, %mul3A_313 : vector<16xi32>
      %add3A_315 = arith.constant 14 : i32
      %add3A_316 = vector.broadcast %add3A_315 : i32 to vector<16xi32>
      %add3A_317 = arith.addi %mul3A_314, %add3A_316 : vector<16xi32>
      %gather3A_318 = tpu.vector_load_idx %arg10[%add3A_317, %get3A_130] : memref<6656x8xf32, #tpu.memory_space<vmem>>[vector<16xi32>, vector<16xi32>], vector<16xf32>,
      %mul3A_319 = arith.constant 16 : i32
      %mul3A_320 = vector.broadcast %mul3A_319 : i32 to vector<16xi32>
      %mul3A_321 = arith.muli %add3A_125, %mul3A_320 : vector<16xi32>
      %add3A_322 = arith.constant 14 : i32
      %add3A_323 = vector.broadcast %add3A_322 : i32 to vector<16xi32>
      %add3A_324 = arith.addi %mul3A_321, %add3A_323 : vector<16xi32>
      tpu.vector_store_idx %arg11[%add3A_324], %gather3A_318 : memref<6656xf32, #tpu.memory_space<vmem>>[vector<16xi32>], vector<16xf32>,
      %mul3A_325 = arith.constant 16 : i32
      %mul3A_326 = vector.broadcast %mul3A_325 : i32 to vector<16xi32>
      %mul3A_327 = arith.muli %add3A_125, %mul3A_326 : vector<16xi32>
      %add3A_328 = arith.constant 15 : i32
      %add3A_329 = vector.broadcast %add3A_328 : i32 to vector<16xi32>
      %add3A_330 = arith.addi %mul3A_327, %add3A_329 : vector<16xi32>
      %gather3A_331 = tpu.vector_load_idx %arg10[%add3A_330, %get3A_130] : memref<6656x8xf32, #tpu.memory_space<vmem>>[vector<16xi32>, vector<16xi32>], vector<16xf32>,
      %mul3A_332 = arith.constant 16 : i32
      %mul3A_333 = vector.broadcast %mul3A_332 : i32 to vector<16xi32>
      %mul3A_334 = arith.muli %add3A_125, %mul3A_333 : vector<16xi32>
      %add3A_335 = arith.constant 15 : i32
      %add3A_336 = vector.broadcast %add3A_335 : i32 to vector<16xi32>
      %add3A_337 = arith.addi %mul3A_334, %add3A_336 : vector<16xi32>
      tpu.vector_store_idx %arg11[%add3A_337], %gather3A_331 : memref<6656xf32, #tpu.memory_space<vmem>>[vector<16xi32>], vector<16xf32>,
    }
    %scan3A_54 = arith.constant 26 : i32
    %run_scoped3A_55 = arith.constant 3 : i32
    "tpu.region"() ({
      %run_scoped3A_121 = tpu.sem_alloc : memref<!tpu.dma_semaphore, #tpu.memory_space<semaphore_mem>>
      %dma_start3A_122 = arith.constant 0 : i32
      %dma_start3A_123 = tpu.memref_slice %arg7[%add3A, %run_scoped3A_55, %dma_start3A_122] : memref<32x8x6656xf32, #tpu.memory_space<hbm>> -> memref<1x1x6656xf32, #tpu.memory_space<hbm>>
      %dma_start3A_124 = tpu.memref_squeeze %dma_start3A_123 : memref<1x1x6656xf32, #tpu.memory_space<hbm>> -> memref<6656xf32, #tpu.memory_space<hbm>>
      %dma_start3A_125 = arith.constant 0 : i32
      %dma_start3A_126 = tpu.memref_slice %arg7[%add3A, %run_scoped3A_55, %dma_start3A_125] : memref<32x8x6656xf32, #tpu.memory_space<hbm>> -> memref<1x1x6656xf32, #tpu.memory_space<hbm>>
      %dma_start3A_127 = tpu.memref_squeeze %dma_start3A_126 : memref<1x1x6656xf32, #tpu.memory_space<hbm>> -> memref<6656xf32, #tpu.memory_space<hbm>>
      tpu.enqueue_dma source(%arg11 : memref<6656xf32, #tpu.memory_space<vmem>>) target(%dma_start3A_127 : memref<6656xf32, #tpu.memory_space<hbm>>) target_semaphore(%run_scoped3A_121 : memref<!tpu.dma_semaphore, #tpu.memory_space<semaphore_mem>>)
      %dma_wait3A_128 = arith.constant 0 : i32
      %dma_wait3A_129 = tpu.memref_slice %arg7[%add3A, %run_scoped3A_55, %dma_wait3A_128] : memref<32x8x6656xf32, #tpu.memory_space<hbm>> -> memref<1x1x6656xf32, #tpu.memory_space<hbm>>
      %dma_wait3A_130 = tpu.memref_squeeze %dma_wait3A_129 : memref<1x1x6656xf32, #tpu.memory_space<hbm>> -> memref<6656xf32, #tpu.memory_space<hbm>>
      %dma_wait3A_131 = arith.constant 0 : i32
      %dma_wait3A_132 = tpu.memref_slice %arg7[%add3A, %run_scoped3A_55, %dma_wait3A_131] : memref<32x8x6656xf32, #tpu.memory_space<hbm>> -> memref<1x1x6656xf32, #tpu.memory_space<hbm>>
      %dma_wait3A_133 = tpu.memref_squeeze %dma_wait3A_132 : memref<1x1x6656xf32, #tpu.memory_space<hbm>> -> memref<6656xf32, #tpu.memory_space<hbm>>
      tpu.wait_dma2 semaphore(%run_scoped3A_121 : memref<!tpu.dma_semaphore, #tpu.memory_space<semaphore_mem>>) src(%arg11 : memref<6656xf32, #tpu.memory_space<vmem>>) dst(%dma_wait3A_133 : memref<6656xf32, #tpu.memory_space<hbm>>)
      tpu.yield
    }) : () -> ()
    %run_scoped3A_56 = arith.constant 4 : i32
    "tpu.region"() ({
      %run_scoped3A_121 = tpu.sem_alloc : memref<!tpu.dma_semaphore, #tpu.memory_space<semaphore_mem>>
      %dma_start3A_122 = arith.constant 0 : i32
      %dma_start3A_123 = tpu.memref_slice %arg2[%add3A, %run_scoped3A_56, %dma_start3A_122] : memref<32x8x6656xi32, #tpu.memory_space<hbm>> -> memref<1x1x6656xi32, #tpu.memory_space<hbm>>
      %dma_start3A_124 = tpu.memref_squeeze %dma_start3A_123 : memref<1x1x6656xi32, #tpu.memory_space<hbm>> -> memref<6656xi32, #tpu.memory_space<hbm>>
      %dma_start3A_125 = arith.constant 0 : i32
      %dma_start3A_126 = tpu.memref_slice %arg2[%add3A, %run_scoped3A_56, %dma_start3A_125] : memref<32x8x6656xi32, #tpu.memory_space<hbm>> -> memref<1x1x6656xi32, #tpu.memory_space<hbm>>
      %dma_start3A_127 = tpu.memref_squeeze %dma_start3A_126 : memref<1x1x6656xi32, #tpu.memory_space<hbm>> -> memref<6656xi32, #tpu.memory_space<hbm>>
      tpu.enqueue_dma source(%dma_start3A_127 : memref<6656xi32, #tpu.memory_space<hbm>>) target(%arg9 : memref<6656xi32, #tpu.memory_space<vmem>>) target_semaphore(%run_scoped3A_121 : memref<!tpu.dma_semaphore, #tpu.memory_space<semaphore_mem>>)
      %dma_wait3A_128 = arith.constant 0 : i32
      %dma_wait3A_129 = tpu.memref_slice %arg2[%add3A, %run_scoped3A_56, %dma_wait3A_128] : memref<32x8x6656xi32, #tpu.memory_space<hbm>> -> memref<1x1x6656xi32, #tpu.memory_space<hbm>>
      %dma_wait3A_130 = tpu.memref_squeeze %dma_wait3A_129 : memref<1x1x6656xi32, #tpu.memory_space<hbm>> -> memref<6656xi32, #tpu.memory_space<hbm>>
      %dma_wait3A_131 = arith.constant 0 : i32
      %dma_wait3A_132 = tpu.memref_slice %arg2[%add3A, %run_scoped3A_56, %dma_wait3A_131] : memref<32x8x6656xi32, #tpu.memory_space<hbm>> -> memref<1x1x6656xi32, #tpu.memory_space<hbm>>
      %dma_wait3A_133 = tpu.memref_squeeze %dma_wait3A_132 : memref<1x1x6656xi32, #tpu.memory_space<hbm>> -> memref<6656xi32, #tpu.memory_space<hbm>>
      tpu.wait_dma2 semaphore(%run_scoped3A_121 : memref<!tpu.dma_semaphore, #tpu.memory_space<semaphore_mem>>) src(%dma_wait3A_133 : memref<6656xi32, #tpu.memory_space<hbm>>) dst(%arg9 : memref<6656xi32, #tpu.memory_space<vmem>>)
      tpu.yield
    }) : () -> ()
    %dma_start3A_57 = arith.constant 0 : i32
    %dma_start3A_58 = arith.constant 0 : i32
    %dma_start3A_59 = tpu.memref_slice %arg5[%dma_start3A_57, %dma_start3A_58] : memref<5200000x8xf32, #tpu.memory_space<hbm>> -> memref<5200000x8xf32, #tpu.memory_space<hbm>>
    tpu.enqueue_indirect_dma source(%dma_start3A_59 : memref<5200000x8xf32, #tpu.memory_space<hbm>>) target(%arg10 : memref<6656x8xf32, #tpu.memory_space<vmem>>) offsets(%arg9 : memref<6656xi32, #tpu.memory_space<vmem>>) semaphore(%arg16 : memref<!tpu.dma_semaphore, #tpu.memory_space<semaphore_mem>>)
    %dma_wait3A_60 = arith.constant 0 : i32
    %dma_wait3A_61 = arith.constant 0 : i32
    %dma_wait3A_62 = tpu.memref_slice %arg5[%dma_wait3A_60, %dma_wait3A_61] : memref<5200000x8xf32, #tpu.memory_space<hbm>> -> memref<5200000x8xf32, #tpu.memory_space<hbm>>
    tpu.wait_indirect_dma semaphore(%arg16 : memref<!tpu.dma_semaphore, #tpu.memory_space<semaphore_mem>>) src(%dma_wait3A_62 : memref<5200000x8xf32, #tpu.memory_space<hbm>>) dst(%arg10 : memref<6656x8xf32, #tpu.memory_space<vmem>>)
    %scan3A_63 = arith.constant 0 : i32
    %scan3A_64 = arith.constant 0 : i32
    %scan3A_65 = arith.constant 26 : i32
    %scan3A_66 = arith.addi %scan3A_64, %scan3A_65 : i32
    %scan3A_67 = arith.constant 1 : i32
    scf.for %scan3A_121 = %scan3A_64 to %scan3A_66 step %scan3A_67  : i32 {
      %mul3A_122 = arith.constant 16 : i32
      %mul3A_123 = arith.muli %scan3A_121, %mul3A_122 : i32
      %add3A_124 = vector.broadcast %mul3A_123 : i32 to vector<16xi32>
      %add3A_125 = arith.addi %add3A_124, %iota3A : vector<16xi32>
      %mul3A_126 = arith.constant 16 : i32
      %mul3A_127 = arith.muli %scan3A_121, %mul3A_126 : i32
      %add3A_128 = arith.constant 1664 : i32
      %add3A_129 = arith.addi %add3A_128, %mul3A_127 : i32
      %get3A = arith.index_cast %add3A_129 : i32 to index
      %get3A_130 = tpu.vector_load %arg14[%get3A] {strides = array<i32>} : memref<3328xi32, #tpu.memory_space<vmem>>, vector<16xi32>,
      %mul3A_131 = arith.constant 16 : i32
      %mul3A_132 = vector.broadcast %mul3A_131 : i32 to vector<16xi32>
      %mul3A_133 = arith.muli %add3A_125, %mul3A_132 : vector<16xi32>
      %add3A_134 = arith.constant 0 : i32
      %add3A_135 = vector.broadcast %add3A_134 : i32 to vector<16xi32>
      %add3A_136 = arith.addi %mul3A_133, %add3A_135 : vector<16xi32>
      %gather3A = tpu.vector_load_idx %arg10[%add3A_136, %get3A_130] : memref<6656x8xf32, #tpu.memory_space<vmem>>[vector<16xi32>, vector<16xi32>], vector<16xf32>,
      %mul3A_137 = arith.constant 16 : i32
      %mul3A_138 = vector.broadcast %mul3A_137 : i32 to vector<16xi32>
      %mul3A_139 = arith.muli %add3A_125, %mul3A_138 : vector<16xi32>
      %add3A_140 = arith.constant 0 : i32
      %add3A_141 = vector.broadcast %add3A_140 : i32 to vector<16xi32>
      %add3A_142 = arith.addi %mul3A_139, %add3A_141 : vector<16xi32>
      tpu.vector_store_idx %arg11[%add3A_142], %gather3A : memref<6656xf32, #tpu.memory_space<vmem>>[vector<16xi32>], vector<16xf32>,
      %mul3A_143 = arith.constant 16 : i32
      %mul3A_144 = vector.broadcast %mul3A_143 : i32 to vector<16xi32>
      %mul3A_145 = arith.muli %add3A_125, %mul3A_144 : vector<16xi32>
      %add3A_146 = arith.constant 1 : i32
      %add3A_147 = vector.broadcast %add3A_146 : i32 to vector<16xi32>
      %add3A_148 = arith.addi %mul3A_145, %add3A_147 : vector<16xi32>
      %gather3A_149 = tpu.vector_load_idx %arg10[%add3A_148, %get3A_130] : memref<6656x8xf32, #tpu.memory_space<vmem>>[vector<16xi32>, vector<16xi32>], vector<16xf32>,
      %mul3A_150 = arith.constant 16 : i32
      %mul3A_151 = vector.broadcast %mul3A_150 : i32 to vector<16xi32>
      %mul3A_152 = arith.muli %add3A_125, %mul3A_151 : vector<16xi32>
      %add3A_153 = arith.constant 1 : i32
      %add3A_154 = vector.broadcast %add3A_153 : i32 to vector<16xi32>
      %add3A_155 = arith.addi %mul3A_152, %add3A_154 : vector<16xi32>
      tpu.vector_store_idx %arg11[%add3A_155], %gather3A_149 : memref<6656xf32, #tpu.memory_space<vmem>>[vector<16xi32>], vector<16xf32>,
      %mul3A_156 = arith.constant 16 : i32
      %mul3A_157 = vector.broadcast %mul3A_156 : i32 to vector<16xi32>
      %mul3A_158 = arith.muli %add3A_125, %mul3A_157 : vector<16xi32>
      %add3A_159 = arith.constant 2 : i32
      %add3A_160 = vector.broadcast %add3A_159 : i32 to vector<16xi32>
      %add3A_161 = arith.addi %mul3A_158, %add3A_160 : vector<16xi32>
      %gather3A_162 = tpu.vector_load_idx %arg10[%add3A_161, %get3A_130] : memref<6656x8xf32, #tpu.memory_space<vmem>>[vector<16xi32>, vector<16xi32>], vector<16xf32>,
      %mul3A_163 = arith.constant 16 : i32
      %mul3A_164 = vector.broadcast %mul3A_163 : i32 to vector<16xi32>
      %mul3A_165 = arith.muli %add3A_125, %mul3A_164 : vector<16xi32>
      %add3A_166 = arith.constant 2 : i32
      %add3A_167 = vector.broadcast %add3A_166 : i32 to vector<16xi32>
      %add3A_168 = arith.addi %mul3A_165, %add3A_167 : vector<16xi32>
      tpu.vector_store_idx %arg11[%add3A_168], %gather3A_162 : memref<6656xf32, #tpu.memory_space<vmem>>[vector<16xi32>], vector<16xf32>,
      %mul3A_169 = arith.constant 16 : i32
      %mul3A_170 = vector.broadcast %mul3A_169 : i32 to vector<16xi32>
      %mul3A_171 = arith.muli %add3A_125, %mul3A_170 : vector<16xi32>
      %add3A_172 = arith.constant 3 : i32
      %add3A_173 = vector.broadcast %add3A_172 : i32 to vector<16xi32>
      %add3A_174 = arith.addi %mul3A_171, %add3A_173 : vector<16xi32>
      %gather3A_175 = tpu.vector_load_idx %arg10[%add3A_174, %get3A_130] : memref<6656x8xf32, #tpu.memory_space<vmem>>[vector<16xi32>, vector<16xi32>], vector<16xf32>,
      %mul3A_176 = arith.constant 16 : i32
      %mul3A_177 = vector.broadcast %mul3A_176 : i32 to vector<16xi32>
      %mul3A_178 = arith.muli %add3A_125, %mul3A_177 : vector<16xi32>
      %add3A_179 = arith.constant 3 : i32
      %add3A_180 = vector.broadcast %add3A_179 : i32 to vector<16xi32>
      %add3A_181 = arith.addi %mul3A_178, %add3A_180 : vector<16xi32>
      tpu.vector_store_idx %arg11[%add3A_181], %gather3A_175 : memref<6656xf32, #tpu.memory_space<vmem>>[vector<16xi32>], vector<16xf32>,
      %mul3A_182 = arith.constant 16 : i32
      %mul3A_183 = vector.broadcast %mul3A_182 : i32 to vector<16xi32>
      %mul3A_184 = arith.muli %add3A_125, %mul3A_183 : vector<16xi32>
      %add3A_185 = arith.constant 4 : i32
      %add3A_186 = vector.broadcast %add3A_185 : i32 to vector<16xi32>
      %add3A_187 = arith.addi %mul3A_184, %add3A_186 : vector<16xi32>
      %gather3A_188 = tpu.vector_load_idx %arg10[%add3A_187, %get3A_130] : memref<6656x8xf32, #tpu.memory_space<vmem>>[vector<16xi32>, vector<16xi32>], vector<16xf32>,
      %mul3A_189 = arith.constant 16 : i32
      %mul3A_190 = vector.broadcast %mul3A_189 : i32 to vector<16xi32>
      %mul3A_191 = arith.muli %add3A_125, %mul3A_190 : vector<16xi32>
      %add3A_192 = arith.constant 4 : i32
      %add3A_193 = vector.broadcast %add3A_192 : i32 to vector<16xi32>
      %add3A_194 = arith.addi %mul3A_191, %add3A_193 : vector<16xi32>
      tpu.vector_store_idx %arg11[%add3A_194], %gather3A_188 : memref<6656xf32, #tpu.memory_space<vmem>>[vector<16xi32>], vector<16xf32>,
      %mul3A_195 = arith.constant 16 : i32
      %mul3A_196 = vector.broadcast %mul3A_195 : i32 to vector<16xi32>
      %mul3A_197 = arith.muli %add3A_125, %mul3A_196 : vector<16xi32>
      %add3A_198 = arith.constant 5 : i32
      %add3A_199 = vector.broadcast %add3A_198 : i32 to vector<16xi32>
      %add3A_200 = arith.addi %mul3A_197, %add3A_199 : vector<16xi32>
      %gather3A_201 = tpu.vector_load_idx %arg10[%add3A_200, %get3A_130] : memref<6656x8xf32, #tpu.memory_space<vmem>>[vector<16xi32>, vector<16xi32>], vector<16xf32>,
      %mul3A_202 = arith.constant 16 : i32
      %mul3A_203 = vector.broadcast %mul3A_202 : i32 to vector<16xi32>
      %mul3A_204 = arith.muli %add3A_125, %mul3A_203 : vector<16xi32>
      %add3A_205 = arith.constant 5 : i32
      %add3A_206 = vector.broadcast %add3A_205 : i32 to vector<16xi32>
      %add3A_207 = arith.addi %mul3A_204, %add3A_206 : vector<16xi32>
      tpu.vector_store_idx %arg11[%add3A_207], %gather3A_201 : memref<6656xf32, #tpu.memory_space<vmem>>[vector<16xi32>], vector<16xf32>,
      %mul3A_208 = arith.constant 16 : i32
      %mul3A_209 = vector.broadcast %mul3A_208 : i32 to vector<16xi32>
      %mul3A_210 = arith.muli %add3A_125, %mul3A_209 : vector<16xi32>
      %add3A_211 = arith.constant 6 : i32
      %add3A_212 = vector.broadcast %add3A_211 : i32 to vector<16xi32>
      %add3A_213 = arith.addi %mul3A_210, %add3A_212 : vector<16xi32>
      %gather3A_214 = tpu.vector_load_idx %arg10[%add3A_213, %get3A_130] : memref<6656x8xf32, #tpu.memory_space<vmem>>[vector<16xi32>, vector<16xi32>], vector<16xf32>,
      %mul3A_215 = arith.constant 16 : i32
      %mul3A_216 = vector.broadcast %mul3A_215 : i32 to vector<16xi32>
      %mul3A_217 = arith.muli %add3A_125, %mul3A_216 : vector<16xi32>
      %add3A_218 = arith.constant 6 : i32
      %add3A_219 = vector.broadcast %add3A_218 : i32 to vector<16xi32>
      %add3A_220 = arith.addi %mul3A_217, %add3A_219 : vector<16xi32>
      tpu.vector_store_idx %arg11[%add3A_220], %gather3A_214 : memref<6656xf32, #tpu.memory_space<vmem>>[vector<16xi32>], vector<16xf32>,
      %mul3A_221 = arith.constant 16 : i32
      %mul3A_222 = vector.broadcast %mul3A_221 : i32 to vector<16xi32>
      %mul3A_223 = arith.muli %add3A_125, %mul3A_222 : vector<16xi32>
      %add3A_224 = arith.constant 7 : i32
      %add3A_225 = vector.broadcast %add3A_224 : i32 to vector<16xi32>
      %add3A_226 = arith.addi %mul3A_223, %add3A_225 : vector<16xi32>
      %gather3A_227 = tpu.vector_load_idx %arg10[%add3A_226, %get3A_130] : memref<6656x8xf32, #tpu.memory_space<vmem>>[vector<16xi32>, vector<16xi32>], vector<16xf32>,
      %mul3A_228 = arith.constant 16 : i32
      %mul3A_229 = vector.broadcast %mul3A_228 : i32 to vector<16xi32>
      %mul3A_230 = arith.muli %add3A_125, %mul3A_229 : vector<16xi32>
      %add3A_231 = arith.constant 7 : i32
      %add3A_232 = vector.broadcast %add3A_231 : i32 to vector<16xi32>
      %add3A_233 = arith.addi %mul3A_230, %add3A_232 : vector<16xi32>
      tpu.vector_store_idx %arg11[%add3A_233], %gather3A_227 : memref<6656xf32, #tpu.memory_space<vmem>>[vector<16xi32>], vector<16xf32>,
      %mul3A_234 = arith.constant 16 : i32
      %mul3A_235 = vector.broadcast %mul3A_234 : i32 to vector<16xi32>
      %mul3A_236 = arith.muli %add3A_125, %mul3A_235 : vector<16xi32>
      %add3A_237 = arith.constant 8 : i32
      %add3A_238 = vector.broadcast %add3A_237 : i32 to vector<16xi32>
      %add3A_239 = arith.addi %mul3A_236, %add3A_238 : vector<16xi32>
      %gather3A_240 = tpu.vector_load_idx %arg10[%add3A_239, %get3A_130] : memref<6656x8xf32, #tpu.memory_space<vmem>>[vector<16xi32>, vector<16xi32>], vector<16xf32>,
      %mul3A_241 = arith.constant 16 : i32
      %mul3A_242 = vector.broadcast %mul3A_241 : i32 to vector<16xi32>
      %mul3A_243 = arith.muli %add3A_125, %mul3A_242 : vector<16xi32>
      %add3A_244 = arith.constant 8 : i32
      %add3A_245 = vector.broadcast %add3A_244 : i32 to vector<16xi32>
      %add3A_246 = arith.addi %mul3A_243, %add3A_245 : vector<16xi32>
      tpu.vector_store_idx %arg11[%add3A_246], %gather3A_240 : memref<6656xf32, #tpu.memory_space<vmem>>[vector<16xi32>], vector<16xf32>,
      %mul3A_247 = arith.constant 16 : i32
      %mul3A_248 = vector.broadcast %mul3A_247 : i32 to vector<16xi32>
      %mul3A_249 = arith.muli %add3A_125, %mul3A_248 : vector<16xi32>
      %add3A_250 = arith.constant 9 : i32
      %add3A_251 = vector.broadcast %add3A_250 : i32 to vector<16xi32>
      %add3A_252 = arith.addi %mul3A_249, %add3A_251 : vector<16xi32>
      %gather3A_253 = tpu.vector_load_idx %arg10[%add3A_252, %get3A_130] : memref<6656x8xf32, #tpu.memory_space<vmem>>[vector<16xi32>, vector<16xi32>], vector<16xf32>,
      %mul3A_254 = arith.constant 16 : i32
      %mul3A_255 = vector.broadcast %mul3A_254 : i32 to vector<16xi32>
      %mul3A_256 = arith.muli %add3A_125, %mul3A_255 : vector<16xi32>
      %add3A_257 = arith.constant 9 : i32
      %add3A_258 = vector.broadcast %add3A_257 : i32 to vector<16xi32>
      %add3A_259 = arith.addi %mul3A_256, %add3A_258 : vector<16xi32>
      tpu.vector_store_idx %arg11[%add3A_259], %gather3A_253 : memref<6656xf32, #tpu.memory_space<vmem>>[vector<16xi32>], vector<16xf32>,
      %mul3A_260 = arith.constant 16 : i32
      %mul3A_261 = vector.broadcast %mul3A_260 : i32 to vector<16xi32>
      %mul3A_262 = arith.muli %add3A_125, %mul3A_261 : vector<16xi32>
      %add3A_263 = arith.constant 10 : i32
      %add3A_264 = vector.broadcast %add3A_263 : i32 to vector<16xi32>
      %add3A_265 = arith.addi %mul3A_262, %add3A_264 : vector<16xi32>
      %gather3A_266 = tpu.vector_load_idx %arg10[%add3A_265, %get3A_130] : memref<6656x8xf32, #tpu.memory_space<vmem>>[vector<16xi32>, vector<16xi32>], vector<16xf32>,
      %mul3A_267 = arith.constant 16 : i32
      %mul3A_268 = vector.broadcast %mul3A_267 : i32 to vector<16xi32>
      %mul3A_269 = arith.muli %add3A_125, %mul3A_268 : vector<16xi32>
      %add3A_270 = arith.constant 10 : i32
      %add3A_271 = vector.broadcast %add3A_270 : i32 to vector<16xi32>
      %add3A_272 = arith.addi %mul3A_269, %add3A_271 : vector<16xi32>
      tpu.vector_store_idx %arg11[%add3A_272], %gather3A_266 : memref<6656xf32, #tpu.memory_space<vmem>>[vector<16xi32>], vector<16xf32>,
      %mul3A_273 = arith.constant 16 : i32
      %mul3A_274 = vector.broadcast %mul3A_273 : i32 to vector<16xi32>
      %mul3A_275 = arith.muli %add3A_125, %mul3A_274 : vector<16xi32>
      %add3A_276 = arith.constant 11 : i32
      %add3A_277 = vector.broadcast %add3A_276 : i32 to vector<16xi32>
      %add3A_278 = arith.addi %mul3A_275, %add3A_277 : vector<16xi32>
      %gather3A_279 = tpu.vector_load_idx %arg10[%add3A_278, %get3A_130] : memref<6656x8xf32, #tpu.memory_space<vmem>>[vector<16xi32>, vector<16xi32>], vector<16xf32>,
      %mul3A_280 = arith.constant 16 : i32
      %mul3A_281 = vector.broadcast %mul3A_280 : i32 to vector<16xi32>
      %mul3A_282 = arith.muli %add3A_125, %mul3A_281 : vector<16xi32>
      %add3A_283 = arith.constant 11 : i32
      %add3A_284 = vector.broadcast %add3A_283 : i32 to vector<16xi32>
      %add3A_285 = arith.addi %mul3A_282, %add3A_284 : vector<16xi32>
      tpu.vector_store_idx %arg11[%add3A_285], %gather3A_279 : memref<6656xf32, #tpu.memory_space<vmem>>[vector<16xi32>], vector<16xf32>,
      %mul3A_286 = arith.constant 16 : i32
      %mul3A_287 = vector.broadcast %mul3A_286 : i32 to vector<16xi32>
      %mul3A_288 = arith.muli %add3A_125, %mul3A_287 : vector<16xi32>
      %add3A_289 = arith.constant 12 : i32
      %add3A_290 = vector.broadcast %add3A_289 : i32 to vector<16xi32>
      %add3A_291 = arith.addi %mul3A_288, %add3A_290 : vector<16xi32>
      %gather3A_292 = tpu.vector_load_idx %arg10[%add3A_291, %get3A_130] : memref<6656x8xf32, #tpu.memory_space<vmem>>[vector<16xi32>, vector<16xi32>], vector<16xf32>,
      %mul3A_293 = arith.constant 16 : i32
      %mul3A_294 = vector.broadcast %mul3A_293 : i32 to vector<16xi32>
      %mul3A_295 = arith.muli %add3A_125, %mul3A_294 : vector<16xi32>
      %add3A_296 = arith.constant 12 : i32
      %add3A_297 = vector.broadcast %add3A_296 : i32 to vector<16xi32>
      %add3A_298 = arith.addi %mul3A_295, %add3A_297 : vector<16xi32>
      tpu.vector_store_idx %arg11[%add3A_298], %gather3A_292 : memref<6656xf32, #tpu.memory_space<vmem>>[vector<16xi32>], vector<16xf32>,
      %mul3A_299 = arith.constant 16 : i32
      %mul3A_300 = vector.broadcast %mul3A_299 : i32 to vector<16xi32>
      %mul3A_301 = arith.muli %add3A_125, %mul3A_300 : vector<16xi32>
      %add3A_302 = arith.constant 13 : i32
      %add3A_303 = vector.broadcast %add3A_302 : i32 to vector<16xi32>
      %add3A_304 = arith.addi %mul3A_301, %add3A_303 : vector<16xi32>
      %gather3A_305 = tpu.vector_load_idx %arg10[%add3A_304, %get3A_130] : memref<6656x8xf32, #tpu.memory_space<vmem>>[vector<16xi32>, vector<16xi32>], vector<16xf32>,
      %mul3A_306 = arith.constant 16 : i32
      %mul3A_307 = vector.broadcast %mul3A_306 : i32 to vector<16xi32>
      %mul3A_308 = arith.muli %add3A_125, %mul3A_307 : vector<16xi32>
      %add3A_309 = arith.constant 13 : i32
      %add3A_310 = vector.broadcast %add3A_309 : i32 to vector<16xi32>
      %add3A_311 = arith.addi %mul3A_308, %add3A_310 : vector<16xi32>
      tpu.vector_store_idx %arg11[%add3A_311], %gather3A_305 : memref<6656xf32, #tpu.memory_space<vmem>>[vector<16xi32>], vector<16xf32>,
      %mul3A_312 = arith.constant 16 : i32
      %mul3A_313 = vector.broadcast %mul3A_312 : i32 to vector<16xi32>
      %mul3A_314 = arith.muli %add3A_125, %mul3A_313 : vector<16xi32>
      %add3A_315 = arith.constant 14 : i32
      %add3A_316 = vector.broadcast %add3A_315 : i32 to vector<16xi32>
      %add3A_317 = arith.addi %mul3A_314, %add3A_316 : vector<16xi32>
      %gather3A_318 = tpu.vector_load_idx %arg10[%add3A_317, %get3A_130] : memref<6656x8xf32, #tpu.memory_space<vmem>>[vector<16xi32>, vector<16xi32>], vector<16xf32>,
      %mul3A_319 = arith.constant 16 : i32
      %mul3A_320 = vector.broadcast %mul3A_319 : i32 to vector<16xi32>
      %mul3A_321 = arith.muli %add3A_125, %mul3A_320 : vector<16xi32>
      %add3A_322 = arith.constant 14 : i32
      %add3A_323 = vector.broadcast %add3A_322 : i32 to vector<16xi32>
      %add3A_324 = arith.addi %mul3A_321, %add3A_323 : vector<16xi32>
      tpu.vector_store_idx %arg11[%add3A_324], %gather3A_318 : memref<6656xf32, #tpu.memory_space<vmem>>[vector<16xi32>], vector<16xf32>,
      %mul3A_325 = arith.constant 16 : i32
      %mul3A_326 = vector.broadcast %mul3A_325 : i32 to vector<16xi32>
      %mul3A_327 = arith.muli %add3A_125, %mul3A_326 : vector<16xi32>
      %add3A_328 = arith.constant 15 : i32
      %add3A_329 = vector.broadcast %add3A_328 : i32 to vector<16xi32>
      %add3A_330 = arith.addi %mul3A_327, %add3A_329 : vector<16xi32>
      %gather3A_331 = tpu.vector_load_idx %arg10[%add3A_330, %get3A_130] : memref<6656x8xf32, #tpu.memory_space<vmem>>[vector<16xi32>, vector<16xi32>], vector<16xf32>,
      %mul3A_332 = arith.constant 16 : i32
      %mul3A_333 = vector.broadcast %mul3A_332 : i32 to vector<16xi32>
      %mul3A_334 = arith.muli %add3A_125, %mul3A_333 : vector<16xi32>
      %add3A_335 = arith.constant 15 : i32
      %add3A_336 = vector.broadcast %add3A_335 : i32 to vector<16xi32>
      %add3A_337 = arith.addi %mul3A_334, %add3A_336 : vector<16xi32>
      tpu.vector_store_idx %arg11[%add3A_337], %gather3A_331 : memref<6656xf32, #tpu.memory_space<vmem>>[vector<16xi32>], vector<16xf32>,
    }
    %scan3A_68 = arith.constant 26 : i32
    %run_scoped3A_69 = arith.constant 4 : i32
    "tpu.region"() ({
      %run_scoped3A_121 = tpu.sem_alloc : memref<!tpu.dma_semaphore, #tpu.memory_space<semaphore_mem>>
      %dma_start3A_122 = arith.constant 0 : i32
      %dma_start3A_123 = tpu.memref_slice %arg7[%add3A, %run_scoped3A_69, %dma_start3A_122] : memref<32x8x6656xf32, #tpu.memory_space<hbm>> -> memref<1x1x6656xf32, #tpu.memory_space<hbm>>
      %dma_start3A_124 = tpu.memref_squeeze %dma_start3A_123 : memref<1x1x6656xf32, #tpu.memory_space<hbm>> -> memref<6656xf32, #tpu.memory_space<hbm>>
      %dma_start3A_125 = arith.constant 0 : i32
      %dma_start3A_126 = tpu.memref_slice %arg7[%add3A, %run_scoped3A_69, %dma_start3A_125] : memref<32x8x6656xf32, #tpu.memory_space<hbm>> -> memref<1x1x6656xf32, #tpu.memory_space<hbm>>
      %dma_start3A_127 = tpu.memref_squeeze %dma_start3A_126 : memref<1x1x6656xf32, #tpu.memory_space<hbm>> -> memref<6656xf32, #tpu.memory_space<hbm>>
      tpu.enqueue_dma source(%arg11 : memref<6656xf32, #tpu.memory_space<vmem>>) target(%dma_start3A_127 : memref<6656xf32, #tpu.memory_space<hbm>>) target_semaphore(%run_scoped3A_121 : memref<!tpu.dma_semaphore, #tpu.memory_space<semaphore_mem>>)
      %dma_wait3A_128 = arith.constant 0 : i32
      %dma_wait3A_129 = tpu.memref_slice %arg7[%add3A, %run_scoped3A_69, %dma_wait3A_128] : memref<32x8x6656xf32, #tpu.memory_space<hbm>> -> memref<1x1x6656xf32, #tpu.memory_space<hbm>>
      %dma_wait3A_130 = tpu.memref_squeeze %dma_wait3A_129 : memref<1x1x6656xf32, #tpu.memory_space<hbm>> -> memref<6656xf32, #tpu.memory_space<hbm>>
      %dma_wait3A_131 = arith.constant 0 : i32
      %dma_wait3A_132 = tpu.memref_slice %arg7[%add3A, %run_scoped3A_69, %dma_wait3A_131] : memref<32x8x6656xf32, #tpu.memory_space<hbm>> -> memref<1x1x6656xf32, #tpu.memory_space<hbm>>
      %dma_wait3A_133 = tpu.memref_squeeze %dma_wait3A_132 : memref<1x1x6656xf32, #tpu.memory_space<hbm>> -> memref<6656xf32, #tpu.memory_space<hbm>>
      tpu.wait_dma2 semaphore(%run_scoped3A_121 : memref<!tpu.dma_semaphore, #tpu.memory_space<semaphore_mem>>) src(%arg11 : memref<6656xf32, #tpu.memory_space<vmem>>) dst(%dma_wait3A_133 : memref<6656xf32, #tpu.memory_space<hbm>>)
      tpu.yield
    }) : () -> ()
    %run_scoped3A_70 = arith.constant 5 : i32
    "tpu.region"() ({
      %run_scoped3A_121 = tpu.sem_alloc : memref<!tpu.dma_semaphore, #tpu.memory_space<semaphore_mem>>
      %dma_start3A_122 = arith.constant 0 : i32
      %dma_start3A_123 = tpu.memref_slice %arg2[%add3A, %run_scoped3A_70, %dma_start3A_122] : memref<32x8x6656xi32, #tpu.memory_space<hbm>> -> memref<1x1x6656xi32, #tpu.memory_space<hbm>>
      %dma_start3A_124 = tpu.memref_squeeze %dma_start3A_123 : memref<1x1x6656xi32, #tpu.memory_space<hbm>> -> memref<6656xi32, #tpu.memory_space<hbm>>
      %dma_start3A_125 = arith.constant 0 : i32
      %dma_start3A_126 = tpu.memref_slice %arg2[%add3A, %run_scoped3A_70, %dma_start3A_125] : memref<32x8x6656xi32, #tpu.memory_space<hbm>> -> memref<1x1x6656xi32, #tpu.memory_space<hbm>>
      %dma_start3A_127 = tpu.memref_squeeze %dma_start3A_126 : memref<1x1x6656xi32, #tpu.memory_space<hbm>> -> memref<6656xi32, #tpu.memory_space<hbm>>
      tpu.enqueue_dma source(%dma_start3A_127 : memref<6656xi32, #tpu.memory_space<hbm>>) target(%arg9 : memref<6656xi32, #tpu.memory_space<vmem>>) target_semaphore(%run_scoped3A_121 : memref<!tpu.dma_semaphore, #tpu.memory_space<semaphore_mem>>)
      %dma_wait3A_128 = arith.constant 0 : i32
      %dma_wait3A_129 = tpu.memref_slice %arg2[%add3A, %run_scoped3A_70, %dma_wait3A_128] : memref<32x8x6656xi32, #tpu.memory_space<hbm>> -> memref<1x1x6656xi32, #tpu.memory_space<hbm>>
      %dma_wait3A_130 = tpu.memref_squeeze %dma_wait3A_129 : memref<1x1x6656xi32, #tpu.memory_space<hbm>> -> memref<6656xi32, #tpu.memory_space<hbm>>
      %dma_wait3A_131 = arith.constant 0 : i32
      %dma_wait3A_132 = tpu.memref_slice %arg2[%add3A, %run_scoped3A_70, %dma_wait3A_131] : memref<32x8x6656xi32, #tpu.memory_space<hbm>> -> memref<1x1x6656xi32, #tpu.memory_space<hbm>>
      %dma_wait3A_133 = tpu.memref_squeeze %dma_wait3A_132 : memref<1x1x6656xi32, #tpu.memory_space<hbm>> -> memref<6656xi32, #tpu.memory_space<hbm>>
      tpu.wait_dma2 semaphore(%run_scoped3A_121 : memref<!tpu.dma_semaphore, #tpu.memory_space<semaphore_mem>>) src(%dma_wait3A_133 : memref<6656xi32, #tpu.memory_space<hbm>>) dst(%arg9 : memref<6656xi32, #tpu.memory_space<vmem>>)
      tpu.yield
    }) : () -> ()
    %dma_start3A_71 = arith.constant 0 : i32
    %dma_start3A_72 = arith.constant 0 : i32
    %dma_start3A_73 = tpu.memref_slice %arg5[%dma_start3A_71, %dma_start3A_72] : memref<5200000x8xf32, #tpu.memory_space<hbm>> -> memref<5200000x8xf32, #tpu.memory_space<hbm>>
    tpu.enqueue_indirect_dma source(%dma_start3A_73 : memref<5200000x8xf32, #tpu.memory_space<hbm>>) target(%arg10 : memref<6656x8xf32, #tpu.memory_space<vmem>>) offsets(%arg9 : memref<6656xi32, #tpu.memory_space<vmem>>) semaphore(%arg16 : memref<!tpu.dma_semaphore, #tpu.memory_space<semaphore_mem>>)
    %dma_wait3A_74 = arith.constant 0 : i32
    %dma_wait3A_75 = arith.constant 0 : i32
    %dma_wait3A_76 = tpu.memref_slice %arg5[%dma_wait3A_74, %dma_wait3A_75] : memref<5200000x8xf32, #tpu.memory_space<hbm>> -> memref<5200000x8xf32, #tpu.memory_space<hbm>>
    tpu.wait_indirect_dma semaphore(%arg16 : memref<!tpu.dma_semaphore, #tpu.memory_space<semaphore_mem>>) src(%dma_wait3A_76 : memref<5200000x8xf32, #tpu.memory_space<hbm>>) dst(%arg10 : memref<6656x8xf32, #tpu.memory_space<vmem>>)
    %scan3A_77 = arith.constant 0 : i32
    %scan3A_78 = arith.constant 0 : i32
    %scan3A_79 = arith.constant 26 : i32
    %scan3A_80 = arith.addi %scan3A_78, %scan3A_79 : i32
    %scan3A_81 = arith.constant 1 : i32
    scf.for %scan3A_121 = %scan3A_78 to %scan3A_80 step %scan3A_81  : i32 {
      %mul3A_122 = arith.constant 16 : i32
      %mul3A_123 = arith.muli %scan3A_121, %mul3A_122 : i32
      %add3A_124 = vector.broadcast %mul3A_123 : i32 to vector<16xi32>
      %add3A_125 = arith.addi %add3A_124, %iota3A : vector<16xi32>
      %mul3A_126 = arith.constant 16 : i32
      %mul3A_127 = arith.muli %scan3A_121, %mul3A_126 : i32
      %add3A_128 = arith.constant 2080 : i32
      %add3A_129 = arith.addi %add3A_128, %mul3A_127 : i32
      %get3A = arith.index_cast %add3A_129 : i32 to index
      %get3A_130 = tpu.vector_load %arg14[%get3A] {strides = array<i32>} : memref<3328xi32, #tpu.memory_space<vmem>>, vector<16xi32>,
      %mul3A_131 = arith.constant 16 : i32
      %mul3A_132 = vector.broadcast %mul3A_131 : i32 to vector<16xi32>
      %mul3A_133 = arith.muli %add3A_125, %mul3A_132 : vector<16xi32>
      %add3A_134 = arith.constant 0 : i32
      %add3A_135 = vector.broadcast %add3A_134 : i32 to vector<16xi32>
      %add3A_136 = arith.addi %mul3A_133, %add3A_135 : vector<16xi32>
      %gather3A = tpu.vector_load_idx %arg10[%add3A_136, %get3A_130] : memref<6656x8xf32, #tpu.memory_space<vmem>>[vector<16xi32>, vector<16xi32>], vector<16xf32>,
      %mul3A_137 = arith.constant 16 : i32
      %mul3A_138 = vector.broadcast %mul3A_137 : i32 to vector<16xi32>
      %mul3A_139 = arith.muli %add3A_125, %mul3A_138 : vector<16xi32>
      %add3A_140 = arith.constant 0 : i32
      %add3A_141 = vector.broadcast %add3A_140 : i32 to vector<16xi32>
      %add3A_142 = arith.addi %mul3A_139, %add3A_141 : vector<16xi32>
      tpu.vector_store_idx %arg11[%add3A_142], %gather3A : memref<6656xf32, #tpu.memory_space<vmem>>[vector<16xi32>], vector<16xf32>,
      %mul3A_143 = arith.constant 16 : i32
      %mul3A_144 = vector.broadcast %mul3A_143 : i32 to vector<16xi32>
      %mul3A_145 = arith.muli %add3A_125, %mul3A_144 : vector<16xi32>
      %add3A_146 = arith.constant 1 : i32
      %add3A_147 = vector.broadcast %add3A_146 : i32 to vector<16xi32>
      %add3A_148 = arith.addi %mul3A_145, %add3A_147 : vector<16xi32>
      %gather3A_149 = tpu.vector_load_idx %arg10[%add3A_148, %get3A_130] : memref<6656x8xf32, #tpu.memory_space<vmem>>[vector<16xi32>, vector<16xi32>], vector<16xf32>,
      %mul3A_150 = arith.constant 16 : i32
      %mul3A_151 = vector.broadcast %mul3A_150 : i32 to vector<16xi32>
      %mul3A_152 = arith.muli %add3A_125, %mul3A_151 : vector<16xi32>
      %add3A_153 = arith.constant 1 : i32
      %add3A_154 = vector.broadcast %add3A_153 : i32 to vector<16xi32>
      %add3A_155 = arith.addi %mul3A_152, %add3A_154 : vector<16xi32>
      tpu.vector_store_idx %arg11[%add3A_155], %gather3A_149 : memref<6656xf32, #tpu.memory_space<vmem>>[vector<16xi32>], vector<16xf32>,
      %mul3A_156 = arith.constant 16 : i32
      %mul3A_157 = vector.broadcast %mul3A_156 : i32 to vector<16xi32>
      %mul3A_158 = arith.muli %add3A_125, %mul3A_157 : vector<16xi32>
      %add3A_159 = arith.constant 2 : i32
      %add3A_160 = vector.broadcast %add3A_159 : i32 to vector<16xi32>
      %add3A_161 = arith.addi %mul3A_158, %add3A_160 : vector<16xi32>
      %gather3A_162 = tpu.vector_load_idx %arg10[%add3A_161, %get3A_130] : memref<6656x8xf32, #tpu.memory_space<vmem>>[vector<16xi32>, vector<16xi32>], vector<16xf32>,
      %mul3A_163 = arith.constant 16 : i32
      %mul3A_164 = vector.broadcast %mul3A_163 : i32 to vector<16xi32>
      %mul3A_165 = arith.muli %add3A_125, %mul3A_164 : vector<16xi32>
      %add3A_166 = arith.constant 2 : i32
      %add3A_167 = vector.broadcast %add3A_166 : i32 to vector<16xi32>
      %add3A_168 = arith.addi %mul3A_165, %add3A_167 : vector<16xi32>
      tpu.vector_store_idx %arg11[%add3A_168], %gather3A_162 : memref<6656xf32, #tpu.memory_space<vmem>>[vector<16xi32>], vector<16xf32>,
      %mul3A_169 = arith.constant 16 : i32
      %mul3A_170 = vector.broadcast %mul3A_169 : i32 to vector<16xi32>
      %mul3A_171 = arith.muli %add3A_125, %mul3A_170 : vector<16xi32>
      %add3A_172 = arith.constant 3 : i32
      %add3A_173 = vector.broadcast %add3A_172 : i32 to vector<16xi32>
      %add3A_174 = arith.addi %mul3A_171, %add3A_173 : vector<16xi32>
      %gather3A_175 = tpu.vector_load_idx %arg10[%add3A_174, %get3A_130] : memref<6656x8xf32, #tpu.memory_space<vmem>>[vector<16xi32>, vector<16xi32>], vector<16xf32>,
      %mul3A_176 = arith.constant 16 : i32
      %mul3A_177 = vector.broadcast %mul3A_176 : i32 to vector<16xi32>
      %mul3A_178 = arith.muli %add3A_125, %mul3A_177 : vector<16xi32>
      %add3A_179 = arith.constant 3 : i32
      %add3A_180 = vector.broadcast %add3A_179 : i32 to vector<16xi32>
      %add3A_181 = arith.addi %mul3A_178, %add3A_180 : vector<16xi32>
      tpu.vector_store_idx %arg11[%add3A_181], %gather3A_175 : memref<6656xf32, #tpu.memory_space<vmem>>[vector<16xi32>], vector<16xf32>,
      %mul3A_182 = arith.constant 16 : i32
      %mul3A_183 = vector.broadcast %mul3A_182 : i32 to vector<16xi32>
      %mul3A_184 = arith.muli %add3A_125, %mul3A_183 : vector<16xi32>
      %add3A_185 = arith.constant 4 : i32
      %add3A_186 = vector.broadcast %add3A_185 : i32 to vector<16xi32>
      %add3A_187 = arith.addi %mul3A_184, %add3A_186 : vector<16xi32>
      %gather3A_188 = tpu.vector_load_idx %arg10[%add3A_187, %get3A_130] : memref<6656x8xf32, #tpu.memory_space<vmem>>[vector<16xi32>, vector<16xi32>], vector<16xf32>,
      %mul3A_189 = arith.constant 16 : i32
      %mul3A_190 = vector.broadcast %mul3A_189 : i32 to vector<16xi32>
      %mul3A_191 = arith.muli %add3A_125, %mul3A_190 : vector<16xi32>
      %add3A_192 = arith.constant 4 : i32
      %add3A_193 = vector.broadcast %add3A_192 : i32 to vector<16xi32>
      %add3A_194 = arith.addi %mul3A_191, %add3A_193 : vector<16xi32>
      tpu.vector_store_idx %arg11[%add3A_194], %gather3A_188 : memref<6656xf32, #tpu.memory_space<vmem>>[vector<16xi32>], vector<16xf32>,
      %mul3A_195 = arith.constant 16 : i32
      %mul3A_196 = vector.broadcast %mul3A_195 : i32 to vector<16xi32>
      %mul3A_197 = arith.muli %add3A_125, %mul3A_196 : vector<16xi32>
      %add3A_198 = arith.constant 5 : i32
      %add3A_199 = vector.broadcast %add3A_198 : i32 to vector<16xi32>
      %add3A_200 = arith.addi %mul3A_197, %add3A_199 : vector<16xi32>
      %gather3A_201 = tpu.vector_load_idx %arg10[%add3A_200, %get3A_130] : memref<6656x8xf32, #tpu.memory_space<vmem>>[vector<16xi32>, vector<16xi32>], vector<16xf32>,
      %mul3A_202 = arith.constant 16 : i32
      %mul3A_203 = vector.broadcast %mul3A_202 : i32 to vector<16xi32>
      %mul3A_204 = arith.muli %add3A_125, %mul3A_203 : vector<16xi32>
      %add3A_205 = arith.constant 5 : i32
      %add3A_206 = vector.broadcast %add3A_205 : i32 to vector<16xi32>
      %add3A_207 = arith.addi %mul3A_204, %add3A_206 : vector<16xi32>
      tpu.vector_store_idx %arg11[%add3A_207], %gather3A_201 : memref<6656xf32, #tpu.memory_space<vmem>>[vector<16xi32>], vector<16xf32>,
      %mul3A_208 = arith.constant 16 : i32
      %mul3A_209 = vector.broadcast %mul3A_208 : i32 to vector<16xi32>
      %mul3A_210 = arith.muli %add3A_125, %mul3A_209 : vector<16xi32>
      %add3A_211 = arith.constant 6 : i32
      %add3A_212 = vector.broadcast %add3A_211 : i32 to vector<16xi32>
      %add3A_213 = arith.addi %mul3A_210, %add3A_212 : vector<16xi32>
      %gather3A_214 = tpu.vector_load_idx %arg10[%add3A_213, %get3A_130] : memref<6656x8xf32, #tpu.memory_space<vmem>>[vector<16xi32>, vector<16xi32>], vector<16xf32>,
      %mul3A_215 = arith.constant 16 : i32
      %mul3A_216 = vector.broadcast %mul3A_215 : i32 to vector<16xi32>
      %mul3A_217 = arith.muli %add3A_125, %mul3A_216 : vector<16xi32>
      %add3A_218 = arith.constant 6 : i32
      %add3A_219 = vector.broadcast %add3A_218 : i32 to vector<16xi32>
      %add3A_220 = arith.addi %mul3A_217, %add3A_219 : vector<16xi32>
      tpu.vector_store_idx %arg11[%add3A_220], %gather3A_214 : memref<6656xf32, #tpu.memory_space<vmem>>[vector<16xi32>], vector<16xf32>,
      %mul3A_221 = arith.constant 16 : i32
      %mul3A_222 = vector.broadcast %mul3A_221 : i32 to vector<16xi32>
      %mul3A_223 = arith.muli %add3A_125, %mul3A_222 : vector<16xi32>
      %add3A_224 = arith.constant 7 : i32
      %add3A_225 = vector.broadcast %add3A_224 : i32 to vector<16xi32>
      %add3A_226 = arith.addi %mul3A_223, %add3A_225 : vector<16xi32>
      %gather3A_227 = tpu.vector_load_idx %arg10[%add3A_226, %get3A_130] : memref<6656x8xf32, #tpu.memory_space<vmem>>[vector<16xi32>, vector<16xi32>], vector<16xf32>,
      %mul3A_228 = arith.constant 16 : i32
      %mul3A_229 = vector.broadcast %mul3A_228 : i32 to vector<16xi32>
      %mul3A_230 = arith.muli %add3A_125, %mul3A_229 : vector<16xi32>
      %add3A_231 = arith.constant 7 : i32
      %add3A_232 = vector.broadcast %add3A_231 : i32 to vector<16xi32>
      %add3A_233 = arith.addi %mul3A_230, %add3A_232 : vector<16xi32>
      tpu.vector_store_idx %arg11[%add3A_233], %gather3A_227 : memref<6656xf32, #tpu.memory_space<vmem>>[vector<16xi32>], vector<16xf32>,
      %mul3A_234 = arith.constant 16 : i32
      %mul3A_235 = vector.broadcast %mul3A_234 : i32 to vector<16xi32>
      %mul3A_236 = arith.muli %add3A_125, %mul3A_235 : vector<16xi32>
      %add3A_237 = arith.constant 8 : i32
      %add3A_238 = vector.broadcast %add3A_237 : i32 to vector<16xi32>
      %add3A_239 = arith.addi %mul3A_236, %add3A_238 : vector<16xi32>
      %gather3A_240 = tpu.vector_load_idx %arg10[%add3A_239, %get3A_130] : memref<6656x8xf32, #tpu.memory_space<vmem>>[vector<16xi32>, vector<16xi32>], vector<16xf32>,
      %mul3A_241 = arith.constant 16 : i32
      %mul3A_242 = vector.broadcast %mul3A_241 : i32 to vector<16xi32>
      %mul3A_243 = arith.muli %add3A_125, %mul3A_242 : vector<16xi32>
      %add3A_244 = arith.constant 8 : i32
      %add3A_245 = vector.broadcast %add3A_244 : i32 to vector<16xi32>
      %add3A_246 = arith.addi %mul3A_243, %add3A_245 : vector<16xi32>
      tpu.vector_store_idx %arg11[%add3A_246], %gather3A_240 : memref<6656xf32, #tpu.memory_space<vmem>>[vector<16xi32>], vector<16xf32>,
      %mul3A_247 = arith.constant 16 : i32
      %mul3A_248 = vector.broadcast %mul3A_247 : i32 to vector<16xi32>
      %mul3A_249 = arith.muli %add3A_125, %mul3A_248 : vector<16xi32>
      %add3A_250 = arith.constant 9 : i32
      %add3A_251 = vector.broadcast %add3A_250 : i32 to vector<16xi32>
      %add3A_252 = arith.addi %mul3A_249, %add3A_251 : vector<16xi32>
      %gather3A_253 = tpu.vector_load_idx %arg10[%add3A_252, %get3A_130] : memref<6656x8xf32, #tpu.memory_space<vmem>>[vector<16xi32>, vector<16xi32>], vector<16xf32>,
      %mul3A_254 = arith.constant 16 : i32
      %mul3A_255 = vector.broadcast %mul3A_254 : i32 to vector<16xi32>
      %mul3A_256 = arith.muli %add3A_125, %mul3A_255 : vector<16xi32>
      %add3A_257 = arith.constant 9 : i32
      %add3A_258 = vector.broadcast %add3A_257 : i32 to vector<16xi32>
      %add3A_259 = arith.addi %mul3A_256, %add3A_258 : vector<16xi32>
      tpu.vector_store_idx %arg11[%add3A_259], %gather3A_253 : memref<6656xf32, #tpu.memory_space<vmem>>[vector<16xi32>], vector<16xf32>,
      %mul3A_260 = arith.constant 16 : i32
      %mul3A_261 = vector.broadcast %mul3A_260 : i32 to vector<16xi32>
      %mul3A_262 = arith.muli %add3A_125, %mul3A_261 : vector<16xi32>
      %add3A_263 = arith.constant 10 : i32
      %add3A_264 = vector.broadcast %add3A_263 : i32 to vector<16xi32>
      %add3A_265 = arith.addi %mul3A_262, %add3A_264 : vector<16xi32>
      %gather3A_266 = tpu.vector_load_idx %arg10[%add3A_265, %get3A_130] : memref<6656x8xf32, #tpu.memory_space<vmem>>[vector<16xi32>, vector<16xi32>], vector<16xf32>,
      %mul3A_267 = arith.constant 16 : i32
      %mul3A_268 = vector.broadcast %mul3A_267 : i32 to vector<16xi32>
      %mul3A_269 = arith.muli %add3A_125, %mul3A_268 : vector<16xi32>
      %add3A_270 = arith.constant 10 : i32
      %add3A_271 = vector.broadcast %add3A_270 : i32 to vector<16xi32>
      %add3A_272 = arith.addi %mul3A_269, %add3A_271 : vector<16xi32>
      tpu.vector_store_idx %arg11[%add3A_272], %gather3A_266 : memref<6656xf32, #tpu.memory_space<vmem>>[vector<16xi32>], vector<16xf32>,
      %mul3A_273 = arith.constant 16 : i32
      %mul3A_274 = vector.broadcast %mul3A_273 : i32 to vector<16xi32>
      %mul3A_275 = arith.muli %add3A_125, %mul3A_274 : vector<16xi32>
      %add3A_276 = arith.constant 11 : i32
      %add3A_277 = vector.broadcast %add3A_276 : i32 to vector<16xi32>
      %add3A_278 = arith.addi %mul3A_275, %add3A_277 : vector<16xi32>
      %gather3A_279 = tpu.vector_load_idx %arg10[%add3A_278, %get3A_130] : memref<6656x8xf32, #tpu.memory_space<vmem>>[vector<16xi32>, vector<16xi32>], vector<16xf32>,
      %mul3A_280 = arith.constant 16 : i32
      %mul3A_281 = vector.broadcast %mul3A_280 : i32 to vector<16xi32>
      %mul3A_282 = arith.muli %add3A_125, %mul3A_281 : vector<16xi32>
      %add3A_283 = arith.constant 11 : i32
      %add3A_284 = vector.broadcast %add3A_283 : i32 to vector<16xi32>
      %add3A_285 = arith.addi %mul3A_282, %add3A_284 : vector<16xi32>
      tpu.vector_store_idx %arg11[%add3A_285], %gather3A_279 : memref<6656xf32, #tpu.memory_space<vmem>>[vector<16xi32>], vector<16xf32>,
      %mul3A_286 = arith.constant 16 : i32
      %mul3A_287 = vector.broadcast %mul3A_286 : i32 to vector<16xi32>
      %mul3A_288 = arith.muli %add3A_125, %mul3A_287 : vector<16xi32>
      %add3A_289 = arith.constant 12 : i32
      %add3A_290 = vector.broadcast %add3A_289 : i32 to vector<16xi32>
      %add3A_291 = arith.addi %mul3A_288, %add3A_290 : vector<16xi32>
      %gather3A_292 = tpu.vector_load_idx %arg10[%add3A_291, %get3A_130] : memref<6656x8xf32, #tpu.memory_space<vmem>>[vector<16xi32>, vector<16xi32>], vector<16xf32>,
      %mul3A_293 = arith.constant 16 : i32
      %mul3A_294 = vector.broadcast %mul3A_293 : i32 to vector<16xi32>
      %mul3A_295 = arith.muli %add3A_125, %mul3A_294 : vector<16xi32>
      %add3A_296 = arith.constant 12 : i32
      %add3A_297 = vector.broadcast %add3A_296 : i32 to vector<16xi32>
      %add3A_298 = arith.addi %mul3A_295, %add3A_297 : vector<16xi32>
      tpu.vector_store_idx %arg11[%add3A_298], %gather3A_292 : memref<6656xf32, #tpu.memory_space<vmem>>[vector<16xi32>], vector<16xf32>,
      %mul3A_299 = arith.constant 16 : i32
      %mul3A_300 = vector.broadcast %mul3A_299 : i32 to vector<16xi32>
      %mul3A_301 = arith.muli %add3A_125, %mul3A_300 : vector<16xi32>
      %add3A_302 = arith.constant 13 : i32
      %add3A_303 = vector.broadcast %add3A_302 : i32 to vector<16xi32>
      %add3A_304 = arith.addi %mul3A_301, %add3A_303 : vector<16xi32>
      %gather3A_305 = tpu.vector_load_idx %arg10[%add3A_304, %get3A_130] : memref<6656x8xf32, #tpu.memory_space<vmem>>[vector<16xi32>, vector<16xi32>], vector<16xf32>,
      %mul3A_306 = arith.constant 16 : i32
      %mul3A_307 = vector.broadcast %mul3A_306 : i32 to vector<16xi32>
      %mul3A_308 = arith.muli %add3A_125, %mul3A_307 : vector<16xi32>
      %add3A_309 = arith.constant 13 : i32
      %add3A_310 = vector.broadcast %add3A_309 : i32 to vector<16xi32>
      %add3A_311 = arith.addi %mul3A_308, %add3A_310 : vector<16xi32>
      tpu.vector_store_idx %arg11[%add3A_311], %gather3A_305 : memref<6656xf32, #tpu.memory_space<vmem>>[vector<16xi32>], vector<16xf32>,
      %mul3A_312 = arith.constant 16 : i32
      %mul3A_313 = vector.broadcast %mul3A_312 : i32 to vector<16xi32>
      %mul3A_314 = arith.muli %add3A_125, %mul3A_313 : vector<16xi32>
      %add3A_315 = arith.constant 14 : i32
      %add3A_316 = vector.broadcast %add3A_315 : i32 to vector<16xi32>
      %add3A_317 = arith.addi %mul3A_314, %add3A_316 : vector<16xi32>
      %gather3A_318 = tpu.vector_load_idx %arg10[%add3A_317, %get3A_130] : memref<6656x8xf32, #tpu.memory_space<vmem>>[vector<16xi32>, vector<16xi32>], vector<16xf32>,
      %mul3A_319 = arith.constant 16 : i32
      %mul3A_320 = vector.broadcast %mul3A_319 : i32 to vector<16xi32>
      %mul3A_321 = arith.muli %add3A_125, %mul3A_320 : vector<16xi32>
      %add3A_322 = arith.constant 14 : i32
      %add3A_323 = vector.broadcast %add3A_322 : i32 to vector<16xi32>
      %add3A_324 = arith.addi %mul3A_321, %add3A_323 : vector<16xi32>
      tpu.vector_store_idx %arg11[%add3A_324], %gather3A_318 : memref<6656xf32, #tpu.memory_space<vmem>>[vector<16xi32>], vector<16xf32>,
      %mul3A_325 = arith.constant 16 : i32
      %mul3A_326 = vector.broadcast %mul3A_325 : i32 to vector<16xi32>
      %mul3A_327 = arith.muli %add3A_125, %mul3A_326 : vector<16xi32>
      %add3A_328 = arith.constant 15 : i32
      %add3A_329 = vector.broadcast %add3A_328 : i32 to vector<16xi32>
      %add3A_330 = arith.addi %mul3A_327, %add3A_329 : vector<16xi32>
      %gather3A_331 = tpu.vector_load_idx %arg10[%add3A_330, %get3A_130] : memref<6656x8xf32, #tpu.memory_space<vmem>>[vector<16xi32>, vector<16xi32>], vector<16xf32>,
      %mul3A_332 = arith.constant 16 : i32
      %mul3A_333 = vector.broadcast %mul3A_332 : i32 to vector<16xi32>
      %mul3A_334 = arith.muli %add3A_125, %mul3A_333 : vector<16xi32>
      %add3A_335 = arith.constant 15 : i32
      %add3A_336 = vector.broadcast %add3A_335 : i32 to vector<16xi32>
      %add3A_337 = arith.addi %mul3A_334, %add3A_336 : vector<16xi32>
      tpu.vector_store_idx %arg11[%add3A_337], %gather3A_331 : memref<6656xf32, #tpu.memory_space<vmem>>[vector<16xi32>], vector<16xf32>,
    }
    %scan3A_82 = arith.constant 26 : i32
    %run_scoped3A_83 = arith.constant 5 : i32
    "tpu.region"() ({
      %run_scoped3A_121 = tpu.sem_alloc : memref<!tpu.dma_semaphore, #tpu.memory_space<semaphore_mem>>
      %dma_start3A_122 = arith.constant 0 : i32
      %dma_start3A_123 = tpu.memref_slice %arg7[%add3A, %run_scoped3A_83, %dma_start3A_122] : memref<32x8x6656xf32, #tpu.memory_space<hbm>> -> memref<1x1x6656xf32, #tpu.memory_space<hbm>>
      %dma_start3A_124 = tpu.memref_squeeze %dma_start3A_123 : memref<1x1x6656xf32, #tpu.memory_space<hbm>> -> memref<6656xf32, #tpu.memory_space<hbm>>
      %dma_start3A_125 = arith.constant 0 : i32
      %dma_start3A_126 = tpu.memref_slice %arg7[%add3A, %run_scoped3A_83, %dma_start3A_125] : memref<32x8x6656xf32, #tpu.memory_space<hbm>> -> memref<1x1x6656xf32, #tpu.memory_space<hbm>>
      %dma_start3A_127 = tpu.memref_squeeze %dma_start3A_126 : memref<1x1x6656xf32, #tpu.memory_space<hbm>> -> memref<6656xf32, #tpu.memory_space<hbm>>
      tpu.enqueue_dma source(%arg11 : memref<6656xf32, #tpu.memory_space<vmem>>) target(%dma_start3A_127 : memref<6656xf32, #tpu.memory_space<hbm>>) target_semaphore(%run_scoped3A_121 : memref<!tpu.dma_semaphore, #tpu.memory_space<semaphore_mem>>)
      %dma_wait3A_128 = arith.constant 0 : i32
      %dma_wait3A_129 = tpu.memref_slice %arg7[%add3A, %run_scoped3A_83, %dma_wait3A_128] : memref<32x8x6656xf32, #tpu.memory_space<hbm>> -> memref<1x1x6656xf32, #tpu.memory_space<hbm>>
      %dma_wait3A_130 = tpu.memref_squeeze %dma_wait3A_129 : memref<1x1x6656xf32, #tpu.memory_space<hbm>> -> memref<6656xf32, #tpu.memory_space<hbm>>
      %dma_wait3A_131 = arith.constant 0 : i32
      %dma_wait3A_132 = tpu.memref_slice %arg7[%add3A, %run_scoped3A_83, %dma_wait3A_131] : memref<32x8x6656xf32, #tpu.memory_space<hbm>> -> memref<1x1x6656xf32, #tpu.memory_space<hbm>>
      %dma_wait3A_133 = tpu.memref_squeeze %dma_wait3A_132 : memref<1x1x6656xf32, #tpu.memory_space<hbm>> -> memref<6656xf32, #tpu.memory_space<hbm>>
      tpu.wait_dma2 semaphore(%run_scoped3A_121 : memref<!tpu.dma_semaphore, #tpu.memory_space<semaphore_mem>>) src(%arg11 : memref<6656xf32, #tpu.memory_space<vmem>>) dst(%dma_wait3A_133 : memref<6656xf32, #tpu.memory_space<hbm>>)
      tpu.yield
    }) : () -> ()
    %run_scoped3A_84 = arith.constant 6 : i32
    "tpu.region"() ({
      %run_scoped3A_121 = tpu.sem_alloc : memref<!tpu.dma_semaphore, #tpu.memory_space<semaphore_mem>>
      %dma_start3A_122 = arith.constant 0 : i32
      %dma_start3A_123 = tpu.memref_slice %arg2[%add3A, %run_scoped3A_84, %dma_start3A_122] : memref<32x8x6656xi32, #tpu.memory_space<hbm>> -> memref<1x1x6656xi32, #tpu.memory_space<hbm>>
      %dma_start3A_124 = tpu.memref_squeeze %dma_start3A_123 : memref<1x1x6656xi32, #tpu.memory_space<hbm>> -> memref<6656xi32, #tpu.memory_space<hbm>>
      %dma_start3A_125 = arith.constant 0 : i32
      %dma_start3A_126 = tpu.memref_slice %arg2[%add3A, %run_scoped3A_84, %dma_start3A_125] : memref<32x8x6656xi32, #tpu.memory_space<hbm>> -> memref<1x1x6656xi32, #tpu.memory_space<hbm>>
      %dma_start3A_127 = tpu.memref_squeeze %dma_start3A_126 : memref<1x1x6656xi32, #tpu.memory_space<hbm>> -> memref<6656xi32, #tpu.memory_space<hbm>>
      tpu.enqueue_dma source(%dma_start3A_127 : memref<6656xi32, #tpu.memory_space<hbm>>) target(%arg9 : memref<6656xi32, #tpu.memory_space<vmem>>) target_semaphore(%run_scoped3A_121 : memref<!tpu.dma_semaphore, #tpu.memory_space<semaphore_mem>>)
      %dma_wait3A_128 = arith.constant 0 : i32
      %dma_wait3A_129 = tpu.memref_slice %arg2[%add3A, %run_scoped3A_84, %dma_wait3A_128] : memref<32x8x6656xi32, #tpu.memory_space<hbm>> -> memref<1x1x6656xi32, #tpu.memory_space<hbm>>
      %dma_wait3A_130 = tpu.memref_squeeze %dma_wait3A_129 : memref<1x1x6656xi32, #tpu.memory_space<hbm>> -> memref<6656xi32, #tpu.memory_space<hbm>>
      %dma_wait3A_131 = arith.constant 0 : i32
      %dma_wait3A_132 = tpu.memref_slice %arg2[%add3A, %run_scoped3A_84, %dma_wait3A_131] : memref<32x8x6656xi32, #tpu.memory_space<hbm>> -> memref<1x1x6656xi32, #tpu.memory_space<hbm>>
      %dma_wait3A_133 = tpu.memref_squeeze %dma_wait3A_132 : memref<1x1x6656xi32, #tpu.memory_space<hbm>> -> memref<6656xi32, #tpu.memory_space<hbm>>
      tpu.wait_dma2 semaphore(%run_scoped3A_121 : memref<!tpu.dma_semaphore, #tpu.memory_space<semaphore_mem>>) src(%dma_wait3A_133 : memref<6656xi32, #tpu.memory_space<hbm>>) dst(%arg9 : memref<6656xi32, #tpu.memory_space<vmem>>)
      tpu.yield
    }) : () -> ()
    %dma_start3A_85 = arith.constant 0 : i32
    %dma_start3A_86 = arith.constant 0 : i32
    %dma_start3A_87 = tpu.memref_slice %arg5[%dma_start3A_85, %dma_start3A_86] : memref<5200000x8xf32, #tpu.memory_space<hbm>> -> memref<5200000x8xf32, #tpu.memory_space<hbm>>
    tpu.enqueue_indirect_dma source(%dma_start3A_87 : memref<5200000x8xf32, #tpu.memory_space<hbm>>) target(%arg10 : memref<6656x8xf32, #tpu.memory_space<vmem>>) offsets(%arg9 : memref<6656xi32, #tpu.memory_space<vmem>>) semaphore(%arg16 : memref<!tpu.dma_semaphore, #tpu.memory_space<semaphore_mem>>)
    %dma_wait3A_88 = arith.constant 0 : i32
    %dma_wait3A_89 = arith.constant 0 : i32
    %dma_wait3A_90 = tpu.memref_slice %arg5[%dma_wait3A_88, %dma_wait3A_89] : memref<5200000x8xf32, #tpu.memory_space<hbm>> -> memref<5200000x8xf32, #tpu.memory_space<hbm>>
    tpu.wait_indirect_dma semaphore(%arg16 : memref<!tpu.dma_semaphore, #tpu.memory_space<semaphore_mem>>) src(%dma_wait3A_90 : memref<5200000x8xf32, #tpu.memory_space<hbm>>) dst(%arg10 : memref<6656x8xf32, #tpu.memory_space<vmem>>)
    %scan3A_91 = arith.constant 0 : i32
    %scan3A_92 = arith.constant 0 : i32
    %scan3A_93 = arith.constant 26 : i32
    %scan3A_94 = arith.addi %scan3A_92, %scan3A_93 : i32
    %scan3A_95 = arith.constant 1 : i32
    scf.for %scan3A_121 = %scan3A_92 to %scan3A_94 step %scan3A_95  : i32 {
      %mul3A_122 = arith.constant 16 : i32
      %mul3A_123 = arith.muli %scan3A_121, %mul3A_122 : i32
      %add3A_124 = vector.broadcast %mul3A_123 : i32 to vector<16xi32>
      %add3A_125 = arith.addi %add3A_124, %iota3A : vector<16xi32>
      %mul3A_126 = arith.constant 16 : i32
      %mul3A_127 = arith.muli %scan3A_121, %mul3A_126 : i32
      %add3A_128 = arith.constant 2496 : i32
      %add3A_129 = arith.addi %add3A_128, %mul3A_127 : i32
      %get3A = arith.index_cast %add3A_129 : i32 to index
      %get3A_130 = tpu.vector_load %arg14[%get3A] {strides = array<i32>} : memref<3328xi32, #tpu.memory_space<vmem>>, vector<16xi32>,
      %mul3A_131 = arith.constant 16 : i32
      %mul3A_132 = vector.broadcast %mul3A_131 : i32 to vector<16xi32>
      %mul3A_133 = arith.muli %add3A_125, %mul3A_132 : vector<16xi32>
      %add3A_134 = arith.constant 0 : i32
      %add3A_135 = vector.broadcast %add3A_134 : i32 to vector<16xi32>
      %add3A_136 = arith.addi %mul3A_133, %add3A_135 : vector<16xi32>
      %gather3A = tpu.vector_load_idx %arg10[%add3A_136, %get3A_130] : memref<6656x8xf32, #tpu.memory_space<vmem>>[vector<16xi32>, vector<16xi32>], vector<16xf32>,
      %mul3A_137 = arith.constant 16 : i32
      %mul3A_138 = vector.broadcast %mul3A_137 : i32 to vector<16xi32>
      %mul3A_139 = arith.muli %add3A_125, %mul3A_138 : vector<16xi32>
      %add3A_140 = arith.constant 0 : i32
      %add3A_141 = vector.broadcast %add3A_140 : i32 to vector<16xi32>
      %add3A_142 = arith.addi %mul3A_139, %add3A_141 : vector<16xi32>
      tpu.vector_store_idx %arg11[%add3A_142], %gather3A : memref<6656xf32, #tpu.memory_space<vmem>>[vector<16xi32>], vector<16xf32>,
      %mul3A_143 = arith.constant 16 : i32
      %mul3A_144 = vector.broadcast %mul3A_143 : i32 to vector<16xi32>
      %mul3A_145 = arith.muli %add3A_125, %mul3A_144 : vector<16xi32>
      %add3A_146 = arith.constant 1 : i32
      %add3A_147 = vector.broadcast %add3A_146 : i32 to vector<16xi32>
      %add3A_148 = arith.addi %mul3A_145, %add3A_147 : vector<16xi32>
      %gather3A_149 = tpu.vector_load_idx %arg10[%add3A_148, %get3A_130] : memref<6656x8xf32, #tpu.memory_space<vmem>>[vector<16xi32>, vector<16xi32>], vector<16xf32>,
      %mul3A_150 = arith.constant 16 : i32
      %mul3A_151 = vector.broadcast %mul3A_150 : i32 to vector<16xi32>
      %mul3A_152 = arith.muli %add3A_125, %mul3A_151 : vector<16xi32>
      %add3A_153 = arith.constant 1 : i32
      %add3A_154 = vector.broadcast %add3A_153 : i32 to vector<16xi32>
      %add3A_155 = arith.addi %mul3A_152, %add3A_154 : vector<16xi32>
      tpu.vector_store_idx %arg11[%add3A_155], %gather3A_149 : memref<6656xf32, #tpu.memory_space<vmem>>[vector<16xi32>], vector<16xf32>,
      %mul3A_156 = arith.constant 16 : i32
      %mul3A_157 = vector.broadcast %mul3A_156 : i32 to vector<16xi32>
      %mul3A_158 = arith.muli %add3A_125, %mul3A_157 : vector<16xi32>
      %add3A_159 = arith.constant 2 : i32
      %add3A_160 = vector.broadcast %add3A_159 : i32 to vector<16xi32>
      %add3A_161 = arith.addi %mul3A_158, %add3A_160 : vector<16xi32>
      %gather3A_162 = tpu.vector_load_idx %arg10[%add3A_161, %get3A_130] : memref<6656x8xf32, #tpu.memory_space<vmem>>[vector<16xi32>, vector<16xi32>], vector<16xf32>,
      %mul3A_163 = arith.constant 16 : i32
      %mul3A_164 = vector.broadcast %mul3A_163 : i32 to vector<16xi32>
      %mul3A_165 = arith.muli %add3A_125, %mul3A_164 : vector<16xi32>
      %add3A_166 = arith.constant 2 : i32
      %add3A_167 = vector.broadcast %add3A_166 : i32 to vector<16xi32>
      %add3A_168 = arith.addi %mul3A_165, %add3A_167 : vector<16xi32>
      tpu.vector_store_idx %arg11[%add3A_168], %gather3A_162 : memref<6656xf32, #tpu.memory_space<vmem>>[vector<16xi32>], vector<16xf32>,
      %mul3A_169 = arith.constant 16 : i32
      %mul3A_170 = vector.broadcast %mul3A_169 : i32 to vector<16xi32>
      %mul3A_171 = arith.muli %add3A_125, %mul3A_170 : vector<16xi32>
      %add3A_172 = arith.constant 3 : i32
      %add3A_173 = vector.broadcast %add3A_172 : i32 to vector<16xi32>
      %add3A_174 = arith.addi %mul3A_171, %add3A_173 : vector<16xi32>
      %gather3A_175 = tpu.vector_load_idx %arg10[%add3A_174, %get3A_130] : memref<6656x8xf32, #tpu.memory_space<vmem>>[vector<16xi32>, vector<16xi32>], vector<16xf32>,
      %mul3A_176 = arith.constant 16 : i32
      %mul3A_177 = vector.broadcast %mul3A_176 : i32 to vector<16xi32>
      %mul3A_178 = arith.muli %add3A_125, %mul3A_177 : vector<16xi32>
      %add3A_179 = arith.constant 3 : i32
      %add3A_180 = vector.broadcast %add3A_179 : i32 to vector<16xi32>
      %add3A_181 = arith.addi %mul3A_178, %add3A_180 : vector<16xi32>
      tpu.vector_store_idx %arg11[%add3A_181], %gather3A_175 : memref<6656xf32, #tpu.memory_space<vmem>>[vector<16xi32>], vector<16xf32>,
      %mul3A_182 = arith.constant 16 : i32
      %mul3A_183 = vector.broadcast %mul3A_182 : i32 to vector<16xi32>
      %mul3A_184 = arith.muli %add3A_125, %mul3A_183 : vector<16xi32>
      %add3A_185 = arith.constant 4 : i32
      %add3A_186 = vector.broadcast %add3A_185 : i32 to vector<16xi32>
      %add3A_187 = arith.addi %mul3A_184, %add3A_186 : vector<16xi32>
      %gather3A_188 = tpu.vector_load_idx %arg10[%add3A_187, %get3A_130] : memref<6656x8xf32, #tpu.memory_space<vmem>>[vector<16xi32>, vector<16xi32>], vector<16xf32>,
      %mul3A_189 = arith.constant 16 : i32
      %mul3A_190 = vector.broadcast %mul3A_189 : i32 to vector<16xi32>
      %mul3A_191 = arith.muli %add3A_125, %mul3A_190 : vector<16xi32>
      %add3A_192 = arith.constant 4 : i32
      %add3A_193 = vector.broadcast %add3A_192 : i32 to vector<16xi32>
      %add3A_194 = arith.addi %mul3A_191, %add3A_193 : vector<16xi32>
      tpu.vector_store_idx %arg11[%add3A_194], %gather3A_188 : memref<6656xf32, #tpu.memory_space<vmem>>[vector<16xi32>], vector<16xf32>,
      %mul3A_195 = arith.constant 16 : i32
      %mul3A_196 = vector.broadcast %mul3A_195 : i32 to vector<16xi32>
      %mul3A_197 = arith.muli %add3A_125, %mul3A_196 : vector<16xi32>
      %add3A_198 = arith.constant 5 : i32
      %add3A_199 = vector.broadcast %add3A_198 : i32 to vector<16xi32>
      %add3A_200 = arith.addi %mul3A_197, %add3A_199 : vector<16xi32>
      %gather3A_201 = tpu.vector_load_idx %arg10[%add3A_200, %get3A_130] : memref<6656x8xf32, #tpu.memory_space<vmem>>[vector<16xi32>, vector<16xi32>], vector<16xf32>,
      %mul3A_202 = arith.constant 16 : i32
      %mul3A_203 = vector.broadcast %mul3A_202 : i32 to vector<16xi32>
      %mul3A_204 = arith.muli %add3A_125, %mul3A_203 : vector<16xi32>
      %add3A_205 = arith.constant 5 : i32
      %add3A_206 = vector.broadcast %add3A_205 : i32 to vector<16xi32>
      %add3A_207 = arith.addi %mul3A_204, %add3A_206 : vector<16xi32>
      tpu.vector_store_idx %arg11[%add3A_207], %gather3A_201 : memref<6656xf32, #tpu.memory_space<vmem>>[vector<16xi32>], vector<16xf32>,
      %mul3A_208 = arith.constant 16 : i32
      %mul3A_209 = vector.broadcast %mul3A_208 : i32 to vector<16xi32>
      %mul3A_210 = arith.muli %add3A_125, %mul3A_209 : vector<16xi32>
      %add3A_211 = arith.constant 6 : i32
      %add3A_212 = vector.broadcast %add3A_211 : i32 to vector<16xi32>
      %add3A_213 = arith.addi %mul3A_210, %add3A_212 : vector<16xi32>
      %gather3A_214 = tpu.vector_load_idx %arg10[%add3A_213, %get3A_130] : memref<6656x8xf32, #tpu.memory_space<vmem>>[vector<16xi32>, vector<16xi32>], vector<16xf32>,
      %mul3A_215 = arith.constant 16 : i32
      %mul3A_216 = vector.broadcast %mul3A_215 : i32 to vector<16xi32>
      %mul3A_217 = arith.muli %add3A_125, %mul3A_216 : vector<16xi32>
      %add3A_218 = arith.constant 6 : i32
      %add3A_219 = vector.broadcast %add3A_218 : i32 to vector<16xi32>
      %add3A_220 = arith.addi %mul3A_217, %add3A_219 : vector<16xi32>
      tpu.vector_store_idx %arg11[%add3A_220], %gather3A_214 : memref<6656xf32, #tpu.memory_space<vmem>>[vector<16xi32>], vector<16xf32>,
      %mul3A_221 = arith.constant 16 : i32
      %mul3A_222 = vector.broadcast %mul3A_221 : i32 to vector<16xi32>
      %mul3A_223 = arith.muli %add3A_125, %mul3A_222 : vector<16xi32>
      %add3A_224 = arith.constant 7 : i32
      %add3A_225 = vector.broadcast %add3A_224 : i32 to vector<16xi32>
      %add3A_226 = arith.addi %mul3A_223, %add3A_225 : vector<16xi32>
      %gather3A_227 = tpu.vector_load_idx %arg10[%add3A_226, %get3A_130] : memref<6656x8xf32, #tpu.memory_space<vmem>>[vector<16xi32>, vector<16xi32>], vector<16xf32>,
      %mul3A_228 = arith.constant 16 : i32
      %mul3A_229 = vector.broadcast %mul3A_228 : i32 to vector<16xi32>
      %mul3A_230 = arith.muli %add3A_125, %mul3A_229 : vector<16xi32>
      %add3A_231 = arith.constant 7 : i32
      %add3A_232 = vector.broadcast %add3A_231 : i32 to vector<16xi32>
      %add3A_233 = arith.addi %mul3A_230, %add3A_232 : vector<16xi32>
      tpu.vector_store_idx %arg11[%add3A_233], %gather3A_227 : memref<6656xf32, #tpu.memory_space<vmem>>[vector<16xi32>], vector<16xf32>,
      %mul3A_234 = arith.constant 16 : i32
      %mul3A_235 = vector.broadcast %mul3A_234 : i32 to vector<16xi32>
      %mul3A_236 = arith.muli %add3A_125, %mul3A_235 : vector<16xi32>
      %add3A_237 = arith.constant 8 : i32
      %add3A_238 = vector.broadcast %add3A_237 : i32 to vector<16xi32>
      %add3A_239 = arith.addi %mul3A_236, %add3A_238 : vector<16xi32>
      %gather3A_240 = tpu.vector_load_idx %arg10[%add3A_239, %get3A_130] : memref<6656x8xf32, #tpu.memory_space<vmem>>[vector<16xi32>, vector<16xi32>], vector<16xf32>,
      %mul3A_241 = arith.constant 16 : i32
      %mul3A_242 = vector.broadcast %mul3A_241 : i32 to vector<16xi32>
      %mul3A_243 = arith.muli %add3A_125, %mul3A_242 : vector<16xi32>
      %add3A_244 = arith.constant 8 : i32
      %add3A_245 = vector.broadcast %add3A_244 : i32 to vector<16xi32>
      %add3A_246 = arith.addi %mul3A_243, %add3A_245 : vector<16xi32>
      tpu.vector_store_idx %arg11[%add3A_246], %gather3A_240 : memref<6656xf32, #tpu.memory_space<vmem>>[vector<16xi32>], vector<16xf32>,
      %mul3A_247 = arith.constant 16 : i32
      %mul3A_248 = vector.broadcast %mul3A_247 : i32 to vector<16xi32>
      %mul3A_249 = arith.muli %add3A_125, %mul3A_248 : vector<16xi32>
      %add3A_250 = arith.constant 9 : i32
      %add3A_251 = vector.broadcast %add3A_250 : i32 to vector<16xi32>
      %add3A_252 = arith.addi %mul3A_249, %add3A_251 : vector<16xi32>
      %gather3A_253 = tpu.vector_load_idx %arg10[%add3A_252, %get3A_130] : memref<6656x8xf32, #tpu.memory_space<vmem>>[vector<16xi32>, vector<16xi32>], vector<16xf32>,
      %mul3A_254 = arith.constant 16 : i32
      %mul3A_255 = vector.broadcast %mul3A_254 : i32 to vector<16xi32>
      %mul3A_256 = arith.muli %add3A_125, %mul3A_255 : vector<16xi32>
      %add3A_257 = arith.constant 9 : i32
      %add3A_258 = vector.broadcast %add3A_257 : i32 to vector<16xi32>
      %add3A_259 = arith.addi %mul3A_256, %add3A_258 : vector<16xi32>
      tpu.vector_store_idx %arg11[%add3A_259], %gather3A_253 : memref<6656xf32, #tpu.memory_space<vmem>>[vector<16xi32>], vector<16xf32>,
      %mul3A_260 = arith.constant 16 : i32
      %mul3A_261 = vector.broadcast %mul3A_260 : i32 to vector<16xi32>
      %mul3A_262 = arith.muli %add3A_125, %mul3A_261 : vector<16xi32>
      %add3A_263 = arith.constant 10 : i32
      %add3A_264 = vector.broadcast %add3A_263 : i32 to vector<16xi32>
      %add3A_265 = arith.addi %mul3A_262, %add3A_264 : vector<16xi32>
      %gather3A_266 = tpu.vector_load_idx %arg10[%add3A_265, %get3A_130] : memref<6656x8xf32, #tpu.memory_space<vmem>>[vector<16xi32>, vector<16xi32>], vector<16xf32>,
      %mul3A_267 = arith.constant 16 : i32
      %mul3A_268 = vector.broadcast %mul3A_267 : i32 to vector<16xi32>
      %mul3A_269 = arith.muli %add3A_125, %mul3A_268 : vector<16xi32>
      %add3A_270 = arith.constant 10 : i32
      %add3A_271 = vector.broadcast %add3A_270 : i32 to vector<16xi32>
      %add3A_272 = arith.addi %mul3A_269, %add3A_271 : vector<16xi32>
      tpu.vector_store_idx %arg11[%add3A_272], %gather3A_266 : memref<6656xf32, #tpu.memory_space<vmem>>[vector<16xi32>], vector<16xf32>,
      %mul3A_273 = arith.constant 16 : i32
      %mul3A_274 = vector.broadcast %mul3A_273 : i32 to vector<16xi32>
      %mul3A_275 = arith.muli %add3A_125, %mul3A_274 : vector<16xi32>
      %add3A_276 = arith.constant 11 : i32
      %add3A_277 = vector.broadcast %add3A_276 : i32 to vector<16xi32>
      %add3A_278 = arith.addi %mul3A_275, %add3A_277 : vector<16xi32>
      %gather3A_279 = tpu.vector_load_idx %arg10[%add3A_278, %get3A_130] : memref<6656x8xf32, #tpu.memory_space<vmem>>[vector<16xi32>, vector<16xi32>], vector<16xf32>,
      %mul3A_280 = arith.constant 16 : i32
      %mul3A_281 = vector.broadcast %mul3A_280 : i32 to vector<16xi32>
      %mul3A_282 = arith.muli %add3A_125, %mul3A_281 : vector<16xi32>
      %add3A_283 = arith.constant 11 : i32
      %add3A_284 = vector.broadcast %add3A_283 : i32 to vector<16xi32>
      %add3A_285 = arith.addi %mul3A_282, %add3A_284 : vector<16xi32>
      tpu.vector_store_idx %arg11[%add3A_285], %gather3A_279 : memref<6656xf32, #tpu.memory_space<vmem>>[vector<16xi32>], vector<16xf32>,
      %mul3A_286 = arith.constant 16 : i32
      %mul3A_287 = vector.broadcast %mul3A_286 : i32 to vector<16xi32>
      %mul3A_288 = arith.muli %add3A_125, %mul3A_287 : vector<16xi32>
      %add3A_289 = arith.constant 12 : i32
      %add3A_290 = vector.broadcast %add3A_289 : i32 to vector<16xi32>
      %add3A_291 = arith.addi %mul3A_288, %add3A_290 : vector<16xi32>
      %gather3A_292 = tpu.vector_load_idx %arg10[%add3A_291, %get3A_130] : memref<6656x8xf32, #tpu.memory_space<vmem>>[vector<16xi32>, vector<16xi32>], vector<16xf32>,
      %mul3A_293 = arith.constant 16 : i32
      %mul3A_294 = vector.broadcast %mul3A_293 : i32 to vector<16xi32>
      %mul3A_295 = arith.muli %add3A_125, %mul3A_294 : vector<16xi32>
      %add3A_296 = arith.constant 12 : i32
      %add3A_297 = vector.broadcast %add3A_296 : i32 to vector<16xi32>
      %add3A_298 = arith.addi %mul3A_295, %add3A_297 : vector<16xi32>
      tpu.vector_store_idx %arg11[%add3A_298], %gather3A_292 : memref<6656xf32, #tpu.memory_space<vmem>>[vector<16xi32>], vector<16xf32>,
      %mul3A_299 = arith.constant 16 : i32
      %mul3A_300 = vector.broadcast %mul3A_299 : i32 to vector<16xi32>
      %mul3A_301 = arith.muli %add3A_125, %mul3A_300 : vector<16xi32>
      %add3A_302 = arith.constant 13 : i32
      %add3A_303 = vector.broadcast %add3A_302 : i32 to vector<16xi32>
      %add3A_304 = arith.addi %mul3A_301, %add3A_303 : vector<16xi32>
      %gather3A_305 = tpu.vector_load_idx %arg10[%add3A_304, %get3A_130] : memref<6656x8xf32, #tpu.memory_space<vmem>>[vector<16xi32>, vector<16xi32>], vector<16xf32>,
      %mul3A_306 = arith.constant 16 : i32
      %mul3A_307 = vector.broadcast %mul3A_306 : i32 to vector<16xi32>
      %mul3A_308 = arith.muli %add3A_125, %mul3A_307 : vector<16xi32>
      %add3A_309 = arith.constant 13 : i32
      %add3A_310 = vector.broadcast %add3A_309 : i32 to vector<16xi32>
      %add3A_311 = arith.addi %mul3A_308, %add3A_310 : vector<16xi32>
      tpu.vector_store_idx %arg11[%add3A_311], %gather3A_305 : memref<6656xf32, #tpu.memory_space<vmem>>[vector<16xi32>], vector<16xf32>,
      %mul3A_312 = arith.constant 16 : i32
      %mul3A_313 = vector.broadcast %mul3A_312 : i32 to vector<16xi32>
      %mul3A_314 = arith.muli %add3A_125, %mul3A_313 : vector<16xi32>
      %add3A_315 = arith.constant 14 : i32
      %add3A_316 = vector.broadcast %add3A_315 : i32 to vector<16xi32>
      %add3A_317 = arith.addi %mul3A_314, %add3A_316 : vector<16xi32>
      %gather3A_318 = tpu.vector_load_idx %arg10[%add3A_317, %get3A_130] : memref<6656x8xf32, #tpu.memory_space<vmem>>[vector<16xi32>, vector<16xi32>], vector<16xf32>,
      %mul3A_319 = arith.constant 16 : i32
      %mul3A_320 = vector.broadcast %mul3A_319 : i32 to vector<16xi32>
      %mul3A_321 = arith.muli %add3A_125, %mul3A_320 : vector<16xi32>
      %add3A_322 = arith.constant 14 : i32
      %add3A_323 = vector.broadcast %add3A_322 : i32 to vector<16xi32>
      %add3A_324 = arith.addi %mul3A_321, %add3A_323 : vector<16xi32>
      tpu.vector_store_idx %arg11[%add3A_324], %gather3A_318 : memref<6656xf32, #tpu.memory_space<vmem>>[vector<16xi32>], vector<16xf32>,
      %mul3A_325 = arith.constant 16 : i32
      %mul3A_326 = vector.broadcast %mul3A_325 : i32 to vector<16xi32>
      %mul3A_327 = arith.muli %add3A_125, %mul3A_326 : vector<16xi32>
      %add3A_328 = arith.constant 15 : i32
      %add3A_329 = vector.broadcast %add3A_328 : i32 to vector<16xi32>
      %add3A_330 = arith.addi %mul3A_327, %add3A_329 : vector<16xi32>
      %gather3A_331 = tpu.vector_load_idx %arg10[%add3A_330, %get3A_130] : memref<6656x8xf32, #tpu.memory_space<vmem>>[vector<16xi32>, vector<16xi32>], vector<16xf32>,
      %mul3A_332 = arith.constant 16 : i32
      %mul3A_333 = vector.broadcast %mul3A_332 : i32 to vector<16xi32>
      %mul3A_334 = arith.muli %add3A_125, %mul3A_333 : vector<16xi32>
      %add3A_335 = arith.constant 15 : i32
      %add3A_336 = vector.broadcast %add3A_335 : i32 to vector<16xi32>
      %add3A_337 = arith.addi %mul3A_334, %add3A_336 : vector<16xi32>
      tpu.vector_store_idx %arg11[%add3A_337], %gather3A_331 : memref<6656xf32, #tpu.memory_space<vmem>>[vector<16xi32>], vector<16xf32>,
    }
    %scan3A_96 = arith.constant 26 : i32
    %run_scoped3A_97 = arith.constant 6 : i32
    "tpu.region"() ({
      %run_scoped3A_121 = tpu.sem_alloc : memref<!tpu.dma_semaphore, #tpu.memory_space<semaphore_mem>>
      %dma_start3A_122 = arith.constant 0 : i32
      %dma_start3A_123 = tpu.memref_slice %arg7[%add3A, %run_scoped3A_97, %dma_start3A_122] : memref<32x8x6656xf32, #tpu.memory_space<hbm>> -> memref<1x1x6656xf32, #tpu.memory_space<hbm>>
      %dma_start3A_124 = tpu.memref_squeeze %dma_start3A_123 : memref<1x1x6656xf32, #tpu.memory_space<hbm>> -> memref<6656xf32, #tpu.memory_space<hbm>>
      %dma_start3A_125 = arith.constant 0 : i32
      %dma_start3A_126 = tpu.memref_slice %arg7[%add3A, %run_scoped3A_97, %dma_start3A_125] : memref<32x8x6656xf32, #tpu.memory_space<hbm>> -> memref<1x1x6656xf32, #tpu.memory_space<hbm>>
      %dma_start3A_127 = tpu.memref_squeeze %dma_start3A_126 : memref<1x1x6656xf32, #tpu.memory_space<hbm>> -> memref<6656xf32, #tpu.memory_space<hbm>>
      tpu.enqueue_dma source(%arg11 : memref<6656xf32, #tpu.memory_space<vmem>>) target(%dma_start3A_127 : memref<6656xf32, #tpu.memory_space<hbm>>) target_semaphore(%run_scoped3A_121 : memref<!tpu.dma_semaphore, #tpu.memory_space<semaphore_mem>>)
      %dma_wait3A_128 = arith.constant 0 : i32
      %dma_wait3A_129 = tpu.memref_slice %arg7[%add3A, %run_scoped3A_97, %dma_wait3A_128] : memref<32x8x6656xf32, #tpu.memory_space<hbm>> -> memref<1x1x6656xf32, #tpu.memory_space<hbm>>
      %dma_wait3A_130 = tpu.memref_squeeze %dma_wait3A_129 : memref<1x1x6656xf32, #tpu.memory_space<hbm>> -> memref<6656xf32, #tpu.memory_space<hbm>>
      %dma_wait3A_131 = arith.constant 0 : i32
      %dma_wait3A_132 = tpu.memref_slice %arg7[%add3A, %run_scoped3A_97, %dma_wait3A_131] : memref<32x8x6656xf32, #tpu.memory_space<hbm>> -> memref<1x1x6656xf32, #tpu.memory_space<hbm>>
      %dma_wait3A_133 = tpu.memref_squeeze %dma_wait3A_132 : memref<1x1x6656xf32, #tpu.memory_space<hbm>> -> memref<6656xf32, #tpu.memory_space<hbm>>
      tpu.wait_dma2 semaphore(%run_scoped3A_121 : memref<!tpu.dma_semaphore, #tpu.memory_space<semaphore_mem>>) src(%arg11 : memref<6656xf32, #tpu.memory_space<vmem>>) dst(%dma_wait3A_133 : memref<6656xf32, #tpu.memory_space<hbm>>)
      tpu.yield
    }) : () -> ()
    %run_scoped3A_98 = arith.constant 7 : i32
    "tpu.region"() ({
      %run_scoped3A_121 = tpu.sem_alloc : memref<!tpu.dma_semaphore, #tpu.memory_space<semaphore_mem>>
      %dma_start3A_122 = arith.constant 0 : i32
      %dma_start3A_123 = tpu.memref_slice %arg2[%add3A, %run_scoped3A_98, %dma_start3A_122] : memref<32x8x6656xi32, #tpu.memory_space<hbm>> -> memref<1x1x6656xi32, #tpu.memory_space<hbm>>
      %dma_start3A_124 = tpu.memref_squeeze %dma_start3A_123 : memref<1x1x6656xi32, #tpu.memory_space<hbm>> -> memref<6656xi32, #tpu.memory_space<hbm>>
      %dma_start3A_125 = arith.constant 0 : i32
      %dma_start3A_126 = tpu.memref_slice %arg2[%add3A, %run_scoped3A_98, %dma_start3A_125] : memref<32x8x6656xi32, #tpu.memory_space<hbm>> -> memref<1x1x6656xi32, #tpu.memory_space<hbm>>
      %dma_start3A_127 = tpu.memref_squeeze %dma_start3A_126 : memref<1x1x6656xi32, #tpu.memory_space<hbm>> -> memref<6656xi32, #tpu.memory_space<hbm>>
      tpu.enqueue_dma source(%dma_start3A_127 : memref<6656xi32, #tpu.memory_space<hbm>>) target(%arg9 : memref<6656xi32, #tpu.memory_space<vmem>>) target_semaphore(%run_scoped3A_121 : memref<!tpu.dma_semaphore, #tpu.memory_space<semaphore_mem>>)
      %dma_wait3A_128 = arith.constant 0 : i32
      %dma_wait3A_129 = tpu.memref_slice %arg2[%add3A, %run_scoped3A_98, %dma_wait3A_128] : memref<32x8x6656xi32, #tpu.memory_space<hbm>> -> memref<1x1x6656xi32, #tpu.memory_space<hbm>>
      %dma_wait3A_130 = tpu.memref_squeeze %dma_wait3A_129 : memref<1x1x6656xi32, #tpu.memory_space<hbm>> -> memref<6656xi32, #tpu.memory_space<hbm>>
      %dma_wait3A_131 = arith.constant 0 : i32
      %dma_wait3A_132 = tpu.memref_slice %arg2[%add3A, %run_scoped3A_98, %dma_wait3A_131] : memref<32x8x6656xi32, #tpu.memory_space<hbm>> -> memref<1x1x6656xi32, #tpu.memory_space<hbm>>
      %dma_wait3A_133 = tpu.memref_squeeze %dma_wait3A_132 : memref<1x1x6656xi32, #tpu.memory_space<hbm>> -> memref<6656xi32, #tpu.memory_space<hbm>>
      tpu.wait_dma2 semaphore(%run_scoped3A_121 : memref<!tpu.dma_semaphore, #tpu.memory_space<semaphore_mem>>) src(%dma_wait3A_133 : memref<6656xi32, #tpu.memory_space<hbm>>) dst(%arg9 : memref<6656xi32, #tpu.memory_space<vmem>>)
      tpu.yield
    }) : () -> ()
    %dma_start3A_99 = arith.constant 0 : i32
    %dma_start3A_100 = arith.constant 0 : i32
    %dma_start3A_101 = tpu.memref_slice %arg5[%dma_start3A_99, %dma_start3A_100] : memref<5200000x8xf32, #tpu.memory_space<hbm>> -> memref<5200000x8xf32, #tpu.memory_space<hbm>>
    tpu.enqueue_indirect_dma source(%dma_start3A_101 : memref<5200000x8xf32, #tpu.memory_space<hbm>>) target(%arg10 : memref<6656x8xf32, #tpu.memory_space<vmem>>) offsets(%arg9 : memref<6656xi32, #tpu.memory_space<vmem>>) semaphore(%arg16 : memref<!tpu.dma_semaphore, #tpu.memory_space<semaphore_mem>>)
    %dma_wait3A_102 = arith.constant 0 : i32
    %dma_wait3A_103 = arith.constant 0 : i32
    %dma_wait3A_104 = tpu.memref_slice %arg5[%dma_wait3A_102, %dma_wait3A_103] : memref<5200000x8xf32, #tpu.memory_space<hbm>> -> memref<5200000x8xf32, #tpu.memory_space<hbm>>
    tpu.wait_indirect_dma semaphore(%arg16 : memref<!tpu.dma_semaphore, #tpu.memory_space<semaphore_mem>>) src(%dma_wait3A_104 : memref<5200000x8xf32, #tpu.memory_space<hbm>>) dst(%arg10 : memref<6656x8xf32, #tpu.memory_space<vmem>>)
    %scan3A_105 = arith.constant 0 : i32
    %scan3A_106 = arith.constant 0 : i32
    %scan3A_107 = arith.constant 26 : i32
    %scan3A_108 = arith.addi %scan3A_106, %scan3A_107 : i32
    %scan3A_109 = arith.constant 1 : i32
    scf.for %scan3A_121 = %scan3A_106 to %scan3A_108 step %scan3A_109  : i32 {
      %mul3A_122 = arith.constant 16 : i32
      %mul3A_123 = arith.muli %scan3A_121, %mul3A_122 : i32
      %add3A_124 = vector.broadcast %mul3A_123 : i32 to vector<16xi32>
      %add3A_125 = arith.addi %add3A_124, %iota3A : vector<16xi32>
      %mul3A_126 = arith.constant 16 : i32
      %mul3A_127 = arith.muli %scan3A_121, %mul3A_126 : i32
      %add3A_128 = arith.constant 2912 : i32
      %add3A_129 = arith.addi %add3A_128, %mul3A_127 : i32
      %get3A = arith.index_cast %add3A_129 : i32 to index
      %get3A_130 = tpu.vector_load %arg14[%get3A] {strides = array<i32>} : memref<3328xi32, #tpu.memory_space<vmem>>, vector<16xi32>,
      %mul3A_131 = arith.constant 16 : i32
      %mul3A_132 = vector.broadcast %mul3A_131 : i32 to vector<16xi32>
      %mul3A_133 = arith.muli %add3A_125, %mul3A_132 : vector<16xi32>
      %add3A_134 = arith.constant 0 : i32
      %add3A_135 = vector.broadcast %add3A_134 : i32 to vector<16xi32>
      %add3A_136 = arith.addi %mul3A_133, %add3A_135 : vector<16xi32>
      %gather3A = tpu.vector_load_idx %arg10[%add3A_136, %get3A_130] : memref<6656x8xf32, #tpu.memory_space<vmem>>[vector<16xi32>, vector<16xi32>], vector<16xf32>,
      %mul3A_137 = arith.constant 16 : i32
      %mul3A_138 = vector.broadcast %mul3A_137 : i32 to vector<16xi32>
      %mul3A_139 = arith.muli %add3A_125, %mul3A_138 : vector<16xi32>
      %add3A_140 = arith.constant 0 : i32
      %add3A_141 = vector.broadcast %add3A_140 : i32 to vector<16xi32>
      %add3A_142 = arith.addi %mul3A_139, %add3A_141 : vector<16xi32>
      tpu.vector_store_idx %arg11[%add3A_142], %gather3A : memref<6656xf32, #tpu.memory_space<vmem>>[vector<16xi32>], vector<16xf32>,
      %mul3A_143 = arith.constant 16 : i32
      %mul3A_144 = vector.broadcast %mul3A_143 : i32 to vector<16xi32>
      %mul3A_145 = arith.muli %add3A_125, %mul3A_144 : vector<16xi32>
      %add3A_146 = arith.constant 1 : i32
      %add3A_147 = vector.broadcast %add3A_146 : i32 to vector<16xi32>
      %add3A_148 = arith.addi %mul3A_145, %add3A_147 : vector<16xi32>
      %gather3A_149 = tpu.vector_load_idx %arg10[%add3A_148, %get3A_130] : memref<6656x8xf32, #tpu.memory_space<vmem>>[vector<16xi32>, vector<16xi32>], vector<16xf32>,
      %mul3A_150 = arith.constant 16 : i32
      %mul3A_151 = vector.broadcast %mul3A_150 : i32 to vector<16xi32>
      %mul3A_152 = arith.muli %add3A_125, %mul3A_151 : vector<16xi32>
      %add3A_153 = arith.constant 1 : i32
      %add3A_154 = vector.broadcast %add3A_153 : i32 to vector<16xi32>
      %add3A_155 = arith.addi %mul3A_152, %add3A_154 : vector<16xi32>
      tpu.vector_store_idx %arg11[%add3A_155], %gather3A_149 : memref<6656xf32, #tpu.memory_space<vmem>>[vector<16xi32>], vector<16xf32>,
      %mul3A_156 = arith.constant 16 : i32
      %mul3A_157 = vector.broadcast %mul3A_156 : i32 to vector<16xi32>
      %mul3A_158 = arith.muli %add3A_125, %mul3A_157 : vector<16xi32>
      %add3A_159 = arith.constant 2 : i32
      %add3A_160 = vector.broadcast %add3A_159 : i32 to vector<16xi32>
      %add3A_161 = arith.addi %mul3A_158, %add3A_160 : vector<16xi32>
      %gather3A_162 = tpu.vector_load_idx %arg10[%add3A_161, %get3A_130] : memref<6656x8xf32, #tpu.memory_space<vmem>>[vector<16xi32>, vector<16xi32>], vector<16xf32>,
      %mul3A_163 = arith.constant 16 : i32
      %mul3A_164 = vector.broadcast %mul3A_163 : i32 to vector<16xi32>
      %mul3A_165 = arith.muli %add3A_125, %mul3A_164 : vector<16xi32>
      %add3A_166 = arith.constant 2 : i32
      %add3A_167 = vector.broadcast %add3A_166 : i32 to vector<16xi32>
      %add3A_168 = arith.addi %mul3A_165, %add3A_167 : vector<16xi32>
      tpu.vector_store_idx %arg11[%add3A_168], %gather3A_162 : memref<6656xf32, #tpu.memory_space<vmem>>[vector<16xi32>], vector<16xf32>,
      %mul3A_169 = arith.constant 16 : i32
      %mul3A_170 = vector.broadcast %mul3A_169 : i32 to vector<16xi32>
      %mul3A_171 = arith.muli %add3A_125, %mul3A_170 : vector<16xi32>
      %add3A_172 = arith.constant 3 : i32
      %add3A_173 = vector.broadcast %add3A_172 : i32 to vector<16xi32>
      %add3A_174 = arith.addi %mul3A_171, %add3A_173 : vector<16xi32>
      %gather3A_175 = tpu.vector_load_idx %arg10[%add3A_174, %get3A_130] : memref<6656x8xf32, #tpu.memory_space<vmem>>[vector<16xi32>, vector<16xi32>], vector<16xf32>,
      %mul3A_176 = arith.constant 16 : i32
      %mul3A_177 = vector.broadcast %mul3A_176 : i32 to vector<16xi32>
      %mul3A_178 = arith.muli %add3A_125, %mul3A_177 : vector<16xi32>
      %add3A_179 = arith.constant 3 : i32
      %add3A_180 = vector.broadcast %add3A_179 : i32 to vector<16xi32>
      %add3A_181 = arith.addi %mul3A_178, %add3A_180 : vector<16xi32>
      tpu.vector_store_idx %arg11[%add3A_181], %gather3A_175 : memref<6656xf32, #tpu.memory_space<vmem>>[vector<16xi32>], vector<16xf32>,
      %mul3A_182 = arith.constant 16 : i32
      %mul3A_183 = vector.broadcast %mul3A_182 : i32 to vector<16xi32>
      %mul3A_184 = arith.muli %add3A_125, %mul3A_183 : vector<16xi32>
      %add3A_185 = arith.constant 4 : i32
      %add3A_186 = vector.broadcast %add3A_185 : i32 to vector<16xi32>
      %add3A_187 = arith.addi %mul3A_184, %add3A_186 : vector<16xi32>
      %gather3A_188 = tpu.vector_load_idx %arg10[%add3A_187, %get3A_130] : memref<6656x8xf32, #tpu.memory_space<vmem>>[vector<16xi32>, vector<16xi32>], vector<16xf32>,
      %mul3A_189 = arith.constant 16 : i32
      %mul3A_190 = vector.broadcast %mul3A_189 : i32 to vector<16xi32>
      %mul3A_191 = arith.muli %add3A_125, %mul3A_190 : vector<16xi32>
      %add3A_192 = arith.constant 4 : i32
      %add3A_193 = vector.broadcast %add3A_192 : i32 to vector<16xi32>
      %add3A_194 = arith.addi %mul3A_191, %add3A_193 : vector<16xi32>
      tpu.vector_store_idx %arg11[%add3A_194], %gather3A_188 : memref<6656xf32, #tpu.memory_space<vmem>>[vector<16xi32>], vector<16xf32>,
      %mul3A_195 = arith.constant 16 : i32
      %mul3A_196 = vector.broadcast %mul3A_195 : i32 to vector<16xi32>
      %mul3A_197 = arith.muli %add3A_125, %mul3A_196 : vector<16xi32>
      %add3A_198 = arith.constant 5 : i32
      %add3A_199 = vector.broadcast %add3A_198 : i32 to vector<16xi32>
      %add3A_200 = arith.addi %mul3A_197, %add3A_199 : vector<16xi32>
      %gather3A_201 = tpu.vector_load_idx %arg10[%add3A_200, %get3A_130] : memref<6656x8xf32, #tpu.memory_space<vmem>>[vector<16xi32>, vector<16xi32>], vector<16xf32>,
      %mul3A_202 = arith.constant 16 : i32
      %mul3A_203 = vector.broadcast %mul3A_202 : i32 to vector<16xi32>
      %mul3A_204 = arith.muli %add3A_125, %mul3A_203 : vector<16xi32>
      %add3A_205 = arith.constant 5 : i32
      %add3A_206 = vector.broadcast %add3A_205 : i32 to vector<16xi32>
      %add3A_207 = arith.addi %mul3A_204, %add3A_206 : vector<16xi32>
      tpu.vector_store_idx %arg11[%add3A_207], %gather3A_201 : memref<6656xf32, #tpu.memory_space<vmem>>[vector<16xi32>], vector<16xf32>,
      %mul3A_208 = arith.constant 16 : i32
      %mul3A_209 = vector.broadcast %mul3A_208 : i32 to vector<16xi32>
      %mul3A_210 = arith.muli %add3A_125, %mul3A_209 : vector<16xi32>
      %add3A_211 = arith.constant 6 : i32
      %add3A_212 = vector.broadcast %add3A_211 : i32 to vector<16xi32>
      %add3A_213 = arith.addi %mul3A_210, %add3A_212 : vector<16xi32>
      %gather3A_214 = tpu.vector_load_idx %arg10[%add3A_213, %get3A_130] : memref<6656x8xf32, #tpu.memory_space<vmem>>[vector<16xi32>, vector<16xi32>], vector<16xf32>,
      %mul3A_215 = arith.constant 16 : i32
      %mul3A_216 = vector.broadcast %mul3A_215 : i32 to vector<16xi32>
      %mul3A_217 = arith.muli %add3A_125, %mul3A_216 : vector<16xi32>
      %add3A_218 = arith.constant 6 : i32
      %add3A_219 = vector.broadcast %add3A_218 : i32 to vector<16xi32>
      %add3A_220 = arith.addi %mul3A_217, %add3A_219 : vector<16xi32>
      tpu.vector_store_idx %arg11[%add3A_220], %gather3A_214 : memref<6656xf32, #tpu.memory_space<vmem>>[vector<16xi32>], vector<16xf32>,
      %mul3A_221 = arith.constant 16 : i32
      %mul3A_222 = vector.broadcast %mul3A_221 : i32 to vector<16xi32>
      %mul3A_223 = arith.muli %add3A_125, %mul3A_222 : vector<16xi32>
      %add3A_224 = arith.constant 7 : i32
      %add3A_225 = vector.broadcast %add3A_224 : i32 to vector<16xi32>
      %add3A_226 = arith.addi %mul3A_223, %add3A_225 : vector<16xi32>
      %gather3A_227 = tpu.vector_load_idx %arg10[%add3A_226, %get3A_130] : memref<6656x8xf32, #tpu.memory_space<vmem>>[vector<16xi32>, vector<16xi32>], vector<16xf32>,
      %mul3A_228 = arith.constant 16 : i32
      %mul3A_229 = vector.broadcast %mul3A_228 : i32 to vector<16xi32>
      %mul3A_230 = arith.muli %add3A_125, %mul3A_229 : vector<16xi32>
      %add3A_231 = arith.constant 7 : i32
      %add3A_232 = vector.broadcast %add3A_231 : i32 to vector<16xi32>
      %add3A_233 = arith.addi %mul3A_230, %add3A_232 : vector<16xi32>
      tpu.vector_store_idx %arg11[%add3A_233], %gather3A_227 : memref<6656xf32, #tpu.memory_space<vmem>>[vector<16xi32>], vector<16xf32>,
      %mul3A_234 = arith.constant 16 : i32
      %mul3A_235 = vector.broadcast %mul3A_234 : i32 to vector<16xi32>
      %mul3A_236 = arith.muli %add3A_125, %mul3A_235 : vector<16xi32>
      %add3A_237 = arith.constant 8 : i32
      %add3A_238 = vector.broadcast %add3A_237 : i32 to vector<16xi32>
      %add3A_239 = arith.addi %mul3A_236, %add3A_238 : vector<16xi32>
      %gather3A_240 = tpu.vector_load_idx %arg10[%add3A_239, %get3A_130] : memref<6656x8xf32, #tpu.memory_space<vmem>>[vector<16xi32>, vector<16xi32>], vector<16xf32>,
      %mul3A_241 = arith.constant 16 : i32
      %mul3A_242 = vector.broadcast %mul3A_241 : i32 to vector<16xi32>
      %mul3A_243 = arith.muli %add3A_125, %mul3A_242 : vector<16xi32>
      %add3A_244 = arith.constant 8 : i32
      %add3A_245 = vector.broadcast %add3A_244 : i32 to vector<16xi32>
      %add3A_246 = arith.addi %mul3A_243, %add3A_245 : vector<16xi32>
      tpu.vector_store_idx %arg11[%add3A_246], %gather3A_240 : memref<6656xf32, #tpu.memory_space<vmem>>[vector<16xi32>], vector<16xf32>,
      %mul3A_247 = arith.constant 16 : i32
      %mul3A_248 = vector.broadcast %mul3A_247 : i32 to vector<16xi32>
      %mul3A_249 = arith.muli %add3A_125, %mul3A_248 : vector<16xi32>
      %add3A_250 = arith.constant 9 : i32
      %add3A_251 = vector.broadcast %add3A_250 : i32 to vector<16xi32>
      %add3A_252 = arith.addi %mul3A_249, %add3A_251 : vector<16xi32>
      %gather3A_253 = tpu.vector_load_idx %arg10[%add3A_252, %get3A_130] : memref<6656x8xf32, #tpu.memory_space<vmem>>[vector<16xi32>, vector<16xi32>], vector<16xf32>,
      %mul3A_254 = arith.constant 16 : i32
      %mul3A_255 = vector.broadcast %mul3A_254 : i32 to vector<16xi32>
      %mul3A_256 = arith.muli %add3A_125, %mul3A_255 : vector<16xi32>
      %add3A_257 = arith.constant 9 : i32
      %add3A_258 = vector.broadcast %add3A_257 : i32 to vector<16xi32>
      %add3A_259 = arith.addi %mul3A_256, %add3A_258 : vector<16xi32>
      tpu.vector_store_idx %arg11[%add3A_259], %gather3A_253 : memref<6656xf32, #tpu.memory_space<vmem>>[vector<16xi32>], vector<16xf32>,
      %mul3A_260 = arith.constant 16 : i32
      %mul3A_261 = vector.broadcast %mul3A_260 : i32 to vector<16xi32>
      %mul3A_262 = arith.muli %add3A_125, %mul3A_261 : vector<16xi32>
      %add3A_263 = arith.constant 10 : i32
      %add3A_264 = vector.broadcast %add3A_263 : i32 to vector<16xi32>
      %add3A_265 = arith.addi %mul3A_262, %add3A_264 : vector<16xi32>
      %gather3A_266 = tpu.vector_load_idx %arg10[%add3A_265, %get3A_130] : memref<6656x8xf32, #tpu.memory_space<vmem>>[vector<16xi32>, vector<16xi32>], vector<16xf32>,
      %mul3A_267 = arith.constant 16 : i32
      %mul3A_268 = vector.broadcast %mul3A_267 : i32 to vector<16xi32>
      %mul3A_269 = arith.muli %add3A_125, %mul3A_268 : vector<16xi32>
      %add3A_270 = arith.constant 10 : i32
      %add3A_271 = vector.broadcast %add3A_270 : i32 to vector<16xi32>
      %add3A_272 = arith.addi %mul3A_269, %add3A_271 : vector<16xi32>
      tpu.vector_store_idx %arg11[%add3A_272], %gather3A_266 : memref<6656xf32, #tpu.memory_space<vmem>>[vector<16xi32>], vector<16xf32>,
      %mul3A_273 = arith.constant 16 : i32
      %mul3A_274 = vector.broadcast %mul3A_273 : i32 to vector<16xi32>
      %mul3A_275 = arith.muli %add3A_125, %mul3A_274 : vector<16xi32>
      %add3A_276 = arith.constant 11 : i32
      %add3A_277 = vector.broadcast %add3A_276 : i32 to vector<16xi32>
      %add3A_278 = arith.addi %mul3A_275, %add3A_277 : vector<16xi32>
      %gather3A_279 = tpu.vector_load_idx %arg10[%add3A_278, %get3A_130] : memref<6656x8xf32, #tpu.memory_space<vmem>>[vector<16xi32>, vector<16xi32>], vector<16xf32>,
      %mul3A_280 = arith.constant 16 : i32
      %mul3A_281 = vector.broadcast %mul3A_280 : i32 to vector<16xi32>
      %mul3A_282 = arith.muli %add3A_125, %mul3A_281 : vector<16xi32>
      %add3A_283 = arith.constant 11 : i32
      %add3A_284 = vector.broadcast %add3A_283 : i32 to vector<16xi32>
      %add3A_285 = arith.addi %mul3A_282, %add3A_284 : vector<16xi32>
      tpu.vector_store_idx %arg11[%add3A_285], %gather3A_279 : memref<6656xf32, #tpu.memory_space<vmem>>[vector<16xi32>], vector<16xf32>,
      %mul3A_286 = arith.constant 16 : i32
      %mul3A_287 = vector.broadcast %mul3A_286 : i32 to vector<16xi32>
      %mul3A_288 = arith.muli %add3A_125, %mul3A_287 : vector<16xi32>
      %add3A_289 = arith.constant 12 : i32
      %add3A_290 = vector.broadcast %add3A_289 : i32 to vector<16xi32>
      %add3A_291 = arith.addi %mul3A_288, %add3A_290 : vector<16xi32>
      %gather3A_292 = tpu.vector_load_idx %arg10[%add3A_291, %get3A_130] : memref<6656x8xf32, #tpu.memory_space<vmem>>[vector<16xi32>, vector<16xi32>], vector<16xf32>,
      %mul3A_293 = arith.constant 16 : i32
      %mul3A_294 = vector.broadcast %mul3A_293 : i32 to vector<16xi32>
      %mul3A_295 = arith.muli %add3A_125, %mul3A_294 : vector<16xi32>
      %add3A_296 = arith.constant 12 : i32
      %add3A_297 = vector.broadcast %add3A_296 : i32 to vector<16xi32>
      %add3A_298 = arith.addi %mul3A_295, %add3A_297 : vector<16xi32>
      tpu.vector_store_idx %arg11[%add3A_298], %gather3A_292 : memref<6656xf32, #tpu.memory_space<vmem>>[vector<16xi32>], vector<16xf32>,
      %mul3A_299 = arith.constant 16 : i32
      %mul3A_300 = vector.broadcast %mul3A_299 : i32 to vector<16xi32>
      %mul3A_301 = arith.muli %add3A_125, %mul3A_300 : vector<16xi32>
      %add3A_302 = arith.constant 13 : i32
      %add3A_303 = vector.broadcast %add3A_302 : i32 to vector<16xi32>
      %add3A_304 = arith.addi %mul3A_301, %add3A_303 : vector<16xi32>
      %gather3A_305 = tpu.vector_load_idx %arg10[%add3A_304, %get3A_130] : memref<6656x8xf32, #tpu.memory_space<vmem>>[vector<16xi32>, vector<16xi32>], vector<16xf32>,
      %mul3A_306 = arith.constant 16 : i32
      %mul3A_307 = vector.broadcast %mul3A_306 : i32 to vector<16xi32>
      %mul3A_308 = arith.muli %add3A_125, %mul3A_307 : vector<16xi32>
      %add3A_309 = arith.constant 13 : i32
      %add3A_310 = vector.broadcast %add3A_309 : i32 to vector<16xi32>
      %add3A_311 = arith.addi %mul3A_308, %add3A_310 : vector<16xi32>
      tpu.vector_store_idx %arg11[%add3A_311], %gather3A_305 : memref<6656xf32, #tpu.memory_space<vmem>>[vector<16xi32>], vector<16xf32>,
      %mul3A_312 = arith.constant 16 : i32
      %mul3A_313 = vector.broadcast %mul3A_312 : i32 to vector<16xi32>
      %mul3A_314 = arith.muli %add3A_125, %mul3A_313 : vector<16xi32>
      %add3A_315 = arith.constant 14 : i32
      %add3A_316 = vector.broadcast %add3A_315 : i32 to vector<16xi32>
      %add3A_317 = arith.addi %mul3A_314, %add3A_316 : vector<16xi32>
      %gather3A_318 = tpu.vector_load_idx %arg10[%add3A_317, %get3A_130] : memref<6656x8xf32, #tpu.memory_space<vmem>>[vector<16xi32>, vector<16xi32>], vector<16xf32>,
      %mul3A_319 = arith.constant 16 : i32
      %mul3A_320 = vector.broadcast %mul3A_319 : i32 to vector<16xi32>
      %mul3A_321 = arith.muli %add3A_125, %mul3A_320 : vector<16xi32>
      %add3A_322 = arith.constant 14 : i32
      %add3A_323 = vector.broadcast %add3A_322 : i32 to vector<16xi32>
      %add3A_324 = arith.addi %mul3A_321, %add3A_323 : vector<16xi32>
      tpu.vector_store_idx %arg11[%add3A_324], %gather3A_318 : memref<6656xf32, #tpu.memory_space<vmem>>[vector<16xi32>], vector<16xf32>,
      %mul3A_325 = arith.constant 16 : i32
      %mul3A_326 = vector.broadcast %mul3A_325 : i32 to vector<16xi32>
      %mul3A_327 = arith.muli %add3A_125, %mul3A_326 : vector<16xi32>
      %add3A_328 = arith.constant 15 : i32
      %add3A_329 = vector.broadcast %add3A_328 : i32 to vector<16xi32>
      %add3A_330 = arith.addi %mul3A_327, %add3A_329 : vector<16xi32>
      %gather3A_331 = tpu.vector_load_idx %arg10[%add3A_330, %get3A_130] : memref<6656x8xf32, #tpu.memory_space<vmem>>[vector<16xi32>, vector<16xi32>], vector<16xf32>,
      %mul3A_332 = arith.constant 16 : i32
      %mul3A_333 = vector.broadcast %mul3A_332 : i32 to vector<16xi32>
      %mul3A_334 = arith.muli %add3A_125, %mul3A_333 : vector<16xi32>
      %add3A_335 = arith.constant 15 : i32
      %add3A_336 = vector.broadcast %add3A_335 : i32 to vector<16xi32>
      %add3A_337 = arith.addi %mul3A_334, %add3A_336 : vector<16xi32>
      tpu.vector_store_idx %arg11[%add3A_337], %gather3A_331 : memref<6656xf32, #tpu.memory_space<vmem>>[vector<16xi32>], vector<16xf32>,
    }
    %scan3A_110 = arith.constant 26 : i32
    %run_scoped3A_111 = arith.constant 7 : i32
    "tpu.region"() ({
      %run_scoped3A_121 = tpu.sem_alloc : memref<!tpu.dma_semaphore, #tpu.memory_space<semaphore_mem>>
      %dma_start3A_122 = arith.constant 0 : i32
      %dma_start3A_123 = tpu.memref_slice %arg7[%add3A, %run_scoped3A_111, %dma_start3A_122] : memref<32x8x6656xf32, #tpu.memory_space<hbm>> -> memref<1x1x6656xf32, #tpu.memory_space<hbm>>
      %dma_start3A_124 = tpu.memref_squeeze %dma_start3A_123 : memref<1x1x6656xf32, #tpu.memory_space<hbm>> -> memref<6656xf32, #tpu.memory_space<hbm>>
      %dma_start3A_125 = arith.constant 0 : i32
      %dma_start3A_126 = tpu.memref_slice %arg7[%add3A, %run_scoped3A_111, %dma_start3A_125] : memref<32x8x6656xf32, #tpu.memory_space<hbm>> -> memref<1x1x6656xf32, #tpu.memory_space<hbm>>
      %dma_start3A_127 = tpu.memref_squeeze %dma_start3A_126 : memref<1x1x6656xf32, #tpu.memory_space<hbm>> -> memref<6656xf32, #tpu.memory_space<hbm>>
      tpu.enqueue_dma source(%arg11 : memref<6656xf32, #tpu.memory_space<vmem>>) target(%dma_start3A_127 : memref<6656xf32, #tpu.memory_space<hbm>>) target_semaphore(%run_scoped3A_121 : memref<!tpu.dma_semaphore, #tpu.memory_space<semaphore_mem>>)
      %dma_wait3A_128 = arith.constant 0 : i32
      %dma_wait3A_129 = tpu.memref_slice %arg7[%add3A, %run_scoped3A_111, %dma_wait3A_128] : memref<32x8x6656xf32, #tpu.memory_space<hbm>> -> memref<1x1x6656xf32, #tpu.memory_space<hbm>>
      %dma_wait3A_130 = tpu.memref_squeeze %dma_wait3A_129 : memref<1x1x6656xf32, #tpu.memory_space<hbm>> -> memref<6656xf32, #tpu.memory_space<hbm>>
      %dma_wait3A_131 = arith.constant 0 : i32
      %dma_wait3A_132 = tpu.memref_slice %arg7[%add3A, %run_scoped3A_111, %dma_wait3A_131] : memref<32x8x6656xf32, #tpu.memory_space<hbm>> -> memref<1x1x6656xf32, #tpu.memory_space<hbm>>
      %dma_wait3A_133 = tpu.memref_squeeze %dma_wait3A_132 : memref<1x1x6656xf32, #tpu.memory_space<hbm>> -> memref<6656xf32, #tpu.memory_space<hbm>>
      tpu.wait_dma2 semaphore(%run_scoped3A_121 : memref<!tpu.dma_semaphore, #tpu.memory_space<semaphore_mem>>) src(%arg11 : memref<6656xf32, #tpu.memory_space<vmem>>) dst(%dma_wait3A_133 : memref<6656xf32, #tpu.memory_space<hbm>>)
      tpu.yield
    }) : () -> ()
    %dma_wait3A_112 = arith.constant 0 : i32
    %dma_wait3A_113 = arith.constant 0 : i32
    %dma_wait3A_114 = tpu.memref_slice %arg6[%dma_wait3A_112, %dma_wait3A_113] : memref<325000x8xf32, #tpu.memory_space<hbm>> -> memref<325000x8xf32, #tpu.memory_space<hbm>>
    tpu.wait_indirect_dma semaphore(%arg17 : memref<!tpu.dma_semaphore, #tpu.memory_space<semaphore_mem>>) src(%dma_wait3A_114 : memref<325000x8xf32, #tpu.memory_space<hbm>>) dst(%arg13 : memref<3328x8xf32, #tpu.memory_space<vmem>>)
    %scan3A_115 = arith.constant 0 : i32
    %scan3A_116 = arith.constant 0 : i32
    %scan3A_117 = arith.constant 208 : i32
    %scan3A_118 = arith.addi %scan3A_116, %scan3A_117 : i32
    %scan3A_119 = arith.constant 1 : i32
    scf.for %scan3A_121 = %scan3A_116 to %scan3A_118 step %scan3A_119  : i32 {
      %mul3A_122 = arith.constant 16 : i32
      %mul3A_123 = arith.muli %scan3A_121, %mul3A_122 : i32
      %add3A_124 = vector.broadcast %mul3A_123 : i32 to vector<16xi32>
      %add3A_125 = arith.addi %add3A_124, %iota3A : vector<16xi32>
      %mul3A_126 = arith.constant 16 : i32
      %mul3A_127 = arith.muli %scan3A_121, %mul3A_126 : i32
      %get3A = arith.index_cast %mul3A_127 : i32 to index
      %get3A_128 = tpu.vector_load %arg14[%get3A] {strides = array<i32>} : memref<3328xi32, #tpu.memory_space<vmem>>, vector<16xi32>,
      %gather3A = tpu.vector_load_idx %arg13[%add3A_125, %get3A_128] : memref<3328x8xf32, #tpu.memory_space<vmem>>[vector<16xi32>, vector<16xi32>], vector<16xf32>,
      tpu.vector_store_idx %arg15[%add3A_125], %gather3A : memref<3328xf32, #tpu.memory_space<vmem>>[vector<16xi32>], vector<16xf32>,
    }
    %scan3A_120 = arith.constant 208 : i32
    "tpu.region"() ({
      %run_scoped3A_121 = tpu.sem_alloc : memref<!tpu.dma_semaphore, #tpu.memory_space<semaphore_mem>>
      %dma_start3A_122 = arith.constant 0 : i32
      %dma_start3A_123 = tpu.memref_slice %arg8[%add3A, %dma_start3A_122] : memref<32x3328xf32, #tpu.memory_space<hbm>> -> memref<1x3328xf32, #tpu.memory_space<hbm>>
      %dma_start3A_124 = tpu.memref_squeeze %dma_start3A_123 : memref<1x3328xf32, #tpu.memory_space<hbm>> -> memref<3328xf32, #tpu.memory_space<hbm>>
      %dma_start3A_125 = arith.constant 0 : i32
      %dma_start3A_126 = tpu.memref_slice %arg8[%add3A, %dma_start3A_125] : memref<32x3328xf32, #tpu.memory_space<hbm>> -> memref<1x3328xf32, #tpu.memory_space<hbm>>
      %dma_start3A_127 = tpu.memref_squeeze %dma_start3A_126 : memref<1x3328xf32, #tpu.memory_space<hbm>> -> memref<3328xf32, #tpu.memory_space<hbm>>
      tpu.enqueue_dma source(%arg15 : memref<3328xf32, #tpu.memory_space<vmem>>) target(%dma_start3A_127 : memref<3328xf32, #tpu.memory_space<hbm>>) target_semaphore(%run_scoped3A_121 : memref<!tpu.dma_semaphore, #tpu.memory_space<semaphore_mem>>)
      %dma_wait3A_128 = arith.constant 0 : i32
      %dma_wait3A_129 = tpu.memref_slice %arg8[%add3A, %dma_wait3A_128] : memref<32x3328xf32, #tpu.memory_space<hbm>> -> memref<1x3328xf32, #tpu.memory_space<hbm>>
      %dma_wait3A_130 = tpu.memref_squeeze %dma_wait3A_129 : memref<1x3328xf32, #tpu.memory_space<hbm>> -> memref<3328xf32, #tpu.memory_space<hbm>>
      %dma_wait3A_131 = arith.constant 0 : i32
      %dma_wait3A_132 = tpu.memref_slice %arg8[%add3A, %dma_wait3A_131] : memref<32x3328xf32, #tpu.memory_space<hbm>> -> memref<1x3328xf32, #tpu.memory_space<hbm>>
      %dma_wait3A_133 = tpu.memref_squeeze %dma_wait3A_132 : memref<1x3328xf32, #tpu.memory_space<hbm>> -> memref<3328xf32, #tpu.memory_space<hbm>>
      tpu.wait_dma2 semaphore(%run_scoped3A_121 : memref<!tpu.dma_semaphore, #tpu.memory_space<semaphore_mem>>) src(%arg15 : memref<3328xf32, #tpu.memory_space<vmem>>) dst(%dma_wait3A_133 : memref<3328xf32, #tpu.memory_space<hbm>>)
      tpu.yield
    }) : () -> ()
    return
  }
}

module attributes {stable_mosaic.version = 14 : i64} {
  func.func @body(%arg0: i32, %arg1: memref<512x26xf32, #tpu.memory_space<vmem>>, %arg2: memref<512x26xf32, #tpu.memory_space<vmem>>, %arg3: memref<512x416xf32, #tpu.memory_space<vmem>>, %arg4: memref<26x416xf32, #tpu.memory_space<vmem>>, %arg5: memref<416x16xf32, #tpu.memory_space<vmem>>, %arg6: memref<416x32xf32, #tpu.memory_space<vmem>>, %arg7: memref<32xf32, #tpu.memory_space<vmem>>, %arg8: memref<32x32xf32, #tpu.memory_space<vmem>>, %arg9: memref<32xf32, #tpu.memory_space<vmem>>, %arg10: memref<1x1xf32, #tpu.memory_space<smem>>, %arg11: memref<512xf32, #tpu.memory_space<vmem>>) attributes {dimension_semantics = [#tpu.dimension_semantics<arbitrary>], iteration_bounds = array<i64: 8>, scalar_prefetch = 0 : i64, scratch_operands = 0 : i64, tpu.core_type = #tpu.core_type<tc>, window_params = [{transform_indices = @transform_0, window_bounds = array<i64: 512, 26>}, {transform_indices = @transform_1, window_bounds = array<i64: 512, 26>}, {transform_indices = @transform_2, window_bounds = array<i64: 512, 416>}, {pipeline_mode = #tpu.pipeline_mode<synchronous>, transform_indices = @transform_3, window_bounds = array<i64: 26, 416>}, {pipeline_mode = #tpu.pipeline_mode<synchronous>, transform_indices = @transform_4, window_bounds = array<i64: 416, 16>}, {pipeline_mode = #tpu.pipeline_mode<synchronous>, transform_indices = @transform_5, window_bounds = array<i64: 416, 32>}, {pipeline_mode = #tpu.pipeline_mode<synchronous>, transform_indices = @transform_6, window_bounds = array<i64: 32>}, {pipeline_mode = #tpu.pipeline_mode<synchronous>, transform_indices = @transform_7, window_bounds = array<i64: 32, 32>}, {pipeline_mode = #tpu.pipeline_mode<synchronous>, transform_indices = @transform_8, window_bounds = array<i64: 32>}, {transform_indices = @transform_9, window_bounds = array<i64: 1, 1>}, {transform_indices = @transform_10, window_bounds = array<i64: 512>}]} {
    %get3A = arith.constant 0 : index
    %get3A_0 = arith.constant 0 : index
    %get3A_1 = vector.load %arg1[%get3A, %get3A_0] : memref<512x26xf32, #tpu.memory_space<vmem>>, vector<512x26xf32>
    %get3A_2 = arith.constant 0 : index
    %get3A_3 = arith.constant 0 : index
    %get3A_4 = vector.load %arg3[%get3A_2, %get3A_3] : memref<512x416xf32, #tpu.memory_space<vmem>>, vector<512x416xf32>
    %get3A_5 = arith.constant 0 : index
    %get3A_6 = arith.constant 0 : index
    %get3A_7 = vector.load %arg4[%get3A_5, %get3A_6] : memref<26x416xf32, #tpu.memory_space<vmem>>, vector<26x416xf32>
    %dot_general3A = arith.constant dense<0.000000e+00> : vector<512x416xf32>
    %dot_general3A_8 = tpu.matmul %get3A_1, %get3A_7, %dot_general3A {dimension_numbers = #tpu.dot_dimension_numbers<[1], [0], [0], [1], [0, 0, 1, 1], [], []>, precision = #tpu.contract_precision<fp32>, transpose_lhs_hint = false} : vector<512x26xf32>, vector<26x416xf32>, vector<512x416xf32> -> vector<512x416xf32>
    %mul3A = arith.mulf %get3A_4, %dot_general3A_8 : vector<512x416xf32>
    %get3A_9 = arith.constant 0 : index
    %get3A_10 = arith.constant 0 : index
    %get3A_11 = vector.load %arg2[%get3A_9, %get3A_10] : memref<512x26xf32, #tpu.memory_space<vmem>>, vector<512x26xf32>
    %mul3A_12 = arith.mulf %get3A_11, %get3A_1 : vector<512x26xf32>
    %reduce_sum3A = arith.constant dense<0.000000e+00> : vector<512xf32>
    %reduce_sum3A_13 = vector.multi_reduction <add>, %mul3A_12, %reduce_sum3A [1] : vector<512x26xf32> to vector<512xf32>
    %get3A_14 = arith.constant 0 : index
    %get3A_15 = arith.constant 0 : index
    %get3A_16 = vector.load %arg5[%get3A_14, %get3A_15] : memref<416x16xf32, #tpu.memory_space<vmem>>, vector<416x16xf32>
    %dot_general3A_17 = arith.constant dense<0.000000e+00> : vector<512x16xf32>
    %dot_general3A_18 = tpu.matmul %mul3A, %get3A_16, %dot_general3A_17 {dimension_numbers = #tpu.dot_dimension_numbers<[1], [0], [0], [1], [0, 0, 1, 1], [], []>, precision = #tpu.contract_precision<fp32>, transpose_lhs_hint = false} : vector<512x416xf32>, vector<416x16xf32>, vector<512x16xf32> -> vector<512x16xf32>
    %mul3A_19 = arith.mulf %mul3A, %mul3A : vector<512x416xf32>
    %get3A_20 = arith.constant 0 : index
    %get3A_21 = arith.constant 0 : index
    %get3A_22 = vector.load %arg5[%get3A_20, %get3A_21] : memref<416x16xf32, #tpu.memory_space<vmem>>, vector<416x16xf32>
    %dot_general3A_23 = arith.constant dense<0.000000e+00> : vector<512x16xf32>
    %dot_general3A_24 = tpu.matmul %mul3A_19, %get3A_22, %dot_general3A_23 {dimension_numbers = #tpu.dot_dimension_numbers<[1], [0], [0], [1], [0, 0, 1, 1], [], []>, precision = #tpu.contract_precision<fp32>, transpose_lhs_hint = false} : vector<512x416xf32>, vector<416x16xf32>, vector<512x16xf32> -> vector<512x16xf32>
    %mul3A_25 = arith.mulf %dot_general3A_18, %dot_general3A_18 : vector<512x16xf32>
    %sub3A = arith.subf %mul3A_25, %dot_general3A_24 : vector<512x16xf32>
    %reduce_sum3A_26 = arith.constant dense<0.000000e+00> : vector<512xf32>
    %reduce_sum3A_27 = vector.multi_reduction <add>, %sub3A, %reduce_sum3A_26 [1] : vector<512x16xf32> to vector<512xf32>
    %mul3A_28 = arith.constant 5.000000e-01 : f32
    %mul3A_29 = vector.broadcast %mul3A_28 : f32 to vector<512xf32>
    %mul3A_30 = arith.mulf %mul3A_29, %reduce_sum3A_27 : vector<512xf32>
    %get3A_31 = arith.constant 0 : index
    %get3A_32 = arith.constant 0 : index
    %get3A_33 = vector.load %arg6[%get3A_31, %get3A_32] : memref<416x32xf32, #tpu.memory_space<vmem>>, vector<416x32xf32>
    %dot_general3A_34 = arith.constant dense<0.000000e+00> : vector<512x32xf32>
    %dot_general3A_35 = tpu.matmul %mul3A, %get3A_33, %dot_general3A_34 {dimension_numbers = #tpu.dot_dimension_numbers<[1], [0], [0], [1], [0, 0, 1, 1], [], []>, precision = #tpu.contract_precision<fp32>, transpose_lhs_hint = false} : vector<512x416xf32>, vector<416x32xf32>, vector<512x32xf32> -> vector<512x32xf32>
    %get3A_36 = arith.constant 0 : index
    %get3A_37 = vector.load %arg7[%get3A_36] : memref<32xf32, #tpu.memory_space<vmem>>, vector<32xf32>
    %broadcast_in_dim3A = vector.shape_cast %get3A_37 : vector<32xf32> to vector<1x32xf32>
    %add3A = vector.broadcast %broadcast_in_dim3A : vector<1x32xf32> to vector<512x32xf32>
    %add3A_38 = arith.addf %dot_general3A_35, %add3A : vector<512x32xf32>
    %max3A = arith.constant 0.000000e+00 : f32
    %max3A_39 = vector.broadcast %max3A : f32 to vector<512x32xf32>
    %max3A_40 = arith.maximumf %add3A_38, %max3A_39 : vector<512x32xf32>
    %get3A_41 = arith.constant 0 : index
    %get3A_42 = arith.constant 0 : index
    %get3A_43 = vector.load %arg8[%get3A_41, %get3A_42] : memref<32x32xf32, #tpu.memory_space<vmem>>, vector<32x32xf32>
    %dot_general3A_44 = arith.constant dense<0.000000e+00> : vector<512x32xf32>
    %dot_general3A_45 = tpu.matmul %max3A_40, %get3A_43, %dot_general3A_44 {dimension_numbers = #tpu.dot_dimension_numbers<[1], [0], [0], [1], [0, 0, 1, 1], [], []>, precision = #tpu.contract_precision<fp32>, transpose_lhs_hint = false} : vector<512x32xf32>, vector<32x32xf32>, vector<512x32xf32> -> vector<512x32xf32>
    %get3A_46 = arith.constant 0 : index
    %get3A_47 = vector.load %arg9[%get3A_46] : memref<32xf32, #tpu.memory_space<vmem>>, vector<32xf32>
    %broadcast_in_dim3A_48 = vector.shape_cast %get3A_47 : vector<32xf32> to vector<1x32xf32>
    %add3A_49 = vector.broadcast %broadcast_in_dim3A_48 : vector<1x32xf32> to vector<512x32xf32>
    %add3A_50 = arith.addf %dot_general3A_45, %add3A_49 : vector<512x32xf32>
    %max3A_51 = arith.constant 0.000000e+00 : f32
    %max3A_52 = vector.broadcast %max3A_51 : f32 to vector<512x32xf32>
    %max3A_53 = arith.maximumf %add3A_50, %max3A_52 : vector<512x32xf32>
    %add3A_54 = arith.addf %reduce_sum3A_13, %mul3A_30 : vector<512xf32>
    %reduce_sum3A_55 = arith.constant dense<0.000000e+00> : vector<512xf32>
    %reduce_sum3A_56 = vector.multi_reduction <add>, %max3A_53, %reduce_sum3A_55 [1] : vector<512x32xf32> to vector<512xf32>
    %add3A_57 = arith.addf %add3A_54, %reduce_sum3A_56 : vector<512xf32>
    %get3A_58 = arith.constant 0 : index
    %get3A_59 = arith.constant 0 : index
    %get3A_60 = memref.load %arg10[%get3A_58, %get3A_59] : memref<1x1xf32, #tpu.memory_space<smem>>
    %add3A_61 = vector.broadcast %get3A_60 : f32 to vector<512xf32>
    %add3A_62 = arith.addf %add3A_57, %add3A_61 : vector<512xf32>
    %swap3A = arith.constant 0 : index
    %swap3A_63 = vector.load %arg11[%swap3A] : memref<512xf32, #tpu.memory_space<vmem>>, vector<512xf32>
    tpu.vector_store %arg11[%swap3A], %add3A_62 {strides = array<i32>} : memref<512xf32, #tpu.memory_space<vmem>>, vector<512xf32>,
    return
  }
  func.func @transform_0(%arg0: i32) -> (i32, i32) {
    %c0_i32 = arith.constant 0 : i32
    %c0_i32_0 = arith.constant 0 : i32
    return %arg0, %c0_i32 : i32, i32
  }
  func.func @transform_1(%arg0: i32) -> (i32, i32) {
    %c0_i32 = arith.constant 0 : i32
    %c0_i32_0 = arith.constant 0 : i32
    return %arg0, %c0_i32 : i32, i32
  }
  func.func @transform_2(%arg0: i32) -> (i32, i32) {
    %c0_i32 = arith.constant 0 : i32
    %c0_i32_0 = arith.constant 0 : i32
    return %arg0, %c0_i32 : i32, i32
  }
  func.func @transform_3(%arg0: i32) -> (i32, i32) {
    %c0_i32 = arith.constant 0 : i32
    %c0_i32_0 = arith.constant 0 : i32
    %c0_i32_1 = arith.constant 0 : i32
    return %c0_i32, %c0_i32_0 : i32, i32
  }
  func.func @transform_4(%arg0: i32) -> (i32, i32) {
    %c0_i32 = arith.constant 0 : i32
    %c0_i32_0 = arith.constant 0 : i32
    %c0_i32_1 = arith.constant 0 : i32
    return %c0_i32, %c0_i32_0 : i32, i32
  }
  func.func @transform_5(%arg0: i32) -> (i32, i32) {
    %c0_i32 = arith.constant 0 : i32
    %c0_i32_0 = arith.constant 0 : i32
    %c0_i32_1 = arith.constant 0 : i32
    return %c0_i32, %c0_i32_0 : i32, i32
  }
  func.func @transform_6(%arg0: i32) -> i32 {
    %c0_i32 = arith.constant 0 : i32
    %c0_i32_0 = arith.constant 0 : i32
    return %c0_i32 : i32
  }
  func.func @transform_7(%arg0: i32) -> (i32, i32) {
    %c0_i32 = arith.constant 0 : i32
    %c0_i32_0 = arith.constant 0 : i32
    %c0_i32_1 = arith.constant 0 : i32
    return %c0_i32, %c0_i32_0 : i32, i32
  }
  func.func @transform_8(%arg0: i32) -> i32 {
    %c0_i32 = arith.constant 0 : i32
    %c0_i32_0 = arith.constant 0 : i32
    return %c0_i32 : i32
  }
  func.func @transform_9(%arg0: i32) -> (i32, i32) {
    %c0_i32 = arith.constant 0 : i32
    %c0_i32_0 = arith.constant 0 : i32
    %c0_i32_1 = arith.constant 0 : i32
    return %c0_i32, %c0_i32_0 : i32, i32
  }
  func.func @transform_10(%arg0: i32) -> i32 {
    %c0_i32 = arith.constant 0 : i32
    return %arg0 : i32
  }
}

</mosaic_0001>

<sc_bundles>
// kernel: kernel.4.cloned.1.call-start
scs
__scs_entry_jumppad:
0x0: {  	(pc) =	sbr.rel $0x88, $3  }
0x1: {  	(tag) =	ssettag $0x0;
	lr =	simm.s32 $0x1  }
0x2: {  	[smem:$0x3F98] =	sst lr;
	_ =	strace $0xD0000000  }
0x3: {  	_ = 	snop  }
0x4: {  	_ = 	snop  }
0x5: {  	_ = 	snop  }
0x6: {  	_ = 	snop  }
0x7: {  	_ = 	snop  }
__scs_overlays_trampoline_lowered:
0x8: {  	[smem:$0x3FA7] =	sst s0  }
0x9: {  	[smem:$0x3FA8] =	sst s1  }
0xa: {  	[smem:$0x3FA9] =	sst s2  }
0xb: {  	[smem:$0x3FAA] =	sst s3  }
0xc: {  	[smem:$0x3FAB] =	sst s4  }
0xd: {  	[smem:$0x3FAC] =	sst s5  }
0xe: {  	[smem:$0x3FAD] =	sst s6  }
0xf: {  	[smem:$0x3FAE] =	sst s7  }
0x10: {  	[smem:$0x3FAF] =	sst s8  }
0x11: {  	[smem:$0x3FB0] =	sst s9;
	s0 =	simm.s32 @!p0 $0x0  }
0x12: {  	s1 =	sld [smem:$0x3F96];
	s0 =	simm.s32 @p0 $0x1  }
0x13: {  	[smem:$0x3FB1] =	sst s0;
	s0 =	simm.s32 @!p1 $0x0  }
0x14: {  	s2 =	sld [smem:$0x3F95];
	s0 =	simm.s32 @p1 $0x1  }
0x15: {  	[smem:$0x3FB2] =	sst s0;
	s0 =	simm.s32 @!p2 $0x0  }
0x16: {  	s3 =	sld [smem:$0x3FDB];
	s0 =	simm.s32 @p2 $0x1  }
0x17: {  	s4 =	simm.s32 $0x1BF5;
	[smem:$0x3FB4] =	sst s0  }
0x18: {  	s0 =	sld [smem:$0x3F97];
	_ =	swait.ge [sflag:s4], $0x0  }
0x19: {  	s7 =	sld [smem:$0x3F98]  }
0x1a: {  	s8 =	sadd.s32 $0xFFFFE003, lr  }
0x1b: {  	s9 =	sadd.s32 $0xFFFFFEF7, lr;
	s5 =	simm.s32 $0xFFFFFFFF;
	p2 =	slt.u32 s8, $0xFFFFF086  }
0x1c: {  	p1 =	slt.u32 s9, $0xF7A;
	s5 =	simm.s32 @!p2 $0x0  }
0x1d: {  	s5 =	simm.s32 @p1 $0x1;
	p0 =	seq.s32 s7, s2  }
0x1e: {  	s7 =	smul.u32 @!p0 $0xF7A, s2;
	p2 =	seq.s32 @!p0 s5, $0x0  }
0x1f: {  	s9 =	smul.u32 $0xF7A, s1;
	s8 =	simm.s32 @!p0 $0x1BF5;
	p2 =	por !p2, p0  }
0x20: {  	[sflag:s8] =	ssyncset.s32 @!p0 $0xFFFFF086;
	s6 =	sadd.s32 @!p0 s3, s7;
	s7 =	simm.s32 @!p0 $0x108  }
0x21: {  	s3 =	sadd.s32 s3, s9;
	s6 =	sadd.s32 @!p0 $0x88, s6;
	s7 =	simm.s32 @p2 $0x1082  }
0x22: {  	[simem:s7], [sflag:s8] =	dma.local @!p0 [hbm:s6], $0xF7A  }
0x23: {  	s9 =	sor.u32 $0xD0000000, s2;
	s6 =	simm.s32 $0x108;
	_ =	swait.ge @!p0 [sflag:s8], $0x0  }
0x24: {  	s3 =	sadd.s32 $0x88, s3;
	s6 =	simm.s32 @!p1 $0x1082;
	[sflag:s4] =	ssyncset.s32 $0xFFFFF086  }
0x25: {  	[simem:s6], [sflag:s4] =	dma.local [hbm:s3], $0xF7A  }
0x26: {  	[smem:$0x3F98] =	sst s1;
	(tag) =	ssettag s2;
	_ =	strace s9  }
0x27: {  	s1 =	sld [smem:$0x3FA8]  }
0x28: {  	s2 =	sld [smem:$0x3FA9]  }
0x29: {  	s4 =	sld [smem:$0x3FAB]  }
0x2a: {  	p0 =	seq.s32 s5, $0x0;
	s5 =	sld [smem:$0x3FAC]  }
0x2b: {  	s6 =	sld [smem:$0x3FAD]  }
0x2c: {  	s7 =	sld [smem:$0x3FAE]  }
0x2d: {  	s3 =	simm.s32 $0x108;
	s8 =	sld [smem:$0x3FAF]  }
0x2e: {  	s3 =	simm.s32 @!p0 $0x1082;
	s9 =	sld [smem:$0x3FB0]  }
0x2f: {  	lr =	sadd.s32 s0, s3;
	s0 =	sld [smem:$0x3FA7]  }
0x30: {  	s3 =	sld [smem:$0x3FAA]  }
0x31: {  	[smem:$0x3FB3] =	sst s10  }
0x32: {  	s10 =	sld [smem:$0x3FB1];
	_ =	sdelay $0x3  }
0x33: {  	p0 =	seq.s32 s10, $0x1;
	s10 =	sld [smem:$0x3FB3];
	_ =	sdelay $0x3  }
0x34: {  	[smem:$0x3FB3] =	sst s10  }
0x35: {  	s10 =	sld [smem:$0x3FB2];
	_ =	sdelay $0x3  }
0x36: {  	p1 =	seq.s32 s10, $0x1;
	s10 =	sld [smem:$0x3FB3];
	_ =	sdelay $0x3  }
0x37: {  	[smem:$0x3FB3] =	sst s10  }
0x38: {  	s10 =	sld [smem:$0x3FB4]  }
0x39: {  	_ = 	snop;
	(pc) =	sbr.ind lr, $3  }
0x3a: {  	_ = 	snop  }
0x3b: {  	_ = 	snop  }
0x3c: {  	p2 =	seq.s32 s10, $0x1;
	s10 =	sld [smem:$0x3FB3]  }
0x3d: {  	_ =	shalt  }
0x3e: {  	_ =	shalt  }
0x3f: {  	_ =	shalt  }
0x40: {  	_ =	shalt  }
0x41: {  	_ =	shalt  }
0x42: {  	_ =	shalt  }
0x43: {  	_ =	shalt  }
0x44: {  	_ =	shalt  }
0x45: {  	_ =	shalt  }
0x46: {  	_ =	shalt  }
0x47: {  	_ =	shalt  }
0x48: {  	_ =	shalt  }
0x49: {  	_ =	shalt  }
0x4a: {  	_ =	shalt  }
0x4b: {  	_ =	shalt  }
0x4c: {  	_ =	shalt  }
0x4d: {  	_ =	shalt  }
0x4e: {  	_ =	shalt  }
0x4f: {  	_ =	shalt  }
0x50: {  	_ =	shalt  }
0x51: {  	_ =	shalt  }
0x52: {  	_ =	shalt  }
0x53: {  	_ =	shalt  }
0x54: {  	_ =	shalt  }
0x55: {  	_ =	shalt  }
0x56: {  	_ =	shalt  }
0x57: {  	_ =	shalt  }
0x58: {  	_ =	shalt  }
0x59: {  	_ =	shalt  }
0x5a: {  	_ =	shalt  }
0x5b: {  	_ =	shalt  }
0x5c: {  	_ =	shalt  }
0x5d: {  	_ =	shalt  }
0x5e: {  	_ =	shalt  }
0x5f: {  	_ =	shalt  }
0x60: {  	_ =	shalt  }
0x61: {  	_ =	shalt  }
0x62: {  	_ =	shalt  }
0x63: {  	_ =	shalt  }
0x64: {  	_ =	shalt  }
0x65: {  	_ =	shalt  }
0x66: {  	_ =	shalt  }
0x67: {  	_ =	shalt  }
0x68: {  	_ =	shalt  }
0x69: {  	_ =	shalt  }
0x6a: {  	_ =	shalt  }
0x6b: {  	_ =	shalt  }
0x6c: {  	_ =	shalt  }
0x6d: {  	_ =	shalt  }
0x6e: {  	_ =	shalt  }
0x6f: {  	_ =	shalt  }
0x70: {  	_ =	shalt  }
0x71: {  	_ =	shalt  }
0x72: {  	_ =	shalt  }
0x73: {  	_ =	shalt  }
0x74: {  	_ =	shalt  }
0x75: {  	_ =	shalt  }
0x76: {  	_ =	shalt  }
0x77: {  	_ =	shalt  }
0x78: {  	_ =	shalt  }
0x79: {  	_ =	shalt  }
0x7a: {  	_ =	shalt  }
0x7b: {  	_ =	shalt  }
0x7c: {  	_ =	shalt  }
0x7d: {  	_ =	shalt  }
0x7e: {  	_ =	shalt  }
0x7f: {  	_ =	shalt  }
0x80: {  	_ =	shalt  }
0x81: {  	_ =	shalt  }
0x82: {  	_ =	shalt  }
0x83: {  	_ =	shalt  }
0x84: {  	_ =	shalt  }
0x85: {  	_ =	shalt  }
0x86: {  	_ =	shalt  }
0x87: {  	_ =	shalt  }
.Lfunc_end0:
.L_simem_size_0:
called_computation_lowered:
.L_overlay_start_0:
0x88: {  	s2 =	sld [smem:$0x3FD9]  }
0x89: {  	s3 =	sld [smem:$0x3FFE];
	_ =	sdelay $0x1  }
0x8a: {  	s1 =	srdreg.scid  }
0x8b: {  	s0 =	sand.u32 $0x1, s1  }
0x8c: {  	s16 =	sshll.u32 s0, $0xA;
	s2 =	sadd.s32 s3, s2  }
0x8d: {  	s2 =	sadd.s32 s2, s16  }
0x8e: {  	[smem:$0x3FBF] =	sst s2  }
0x8f: {  	_ = 	snop  }
0x90: {  	(tm) =	ssettm $0x1  }
0x91: {  	s17 =	sld [smem:$0x3FFB];
	_ =	sdelay $0x3  }
0x92: {  	_ =	strace s17  }
0x93: {  	s2 =	sld [smem:$0x3FFC];
	_ =	sdelay $0x3  }
0x94: {  	_ =	strace s2  }
0x95: {  	s2 =	sld [smem:$0x3FFD];
	_ =	sdelay $0x3  }
0x96: {  	_ =	strace s2  }
0x97: {  	_ =	strace $0x8FFFFFFF  }
0x98: {  	s18 =	sld [smem:$0x3FDB];
	_ =	sdelay $0x1  }
0x99: {  	s19 =	simm.s32 $_scs_section_size  }
0x9a: {  	s4 =	simm.s32 $_size__tile_overlayer_lowered;
	s5 =	simm.s32 $_tile_overlayer_lowered  }
0x9b: {  	s22 =	simm.s32 $0x1BFF;
	s21 =	sshll.u32 s5, $0x1;
	s2 =	sadd.s32 s19, s18  }
0x9c: {  	s6 =	simm.s32 $0x0;
	s20 =	sshll.u32 s4, $0x1;
	s4 =	sadd.s32 s21, s2  }
0x9d: {  	[timem:s6], [sflag:s22] =	dma.local [hbm:s4], s20  }
0x9e: {  	_ =	swait.ge [sflag:s22], s20  }
0x9f: {  	s3 =	ssub.s32 $0x0, s20;
	[sflag:s22] =	ssyncset.done $0x0  }
0xa0: {  	[sflag:s22] =	ssyncadd.s32 s3;
	_ =	sdelay $0x1  }
0xa1: {  	s23 =	simm.s32 $0x1B8B  }
0xa2: {  	_ =	swait.ge [sflag:s23], $0x1  }
0xa3: {  	[sflag:s23] =	ssyncset.done $0x0  }
0xa4: {  	s25 =	simm.s32 $0x1B8E;
	s24 =	sld [smem:$0x3FFE];
	[sflag:s23] =	ssyncadd.s32 $0xFFFFFFFF  }
0xa5: {  	s26 =	simm.s32 $execute0_lowered;
	[smem:$0x3FD2] =	sst s25  }
0xa6: {  	s4 =	sshll.u32 s26, $0x1;
	_ =	strace $0x80000046;
	[dreg:$0x1] =	wrdreg $0xFFFFFFFF  }
0xa7: {  	s28 =	simm.s32 $_size_execute0_lowered;
	s2 =	sadd.s32 s2, s4;
	[dreg:$0x0] =	wrdreg $0x0  }
0xa8: {  	s4 =	sshll.u32 s28, $0x1;
	[dreg:$0x2] =	wrdreg s2  }
0xa9: {  	[dreg:$0x3] =	wrdreg s4  }
0xaa: {  	[dreg:$0x4] =	wrdreg $0xC0  }
0xab: {  	_ =	task [dreg:s6], $0x5FFFF  }
0xac: {  	[dreg:$0x1] =	wrdreg $0xFFFFFFFF  }
0xad: {  	[dreg:$0x0] =	wrdreg $0x60  }
0xae: {  	[dreg:$0x2] =	wrdreg s24  }
0xaf: {  	[dreg:$0x3] =	wrdreg $0x9  }
0xb0: {  	_ =	task.clear_ibuf [dreg:s6], $0x4FFFF;
	_ =	strace $0x90000046  }
0xb1: {  	s29 =	simm.s32 $0x9;
	_ =	strace $0x80000048  }
0xb2: {  	_ =	swait.ge [sflag:s29], $0x1  }
0xb3: {  	[sflag:s29] =	ssyncadd.s32 $0xFFFFFFFF  }
0xb4: {  	_ =	strace $0x90000048  }
0xb5: {  	_ =	sfence  }
0xb6: {  	s30 =	sld [smem:$0x0];
	_ =	sdelay $0x2  }
0xb7: {  	s31 =	sshll.u32 s1, $0xD;
	s1 =	sshrl.u32 s1, $0x2  }
0xb8: {  	s3 =	sand.u32 $0x4000, s31;
	s1 =	sadd.s32 s1, s30  }
0xb9: {  	s0 =	sor.u32 s3, s0;
	s1 =	sshll.u32 s1, $0x11  }
0xba: {  	s0 =	sor.u32 s1, s0  }
0xbb: {  	s0 =	sadd.s32 $0x8F2B, s0  }
0xbc: {  	[sflag:s0] =	ssyncadd.remote.s32 $0x1  }
0xbd: {  	_ =	sfence.sel $0xFFFF  }
0xbe: {  	[dreg:$0x0] =	wrdreg $0xFFFFFFFF;
	(pc) =	sbr.abs _section_cstart, $3  }
0xbf: {  	[dreg:$0x1] =	wrdreg $0xFFFFFFFF  }
0xc0: {  	_ =	task.clear_ibuf [dreg:s6], $0x2FFFF;
	_ =	strace $0x9FFFFFFF  }
0xc1: {  	(tm) =	ssettm $0x7FFFFFFF  }
tec
execute0_lowered:
.L_overlay_start_1:
0x0: {  	(tag) =	ssettag $0x1  }
0x1: {  	s0 =	rddreg [dreg:$0x0];
	s2 =	simm.s32 $0x0;
	s1 =	srdreg.scid  }
0x2: {  	s3 =	stileid.u32;
	s29 =	simm.s32 $0x11100;
	s30 =	simm.s32 $0x1A00  }
0x3: {  	s31 =	simm.s32 $0x1;
	s28 =	simm.s32 $0x18600;
	[smem:$0x7FF] =	sst s2  }
0x4: {  	s1 =	sand.u32 $0x1, s1;
	s3 =	sshll.u32 s3, $0x1;
	s4 =	sadd.s32 $0x257200, s0  }
0x5: {  	s7 =	sadd.s32 $0x7C00, s0;
	_ =	strace $0x80000047;
	s5 =	sor.u32 s1, s3  }
0x6: {  	s22 =	sadd.s32 $0x57200, s0;
	s3 =	sadd.s32 $0x28B200, s0;
	s6 =	smul.u32 $0x1A0, s5  }
0x7: {  	[dreg:$0x2] =	wrdreg s7;
	s1 =	ssub.s32 $0x2, s1;
	s5 =	smul.u32 $0xD000, s5  }
0x8: {  	s7 =	simm.s32 $0xD00;
	s19 =	sshrl.u32 s1, $0x1;
	s0 =	sadd.s32 s6, s0  }
0x9: {  	s1 =	ssub.s32 s1, s19;
	s5 =	sshrl.u32 s5, $0x3;
	s20 =	sadd.s32 $0x4800, s0  }
0xa: {  	s21 =	sadd.s32 $0x1400, s0;
	s23 =	sadd.s32 s4, s5;
	s24 =	sadd.s32 $0x340, s5  }
0xb: {  	s8 =	sadd.s32 s22, s5;
	s12 =	sadd.s32 $0x680, s5;
	[dreg:$0x3] =	wrdreg s20  }
0xc: {  	s25 =	sadd.s32 $0x9C0, s5;
	s16 =	sadd.s32 $0xD00, s5;
	[dreg:$0x4] =	wrdreg s21  }
0xd: {  	s26 =	sadd.s32 $0x1040, s5;
	[dreg:$0x5] =	wrdreg s23;
	s9 =	sadd.s32 s4, s24  }
0xe: {  	s10 =	sadd.s32 s22, s24;
	s11 =	sadd.s32 s4, s12;
	s12 =	sadd.s32 s22, s12  }
0xf: {  	s13 =	sadd.s32 s4, s25;
	s14 =	sadd.s32 s22, s25;
	s15 =	sadd.s32 s4, s16  }
0x10: {  	s16 =	sadd.s32 s22, s16;
	s17 =	sadd.s32 s4, s26;
	s20 =	sadd.s32 $0x1380, s5  }
0x11: {  	s18 =	sadd.s32 s22, s26;
	s5 =	sadd.s32 $0x16C0, s5;
	s23 =	sadd.s32 $0x8B200, s0  }
0x12: {  	s24 =	smax.u32 s1, $0x1;
	s26 =	simm.s32 $0x3;
	s0 =	simm.s32 $0xEA00  }
0x13: {  	v0 =	vlaneseq.u32;
	s1 =	simm.s32 $0x2;
	s25 =	simm.s32 $0x0;
	s19 =	sadd.s32 s4, s20  }
0x14: {  	v1 =	vor.u32 $0xFFFFFFF8, v0;
	s20 =	sadd.s32 s22, s20;
	s21 =	sadd.s32 s4, s5;
	s22 =	sadd.s32 s22, s5  }
.LBB2_1:
0x15: {  	s4 =	rddreg [dreg:$0x3];
	s6 =	simm.s32 $0x10400  }
0x16: {  	[tilespmem:s6], [sflag:$0x3] =	stream.linear.gather [hbm4b:s4+s2], $0xD00, $0x38;
	[tilespmem:$0x19300] =	vst v63  }
0x17: {  	_ =	swait.ge [sflag:s26], $0xD00  }
0x18: {  	[sflag:s26] =	ssyncset.done $0x0  }
0x19: {  	s4 =	simm.s32 $0x17900;
	s5 =	rddreg [dreg:$0x4];
	[sflag:s26] =	ssyncadd.s32 $0xFFFFF300  }
0x1a: {  	[tilespmem:s4], [sflag:$0x3] =	stream.linear.gather [hbm4b:s5+s2], $0xD00, $0x38;
	[tilespmem:$0x19300] =	vst v63  }
0x1b: {  	_ =	swait.ge [sflag:s26], $0xD00  }
0x1c: {  	[sflag:s26] =	ssyncset.done $0x0  }
0x1d: {  	s5 =	rddreg [dreg:$0x2];
	[sflag:s26] =	ssyncadd.s32 $0xFFFFF300  }
0x1e: {  	[tilespmem:s29], [sflag:$0x2] =	stream.indirect.gather [hbm4b:s5+s7], $0x8, s6, s7, $0xb8;
	[tilespmem:$0x19300] =	vst v63  }
0x1f: {  	s6 =	rddreg [dreg:$0x5]  }
0x20: {  	[tilespmem:s2], [sflag:$0x3] =	stream.linear.gather [hbm4b:s6+s2], $0x1A00, $0x38;
	[tilespmem:$0x19300] =	vst v63  }
0x21: {  	_ =	swait.ge [sflag:s26], $0x1A00  }
0x22: {  	[sflag:s26] =	ssyncset.done $0x0  }
0x23: {  	[sflag:s26] =	ssyncadd.s32 $0xFFFFE600  }
0x24: {  	[tilespmem:s30], [sflag:$0x1] =	stream.indirect.gather [hbm4b:s3+s30], $0x8, s2, s30, $0xb8;
	[tilespmem:$0x19300] =	vst v63  }
0x25: {  	_ =	swait.ge [sflag:s31], $0xD000  }
0x26: {  	[sflag:s31] =	ssyncset.done $0x0  }
0x27: {  	[sflag:s31] =	ssyncadd.s32 $0xFFFF3000  }
0x28: {  	v2 =	vld [tilespmem:s4+$0x0];
	_ =	sdelay $0x3  }
0x29: {  	v3 =	vor.u32 s2, v0  }
0x2a: {  	v5 =	vshll.u32 v3, $0x7;
	v4 =	vand.u32 $0xFFFFFFF8, v2  }
0x2b: {  	v2 =	vand.u32 $0x7, v2;
	v5 =	vadd.s32 v5, v4  }
0x2c: {  	v5 =	vor.u32 v2, v5;
	_ =	sdelay $0x4  }
0x2d: {  	v7 =	vshll.u32 v3, $0x4;
	v6 =	vld.idx.msk [tilespmem:v5+s30+$0x0], $0xffff  }
0x2e: {  	v3 =	vadd.s32 $0x8, v5;
	_ =	sdelay $0x3  }
0x2f: {  	[tilespmem:v7+s0+$0x0] =	vst.idx.msk $0xffff, v6  }
0x30: {  	v52 =	vor.u32 $0x1, v7;
	v3 =	vld.idx.msk [tilespmem:v3+s30+$0x0], $0xffff  }
0x31: {  	v8 =	vadd.s32 $0x10, v5;
	_ =	sdelay $0x3  }
0x32: {  	[tilespmem:v52+s0+$0x0] =	vst.idx.msk $0xffff, v3  }
0x33: {  	v53 =	vor.u32 $0x2, v7;
	v3 =	vld.idx.msk [tilespmem:v8+s30+$0x0], $0xffff  }
0x34: {  	v54 =	vadd.s32 $0x18, v5;
	_ =	sdelay $0x3  }
0x35: {  	[tilespmem:v53+s0+$0x0] =	vst.idx.msk $0xffff, v3  }
0x36: {  	v55 =	vor.u32 $0x3, v7;
	v3 =	vld.idx.msk [tilespmem:v54+s30+$0x0], $0xffff  }
0x37: {  	v56 =	vadd.s32 $0x20, v5;
	_ =	sdelay $0x3  }
0x38: {  	[tilespmem:v55+s0+$0x0] =	vst.idx.msk $0xffff, v3  }
0x39: {  	v57 =	vor.u32 $0x4, v7;
	v3 =	vld.idx.msk [tilespmem:v56+s30+$0x0], $0xffff  }
0x3a: {  	v58 =	vadd.s32 $0x28, v5;
	_ =	sdelay $0x3  }
0x3b: {  	[tilespmem:v57+s0+$0x0] =	vst.idx.msk $0xffff, v3  }
0x3c: {  	v59 =	vor.u32 $0x5, v7;
	v3 =	vld.idx.msk [tilespmem:v58+s30+$0x0], $0xffff  }
0x3d: {  	v60 =	vadd.s32 $0x30, v5;
	_ =	sdelay $0x3  }
0x3e: {  	[tilespmem:v59+s0+$0x0] =	vst.idx.msk $0xffff, v3  }
0x3f: {  	v61 =	vor.u32 $0x6, v7;
	v3 =	vld.idx.msk [tilespmem:v60+s30+$0x0], $0xffff  }
0x40: {  	v62 =	vadd.s32 $0x38, v5;
	_ =	sdelay $0x2  }
0x41: {  	v9 =	vor.u32 $0x8, v7  }
0x42: {  	[tilespmem:v61+s0+$0x0] =	vst.idx.msk $0xffff, v3;
	v3 =	vshll.u32 v9, $0x3  }
0x43: {  	v63 =	vor.u32 $0x7, v7;
	v6 =	vld.idx.msk [tilespmem:v62+s30+$0x0], $0xffff;
	v3 =	vadd.s32 v3, v4  }
0x44: {  	v2 =	vor.u32 v2, v3;
	_ =	sdelay $0x3  }
0x45: {  	[tilespmem:v63+s0+$0x0] =	vst.idx.msk $0xffff, v6  }
0x46: {  	v2 =	vld.idx.msk [tilespmem:v2+s30+$0x0], $0xffff  }
0x47: {  	v3 =	vadd.s32 $0x48, v5;
	_ =	sdelay $0x3  }
0x48: {  	[tilespmem:v9+s0+$0x0] =	vst.idx.msk $0xffff, v2  }
0x49: {  	v2 =	vld.idx.msk [tilespmem:v3+s30+$0x0], $0xffff;
	v3 =	vor.u32 $0x9, v7  }
0x4a: {  	v4 =	vadd.s32 $0x50, v5;
	_ =	sdelay $0x3  }
0x4b: {  	[tilespmem:v3+s0+$0x0] =	vst.idx.msk $0xffff, v2  }
0x4c: {  	v3 =	vor.u32 $0xA, v7;
	v2 =	vld.idx.msk [tilespmem:v4+s30+$0x0], $0xffff  }
0x4d: {  	v4 =	vadd.s32 $0x58, v5;
	_ =	sdelay $0x3  }
0x4e: {  	[tilespmem:v3+s0+$0x0] =	vst.idx.msk $0xffff, v2  }
0x4f: {  	v3 =	vor.u32 $0xB, v7;
	v2 =	vld.idx.msk [tilespmem:v4+s30+$0x0], $0xffff  }
0x50: {  	v4 =	vadd.s32 $0x60, v5;
	_ =	sdelay $0x3  }
0x51: {  	[tilespmem:v3+s0+$0x0] =	vst.idx.msk $0xffff, v2  }
0x52: {  	v3 =	vor.u32 $0xC, v7;
	v2 =	vld.idx.msk [tilespmem:v4+s30+$0x0], $0xffff  }
0x53: {  	v4 =	vadd.s32 $0x68, v5;
	_ =	sdelay $0x3  }
0x54: {  	[tilespmem:v3+s0+$0x0] =	vst.idx.msk $0xffff, v2  }
0x55: {  	v3 =	vor.u32 $0xD, v7;
	v2 =	vld.idx.msk [tilespmem:v4+s30+$0x0], $0xffff  }
0x56: {  	v4 =	vadd.s32 $0x70, v5;
	_ =	sdelay $0x3  }
0x57: {  	[tilespmem:v3+s0+$0x0] =	vst.idx.msk $0xffff, v2  }
0x58: {  	v3 =	vor.u32 $0xE, v7;
	v2 =	vld.idx.msk [tilespmem:v4+s30+$0x0], $0xffff  }
0x59: {  	v4 =	vadd.s32 $0x78, v5;
	_ =	sdelay $0x3  }
0x5a: {  	[tilespmem:v3+s0+$0x0] =	vst.idx.msk $0xffff, v2  }
0x5b: {  	s5 =	simm.s32 $0x10;
	v2 =	vor.u32 $0xF, v7;
	v3 =	vld.idx.msk [tilespmem:v4+s30+$0x0], $0xffff  }
.LBB2_2:
0x5c: {  	_ =	sdelay $0x2  }
0x5d: {  	p0 =	sne.s32 s5, $0x190  }
0x5e: {  	s4 =	sadd.s32 $0x10, s4;
	s6 =	smov.u32 s5;
	s5 =	sadd.s32 $0x10, s5;
	[tilespmem:v2+s0+$0x0] =	vst.idx.msk $0xffff, v3  }
0x5f: {  	v2 =	vld [tilespmem:s4+$0x0];
	_ =	sdelay $0x3  }
0x60: {  	v4 =	vor.u32 s6, v0  }
0x61: {  	v3 =	vshll.u32 v4, $0x7;
	v5 =	vand.u32 $0xFFFFFFF8, v2  }
0x62: {  	v6 =	vand.u32 $0x7, v2;
	v2 =	vadd.s32 v3, v5  }
0x63: {  	v3 =	vor.u32 v6, v2;
	_ =	sdelay $0x4  }
0x64: {  	v7 =	vld.idx.msk [tilespmem:v3+s30+$0x0], $0xffff  }
0x65: {  	v2 =	vshll.u32 v4, $0x4  }
0x66: {  	v4 =	vadd.s32 $0x8, v3;
	_ =	sdelay $0x3  }
0x67: {  	[tilespmem:v2+s0+$0x0] =	vst.idx.msk $0xffff, v7  }
0x68: {  	v4 =	vld.idx.msk [tilespmem:v4+s30+$0x0], $0xffff  }
0x69: {  	v7 =	vor.u32 $0x1, v2  }
0x6a: {  	v8 =	vadd.s32 $0x10, v3;
	_ =	sdelay $0x3  }
0x6b: {  	[tilespmem:v7+s0+$0x0] =	vst.idx.msk $0xffff, v4  }
0x6c: {  	v4 =	vld.idx.msk [tilespmem:v8+s30+$0x0], $0xffff  }
0x6d: {  	v7 =	vor.u32 $0x2, v2  }
0x6e: {  	v8 =	vadd.s32 $0x18, v3;
	_ =	sdelay $0x3  }
0x6f: {  	[tilespmem:v7+s0+$0x0] =	vst.idx.msk $0xffff, v4  }
0x70: {  	v4 =	vld.idx.msk [tilespmem:v8+s30+$0x0], $0xffff  }
0x71: {  	v7 =	vor.u32 $0x3, v2  }
0x72: {  	v8 =	vadd.s32 $0x20, v3;
	_ =	sdelay $0x3  }
0x73: {  	[tilespmem:v7+s0+$0x0] =	vst.idx.msk $0xffff, v4  }
0x74: {  	v4 =	vld.idx.msk [tilespmem:v8+s30+$0x0], $0xffff  }
0x75: {  	v7 =	vor.u32 $0x4, v2  }
0x76: {  	v8 =	vadd.s32 $0x28, v3;
	_ =	sdelay $0x3  }
0x77: {  	[tilespmem:v7+s0+$0x0] =	vst.idx.msk $0xffff, v4  }
0x78: {  	v4 =	vld.idx.msk [tilespmem:v8+s30+$0x0], $0xffff  }
0x79: {  	v7 =	vor.u32 $0x5, v2  }
0x7a: {  	v8 =	vadd.s32 $0x30, v3;
	_ =	sdelay $0x3  }
0x7b: {  	[tilespmem:v7+s0+$0x0] =	vst.idx.msk $0xffff, v4  }
0x7c: {  	v4 =	vld.idx.msk [tilespmem:v8+s30+$0x0], $0xffff  }
0x7d: {  	v7 =	vor.u32 $0x6, v2  }
0x7e: {  	v8 =	vadd.s32 $0x38, v3;
	_ =	sdelay $0x3  }
0x7f: {  	[tilespmem:v7+s0+$0x0] =	vst.idx.msk $0xffff, v4;
	v4 =	vor.u32 $0x8, v2  }
0x80: {  	v7 =	vld.idx.msk [tilespmem:v8+s30+$0x0], $0xffff;
	v8 =	vshll.u32 v4, $0x3  }
0x81: {  	v9 =	vor.u32 $0x7, v2;
	v5 =	vadd.s32 v8, v5  }
0x82: {  	v5 =	vor.u32 v6, v5;
	_ =	sdelay $0x3  }
0x83: {  	[tilespmem:v9+s0+$0x0] =	vst.idx.msk $0xffff, v7  }
0x84: {  	v5 =	vld.idx.msk [tilespmem:v5+s30+$0x0], $0xffff;
	_ =	sdelay $0x1  }
0x85: {  	v6 =	vadd.s32 $0x48, v3;
	_ =	sdelay $0x3  }
0x86: {  	[tilespmem:v4+s0+$0x0] =	vst.idx.msk $0xffff, v5  }
0x87: {  	v4 =	vld.idx.msk [tilespmem:v6+s30+$0x0], $0xffff  }
0x88: {  	v5 =	vor.u32 $0x9, v2  }
0x89: {  	v6 =	vadd.s32 $0x50, v3;
	_ =	sdelay $0x3  }
0x8a: {  	[tilespmem:v5+s0+$0x0] =	vst.idx.msk $0xffff, v4  }
0x8b: {  	v4 =	vld.idx.msk [tilespmem:v6+s30+$0x0], $0xffff  }
0x8c: {  	v5 =	vor.u32 $0xA, v2  }
0x8d: {  	v6 =	vadd.s32 $0x58, v3;
	_ =	sdelay $0x3  }
0x8e: {  	[tilespmem:v5+s0+$0x0] =	vst.idx.msk $0xffff, v4  }
0x8f: {  	v4 =	vld.idx.msk [tilespmem:v6+s30+$0x0], $0xffff  }
0x90: {  	v5 =	vor.u32 $0xB, v2  }
0x91: {  	v6 =	vadd.s32 $0x60, v3;
	_ =	sdelay $0x3  }
0x92: {  	[tilespmem:v5+s0+$0x0] =	vst.idx.msk $0xffff, v4  }
0x93: {  	v4 =	vld.idx.msk [tilespmem:v6+s30+$0x0], $0xffff  }
0x94: {  	v5 =	vor.u32 $0xC, v2  }
0x95: {  	v6 =	vadd.s32 $0x68, v3;
	_ =	sdelay $0x3  }
0x96: {  	[tilespmem:v5+s0+$0x0] =	vst.idx.msk $0xffff, v4  }
0x97: {  	v4 =	vld.idx.msk [tilespmem:v6+s30+$0x0], $0xffff  }
0x98: {  	v5 =	vor.u32 $0xD, v2  }
0x99: {  	v6 =	vadd.s32 $0x70, v3;
	_ =	sdelay $0x3  }
0x9a: {  	[tilespmem:v5+s0+$0x0] =	vst.idx.msk $0xffff, v4  }
0x9b: {  	v4 =	vld.idx.msk [tilespmem:v6+s30+$0x0], $0xffff  }
0x9c: {  	v5 =	vor.u32 $0xE, v2  }
0x9d: {  	v3 =	vadd.s32 $0x78, v3;
	_ =	sdelay $0x1  }
.Ltmp0:
0x9e: {  	(pc) =	sbr.rel @p0 .LBB2_2-.Ltmp0, $4  }
0x9f: {  	_ = 	snop  }
0xa0: {  	[tilespmem:v5+s0+$0x0] =	vst.idx.msk $0xffff, v4  }
0xa1: {  	v3 =	vld.idx.msk [tilespmem:v3+s30+$0x0], $0xffff  }
0xa2: {  	v2 =	vor.u32 $0xF, v2  }
0xa3: {  	_ =	sdelay $0x3  }
0xa4: {  	s5 =	simm.s32 $0x0;
	[tilespmem:v2+s0+$0x0] =	vst.idx.msk $0xffff, v3  }
0xa5: {  	[hbm4b:s8+s5] =	stream.linear.scatter [tilespmem:s0], [sflag:$0x3], $0x1A00, $0x38;
	[tilespmem:$0x19300] =	vst v63  }
0xa6: {  	_ =	swait.ge [sflag:s26], $0x1A00  }
0xa7: {  	[sflag:s26] =	ssyncset.done $0x0  }
0xa8: {  	[sflag:s26] =	ssyncadd.s32 $0xFFFFE600  }
0xa9: {  	[tilespmem:s5], [sflag:$0x3] =	stream.linear.gather [hbm4b:s9+s5], $0x1A00, $0x38;
	[tilespmem:$0x19300] =	vst v63  }
0xaa: {  	_ =	swait.ge [sflag:s26], $0x1A00  }
0xab: {  	[sflag:s26] =	ssyncset.done $0x0  }
0xac: {  	[sflag:s26] =	ssyncadd.s32 $0xFFFFE600  }
0xad: {  	[tilespmem:s30], [sflag:$0x1] =	stream.indirect.gather [hbm4b:s3+s30], $0x8, s5, s30, $0xb8;
	[tilespmem:$0x19300] =	vst v63  }
0xae: {  	_ =	swait.ge [sflag:s31], $0xD000  }
0xaf: {  	[sflag:s31] =	ssyncset.done $0x0  }
0xb0: {  	s4 =	simm.s32 $0x17AA0;
	[sflag:s31] =	ssyncadd.s32 $0xFFFF3000  }
0xb1: {  	v2 =	vld [tilespmem:s4+$0x0];
	_ =	sdelay $0x3  }
0xb2: {  	v3 =	vor.u32 s5, v0  }
0xb3: {  	v5 =	vshll.u32 v3, $0x7;
	v4 =	vand.u32 $0xFFFFFFF8, v2  }
0xb4: {  	v2 =	vand.u32 $0x7, v2;
	v5 =	vadd.s32 v5, v4  }
0xb5: {  	v5 =	vor.u32 v2, v5;
	_ =	sdelay $0x4  }
0xb6: {  	v7 =	vshll.u32 v3, $0x4;
	v6 =	vld.idx.msk [tilespmem:v5+s30+$0x0], $0xffff  }
0xb7: {  	v3 =	vadd.s32 $0x8, v5;
	_ =	sdelay $0x3  }
0xb8: {  	[tilespmem:v7+s0+$0x0] =	vst.idx.msk $0xffff, v6  }
0xb9: {  	v52 =	vor.u32 $0x1, v7;
	v3 =	vld.idx.msk [tilespmem:v3+s30+$0x0], $0xffff  }
0xba: {  	v8 =	vadd.s32 $0x10, v5;
	_ =	sdelay $0x3  }
0xbb: {  	[tilespmem:v52+s0+$0x0] =	vst.idx.msk $0xffff, v3  }
0xbc: {  	v53 =	vor.u32 $0x2, v7;
	v3 =	vld.idx.msk [tilespmem:v8+s30+$0x0], $0xffff  }
0xbd: {  	v54 =	vadd.s32 $0x18, v5;
	_ =	sdelay $0x3  }
0xbe: {  	[tilespmem:v53+s0+$0x0] =	vst.idx.msk $0xffff, v3  }
0xbf: {  	v55 =	vor.u32 $0x3, v7;
	v3 =	vld.idx.msk [tilespmem:v54+s30+$0x0], $0xffff  }
0xc0: {  	v56 =	vadd.s32 $0x20, v5;
	_ =	sdelay $0x3  }
0xc1: {  	[tilespmem:v55+s0+$0x0] =	vst.idx.msk $0xffff, v3  }
0xc2: {  	v57 =	vor.u32 $0x4, v7;
	v3 =	vld.idx.msk [tilespmem:v56+s30+$0x0], $0xffff  }
0xc3: {  	v58 =	vadd.s32 $0x28, v5;
	_ =	sdelay $0x3  }
0xc4: {  	[tilespmem:v57+s0+$0x0] =	vst.idx.msk $0xffff, v3  }
0xc5: {  	v59 =	vor.u32 $0x5, v7;
	v3 =	vld.idx.msk [tilespmem:v58+s30+$0x0], $0xffff  }
0xc6: {  	v60 =	vadd.s32 $0x30, v5;
	_ =	sdelay $0x3  }
0xc7: {  	[tilespmem:v59+s0+$0x0] =	vst.idx.msk $0xffff, v3  }
0xc8: {  	v61 =	vor.u32 $0x6, v7;
	v3 =	vld.idx.msk [tilespmem:v60+s30+$0x0], $0xffff  }
0xc9: {  	v62 =	vadd.s32 $0x38, v5;
	_ =	sdelay $0x2  }
0xca: {  	v9 =	vor.u32 $0x8, v7  }
0xcb: {  	[tilespmem:v61+s0+$0x0] =	vst.idx.msk $0xffff, v3;
	v3 =	vshll.u32 v9, $0x3  }
0xcc: {  	v63 =	vor.u32 $0x7, v7;
	v6 =	vld.idx.msk [tilespmem:v62+s30+$0x0], $0xffff;
	v3 =	vadd.s32 v3, v4  }
0xcd: {  	v2 =	vor.u32 v2, v3;
	_ =	sdelay $0x3  }
0xce: {  	[tilespmem:v63+s0+$0x0] =	vst.idx.msk $0xffff, v6  }
0xcf: {  	v2 =	vld.idx.msk [tilespmem:v2+s30+$0x0], $0xffff  }
0xd0: {  	v3 =	vadd.s32 $0x48, v5;
	_ =	sdelay $0x3  }
0xd1: {  	[tilespmem:v9+s0+$0x0] =	vst.idx.msk $0xffff, v2  }
0xd2: {  	v2 =	vld.idx.msk [tilespmem:v3+s30+$0x0], $0xffff;
	v3 =	vor.u32 $0x9, v7  }
0xd3: {  	v4 =	vadd.s32 $0x50, v5;
	_ =	sdelay $0x3  }
0xd4: {  	[tilespmem:v3+s0+$0x0] =	vst.idx.msk $0xffff, v2  }
0xd5: {  	v3 =	vor.u32 $0xA, v7;
	v2 =	vld.idx.msk [tilespmem:v4+s30+$0x0], $0xffff  }
0xd6: {  	v4 =	vadd.s32 $0x58, v5;
	_ =	sdelay $0x3  }
0xd7: {  	[tilespmem:v3+s0+$0x0] =	vst.idx.msk $0xffff, v2  }
0xd8: {  	v3 =	vor.u32 $0xB, v7;
	v2 =	vld.idx.msk [tilespmem:v4+s30+$0x0], $0xffff  }
0xd9: {  	v4 =	vadd.s32 $0x60, v5;
	_ =	sdelay $0x3  }
0xda: {  	[tilespmem:v3+s0+$0x0] =	vst.idx.msk $0xffff, v2  }
0xdb: {  	v3 =	vor.u32 $0xC, v7;
	v2 =	vld.idx.msk [tilespmem:v4+s30+$0x0], $0xffff  }
0xdc: {  	v4 =	vadd.s32 $0x68, v5;
	_ =	sdelay $0x3  }
0xdd: {  	[tilespmem:v3+s0+$0x0] =	vst.idx.msk $0xffff, v2  }
0xde: {  	v3 =	vor.u32 $0xD, v7;
	v2 =	vld.idx.msk [tilespmem:v4+s30+$0x0], $0xffff  }
0xdf: {  	v4 =	vadd.s32 $0x70, v5;
	_ =	sdelay $0x3  }
0xe0: {  	[tilespmem:v3+s0+$0x0] =	vst.idx.msk $0xffff, v2  }
0xe1: {  	v3 =	vor.u32 $0xE, v7;
	v2 =	vld.idx.msk [tilespmem:v4+s30+$0x0], $0xffff  }
0xe2: {  	v4 =	vadd.s32 $0x78, v5;
	_ =	sdelay $0x3  }
0xe3: {  	[tilespmem:v3+s0+$0x0] =	vst.idx.msk $0xffff, v2  }
0xe4: {  	s5 =	simm.s32 $0x10;
	v2 =	vor.u32 $0xF, v7;
	v3 =	vld.idx.msk [tilespmem:v4+s30+$0x0], $0xffff  }
.LBB2_4:
0xe5: {  	_ =	sdelay $0x2  }
0xe6: {  	p0 =	sne.s32 s5, $0x190  }
0xe7: {  	s4 =	sadd.s32 $0x10, s4;
	s6 =	smov.u32 s5;
	s5 =	sadd.s32 $0x10, s5;
	[tilespmem:v2+s0+$0x0] =	vst.idx.msk $0xffff, v3  }
0xe8: {  	v2 =	vld [tilespmem:s4+$0x0];
	_ =	sdelay $0x3  }
0xe9: {  	v4 =	vor.u32 s6, v0  }
0xea: {  	v3 =	vshll.u32 v4, $0x7;
	v5 =	vand.u32 $0xFFFFFFF8, v2  }
0xeb: {  	v6 =	vand.u32 $0x7, v2;
	v2 =	vadd.s32 v3, v5  }
0xec: {  	v3 =	vor.u32 v6, v2;
	_ =	sdelay $0x4  }
0xed: {  	v7 =	vld.idx.msk [tilespmem:v3+s30+$0x0], $0xffff  }
0xee: {  	v2 =	vshll.u32 v4, $0x4  }
0xef: {  	v4 =	vadd.s32 $0x8, v3;
	_ =	sdelay $0x3  }
0xf0: {  	[tilespmem:v2+s0+$0x0] =	vst.idx.msk $0xffff, v7  }
0xf1: {  	v4 =	vld.idx.msk [tilespmem:v4+s30+$0x0], $0xffff  }
0xf2: {  	v7 =	vor.u32 $0x1, v2  }
0xf3: {  	v8 =	vadd.s32 $0x10, v3;
	_ =	sdelay $0x3  }
0xf4: {  	[tilespmem:v7+s0+$0x0] =	vst.idx.msk $0xffff, v4  }
0xf5: {  	v4 =	vld.idx.msk [tilespmem:v8+s30+$0x0], $0xffff  }
0xf6: {  	v7 =	vor.u32 $0x2, v2  }
0xf7: {  	v8 =	vadd.s32 $0x18, v3;
	_ =	sdelay $0x3  }
0xf8: {  	[tilespmem:v7+s0+$0x0] =	vst.idx.msk $0xffff, v4  }
0xf9: {  	v4 =	vld.idx.msk [tilespmem:v8+s30+$0x0], $0xffff  }
0xfa: {  	v7 =	vor.u32 $0x3, v2  }
0xfb: {  	v8 =	vadd.s32 $0x20, v3;
	_ =	sdelay $0x3  }
0xfc: {  	[tilespmem:v7+s0+$0x0] =	vst.idx.msk $0xffff, v4  }
0xfd: {  	v4 =	vld.idx.msk [tilespmem:v8+s30+$0x0], $0xffff  }
0xfe: {  	v7 =	vor.u32 $0x4, v2  }
0xff: {  	v8 =	vadd.s32 $0x28, v3;
	_ =	sdelay $0x3  }
0x100: {  	[tilespmem:v7+s0+$0x0] =	vst.idx.msk $0xffff, v4  }
0x101: {  	v4 =	vld.idx.msk [tilespmem:v8+s30+$0x0], $0xffff  }
0x102: {  	v7 =	vor.u32 $0x5, v2  }
0x103: {  	v8 =	vadd.s32 $0x30, v3;
	_ =	sdelay $0x3  }
0x104: {  	[tilespmem:v7+s0+$0x0] =	vst.idx.msk $0xffff, v4  }
0x105: {  	v4 =	vld.idx.msk [tilespmem:v8+s30+$0x0], $0xffff  }
0x106: {  	v7 =	vor.u32 $0x6, v2  }
0x107: {  	v8 =	vadd.s32 $0x38, v3;
	_ =	sdelay $0x3  }
0x108: {  	[tilespmem:v7+s0+$0x0] =	vst.idx.msk $0xffff, v4;
	v4 =	vor.u32 $0x8, v2  }
0x109: {  	v7 =	vld.idx.msk [tilespmem:v8+s30+$0x0], $0xffff;
	v8 =	vshll.u32 v4, $0x3  }
0x10a: {  	v9 =	vor.u32 $0x7, v2;
	v5 =	vadd.s32 v8, v5  }
0x10b: {  	v5 =	vor.u32 v6, v5;
	_ =	sdelay $0x3  }
0x10c: {  	[tilespmem:v9+s0+$0x0] =	vst.idx.msk $0xffff, v7  }
0x10d: {  	v5 =	vld.idx.msk [tilespmem:v5+s30+$0x0], $0xffff;
	_ =	sdelay $0x1  }
0x10e: {  	v6 =	vadd.s32 $0x48, v3;
	_ =	sdelay $0x3  }
0x10f: {  	[tilespmem:v4+s0+$0x0] =	vst.idx.msk $0xffff, v5  }
0x110: {  	v4 =	vld.idx.msk [tilespmem:v6+s30+$0x0], $0xffff  }
0x111: {  	v5 =	vor.u32 $0x9, v2  }
0x112: {  	v6 =	vadd.s32 $0x50, v3;
	_ =	sdelay $0x3  }
0x113: {  	[tilespmem:v5+s0+$0x0] =	vst.idx.msk $0xffff, v4  }
0x114: {  	v4 =	vld.idx.msk [tilespmem:v6+s30+$0x0], $0xffff  }
0x115: {  	v5 =	vor.u32 $0xA, v2  }
0x116: {  	v6 =	vadd.s32 $0x58, v3;
	_ =	sdelay $0x3  }
0x117: {  	[tilespmem:v5+s0+$0x0] =	vst.idx.msk $0xffff, v4  }
0x118: {  	v4 =	vld.idx.msk [tilespmem:v6+s30+$0x0], $0xffff  }
0x119: {  	v5 =	vor.u32 $0xB, v2  }
0x11a: {  	v6 =	vadd.s32 $0x60, v3;
	_ =	sdelay $0x3  }
0x11b: {  	[tilespmem:v5+s0+$0x0] =	vst.idx.msk $0xffff, v4  }
0x11c: {  	v4 =	vld.idx.msk [tilespmem:v6+s30+$0x0], $0xffff  }
0x11d: {  	v5 =	vor.u32 $0xC, v2  }
0x11e: {  	v6 =	vadd.s32 $0x68, v3;
	_ =	sdelay $0x3  }
0x11f: {  	[tilespmem:v5+s0+$0x0] =	vst.idx.msk $0xffff, v4  }
0x120: {  	v4 =	vld.idx.msk [tilespmem:v6+s30+$0x0], $0xffff  }
0x121: {  	v5 =	vor.u32 $0xD, v2  }
0x122: {  	v6 =	vadd.s32 $0x70, v3;
	_ =	sdelay $0x3  }
0x123: {  	[tilespmem:v5+s0+$0x0] =	vst.idx.msk $0xffff, v4  }
0x124: {  	v4 =	vld.idx.msk [tilespmem:v6+s30+$0x0], $0xffff  }
0x125: {  	v5 =	vor.u32 $0xE, v2  }
0x126: {  	v3 =	vadd.s32 $0x78, v3;
	_ =	sdelay $0x1  }
.Ltmp1:
0x127: {  	(pc) =	sbr.rel @p0 .LBB2_4-.Ltmp1, $4  }
0x128: {  	_ = 	snop  }
0x129: {  	[tilespmem:v5+s0+$0x0] =	vst.idx.msk $0xffff, v4  }
0x12a: {  	v3 =	vld.idx.msk [tilespmem:v3+s30+$0x0], $0xffff  }
0x12b: {  	v2 =	vor.u32 $0xF, v2  }
0x12c: {  	_ =	sdelay $0x3  }
0x12d: {  	s5 =	simm.s32 $0x0;
	[tilespmem:v2+s0+$0x0] =	vst.idx.msk $0xffff, v3  }
0x12e: {  	[hbm4b:s10+s5] =	stream.linear.scatter [tilespmem:s0], [sflag:$0x3], $0x1A00, $0x38;
	[tilespmem:$0x19300] =	vst v63  }
0x12f: {  	_ =	swait.ge [sflag:s26], $0x1A00  }
0x130: {  	[sflag:s26] =	ssyncset.done $0x0  }
0x131: {  	[sflag:s26] =	ssyncadd.s32 $0xFFFFE600  }
0x132: {  	[tilespmem:s5], [sflag:$0x3] =	stream.linear.gather [hbm4b:s11+s5], $0x1A00, $0x38;
	[tilespmem:$0x19300] =	vst v63  }
0x133: {  	_ =	swait.ge [sflag:s26], $0x1A00  }
0x134: {  	[sflag:s26] =	ssyncset.done $0x0  }
0x135: {  	[sflag:s26] =	ssyncadd.s32 $0xFFFFE600  }
0x136: {  	[tilespmem:s30], [sflag:$0x1] =	stream.indirect.gather [hbm4b:s3+s30], $0x8, s5, s30, $0xb8;
	[tilespmem:$0x19300] =	vst v63  }
0x137: {  	_ =	swait.ge [sflag:s31], $0xD000  }
0x138: {  	[sflag:s31] =	ssyncset.done $0x0  }
0x139: {  	s4 =	simm.s32 $0x17C40;
	[sflag:s31] =	ssyncadd.s32 $0xFFFF3000  }
0x13a: {  	v2 =	vld [tilespmem:s4+$0x0];
	_ =	sdelay $0x3  }
0x13b: {  	v3 =	vor.u32 s5, v0  }
0x13c: {  	v5 =	vshll.u32 v3, $0x7;
	v4 =	vand.u32 $0xFFFFFFF8, v2  }
0x13d: {  	v2 =	vand.u32 $0x7, v2;
	v5 =	vadd.s32 v5, v4  }
0x13e: {  	v5 =	vor.u32 v2, v5;
	_ =	sdelay $0x4  }
0x13f: {  	v7 =	vshll.u32 v3, $0x4;
	v6 =	vld.idx.msk [tilespmem:v5+s30+$0x0], $0xffff  }
0x140: {  	v3 =	vadd.s32 $0x8, v5;
	_ =	sdelay $0x3  }
0x141: {  	[tilespmem:v7+s0+$0x0] =	vst.idx.msk $0xffff, v6  }
0x142: {  	v52 =	vor.u32 $0x1, v7;
	v3 =	vld.idx.msk [tilespmem:v3+s30+$0x0], $0xffff  }
0x143: {  	v8 =	vadd.s32 $0x10, v5;
	_ =	sdelay $0x3  }
0x144: {  	[tilespmem:v52+s0+$0x0] =	vst.idx.msk $0xffff, v3  }
0x145: {  	v53 =	vor.u32 $0x2, v7;
	v3 =	vld.idx.msk [tilespmem:v8+s30+$0x0], $0xffff  }
0x146: {  	v54 =	vadd.s32 $0x18, v5;
	_ =	sdelay $0x3  }
0x147: {  	[tilespmem:v53+s0+$0x0] =	vst.idx.msk $0xffff, v3  }
0x148: {  	v55 =	vor.u32 $0x3, v7;
	v3 =	vld.idx.msk [tilespmem:v54+s30+$0x0], $0xffff  }
0x149: {  	v56 =	vadd.s32 $0x20, v5;
	_ =	sdelay $0x3  }
0x14a: {  	[tilespmem:v55+s0+$0x0] =	vst.idx.msk $0xffff, v3  }
0x14b: {  	v57 =	vor.u32 $0x4, v7;
	v3 =	vld.idx.msk [tilespmem:v56+s30+$0x0], $0xffff  }
0x14c: {  	v58 =	vadd.s32 $0x28, v5;
	_ =	sdelay $0x3  }
0x14d: {  	[tilespmem:v57+s0+$0x0] =	vst.idx.msk $0xffff, v3  }
0x14e: {  	v59 =	vor.u32 $0x5, v7;
	v3 =	vld.idx.msk [tilespmem:v58+s30+$0x0], $0xffff  }
0x14f: {  	v60 =	vadd.s32 $0x30, v5;
	_ =	sdelay $0x3  }
0x150: {  	[tilespmem:v59+s0+$0x0] =	vst.idx.msk $0xffff, v3  }
0x151: {  	v61 =	vor.u32 $0x6, v7;
	v3 =	vld.idx.msk [tilespmem:v60+s30+$0x0], $0xffff  }
0x152: {  	v62 =	vadd.s32 $0x38, v5;
	_ =	sdelay $0x2  }
0x153: {  	v9 =	vor.u32 $0x8, v7  }
0x154: {  	[tilespmem:v61+s0+$0x0] =	vst.idx.msk $0xffff, v3;
	v3 =	vshll.u32 v9, $0x3  }
0x155: {  	v63 =	vor.u32 $0x7, v7;
	v6 =	vld.idx.msk [tilespmem:v62+s30+$0x0], $0xffff;
	v3 =	vadd.s32 v3, v4  }
0x156: {  	v2 =	vor.u32 v2, v3;
	_ =	sdelay $0x3  }
0x157: {  	[tilespmem:v63+s0+$0x0] =	vst.idx.msk $0xffff, v6  }
0x158: {  	v2 =	vld.idx.msk [tilespmem:v2+s30+$0x0], $0xffff  }
0x159: {  	v3 =	vadd.s32 $0x48, v5;
	_ =	sdelay $0x3  }
0x15a: {  	[tilespmem:v9+s0+$0x0] =	vst.idx.msk $0xffff, v2  }
0x15b: {  	v2 =	vld.idx.msk [tilespmem:v3+s30+$0x0], $0xffff;
	v3 =	vor.u32 $0x9, v7  }
0x15c: {  	v4 =	vadd.s32 $0x50, v5;
	_ =	sdelay $0x3  }
0x15d: {  	[tilespmem:v3+s0+$0x0] =	vst.idx.msk $0xffff, v2  }
0x15e: {  	v3 =	vor.u32 $0xA, v7;
	v2 =	vld.idx.msk [tilespmem:v4+s30+$0x0], $0xffff  }
0x15f: {  	v4 =	vadd.s32 $0x58, v5;
	_ =	sdelay $0x3  }
0x160: {  	[tilespmem:v3+s0+$0x0] =	vst.idx.msk $0xffff, v2  }
0x161: {  	v3 =	vor.u32 $0xB, v7;
	v2 =	vld.idx.msk [tilespmem:v4+s30+$0x0], $0xffff  }
0x162: {  	v4 =	vadd.s32 $0x60, v5;
	_ =	sdelay $0x3  }
0x163: {  	[tilespmem:v3+s0+$0x0] =	vst.idx.msk $0xffff, v2  }
0x164: {  	v3 =	vor.u32 $0xC, v7;
	v2 =	vld.idx.msk [tilespmem:v4+s30+$0x0], $0xffff  }
0x165: {  	v4 =	vadd.s32 $0x68, v5;
	_ =	sdelay $0x3  }
0x166: {  	[tilespmem:v3+s0+$0x0] =	vst.idx.msk $0xffff, v2  }
0x167: {  	v3 =	vor.u32 $0xD, v7;
	v2 =	vld.idx.msk [tilespmem:v4+s30+$0x0], $0xffff  }
0x168: {  	v4 =	vadd.s32 $0x70, v5;
	_ =	sdelay $0x3  }
0x169: {  	[tilespmem:v3+s0+$0x0] =	vst.idx.msk $0xffff, v2  }
0x16a: {  	v3 =	vor.u32 $0xE, v7;
	v2 =	vld.idx.msk [tilespmem:v4+s30+$0x0], $0xffff  }
0x16b: {  	v4 =	vadd.s32 $0x78, v5;
	_ =	sdelay $0x3  }
0x16c: {  	[tilespmem:v3+s0+$0x0] =	vst.idx.msk $0xffff, v2  }
0x16d: {  	s5 =	simm.s32 $0x10;
	v2 =	vor.u32 $0xF, v7;
	v3 =	vld.idx.msk [tilespmem:v4+s30+$0x0], $0xffff  }
.LBB2_6:
0x16e: {  	_ =	sdelay $0x2  }
0x16f: {  	p0 =	sne.s32 s5, $0x190  }
0x170: {  	s4 =	sadd.s32 $0x10, s4;
	s6 =	smov.u32 s5;
	s5 =	sadd.s32 $0x10, s5;
	[tilespmem:v2+s0+$0x0] =	vst.idx.msk $0xffff, v3  }
0x171: {  	v2 =	vld [tilespmem:s4+$0x0];
	_ =	sdelay $0x3  }
0x172: {  	v4 =	vor.u32 s6, v0  }
0x173: {  	v3 =	vshll.u32 v4, $0x7;
	v5 =	vand.u32 $0xFFFFFFF8, v2  }
0x174: {  	v6 =	vand.u32 $0x7, v2;
	v2 =	vadd.s32 v3, v5  }
0x175: {  	v3 =	vor.u32 v6, v2;
	_ =	sdelay $0x4  }
0x176: {  	v7 =	vld.idx.msk [tilespmem:v3+s30+$0x0], $0xffff  }
0x177: {  	v2 =	vshll.u32 v4, $0x4  }
0x178: {  	v4 =	vadd.s32 $0x8, v3;
	_ =	sdelay $0x3  }
0x179: {  	[tilespmem:v2+s0+$0x0] =	vst.idx.msk $0xffff, v7  }
0x17a: {  	v4 =	vld.idx.msk [tilespmem:v4+s30+$0x0], $0xffff  }
0x17b: {  	v7 =	vor.u32 $0x1, v2  }
0x17c: {  	v8 =	vadd.s32 $0x10, v3;
	_ =	sdelay $0x3  }
0x17d: {  	[tilespmem:v7+s0+$0x0] =	vst.idx.msk $0xffff, v4  }
0x17e: {  	v4 =	vld.idx.msk [tilespmem:v8+s30+$0x0], $0xffff  }
0x17f: {  	v7 =	vor.u32 $0x2, v2  }
0x180: {  	v8 =	vadd.s32 $0x18, v3;
	_ =	sdelay $0x3  }
0x181: {  	[tilespmem:v7+s0+$0x0] =	vst.idx.msk $0xffff, v4  }
0x182: {  	v4 =	vld.idx.msk [tilespmem:v8+s30+$0x0], $0xffff  }
0x183: {  	v7 =	vor.u32 $0x3, v2  }
0x184: {  	v8 =	vadd.s32 $0x20, v3;
	_ =	sdelay $0x3  }
0x185: {  	[tilespmem:v7+s0+$0x0] =	vst.idx.msk $0xffff, v4  }
0x186: {  	v4 =	vld.idx.msk [tilespmem:v8+s30+$0x0], $0xffff  }
0x187: {  	v7 =	vor.u32 $0x4, v2  }
0x188: {  	v8 =	vadd.s32 $0x28, v3;
	_ =	sdelay $0x3  }
0x189: {  	[tilespmem:v7+s0+$0x0] =	vst.idx.msk $0xffff, v4  }
0x18a: {  	v4 =	vld.idx.msk [tilespmem:v8+s30+$0x0], $0xffff  }
0x18b: {  	v7 =	vor.u32 $0x5, v2  }
0x18c: {  	v8 =	vadd.s32 $0x30, v3;
	_ =	sdelay $0x3  }
0x18d: {  	[tilespmem:v7+s0+$0x0] =	vst.idx.msk $0xffff, v4  }
0x18e: {  	v4 =	vld.idx.msk [tilespmem:v8+s30+$0x0], $0xffff  }
0x18f: {  	v7 =	vor.u32 $0x6, v2  }
0x190: {  	v8 =	vadd.s32 $0x38, v3;
	_ =	sdelay $0x3  }
0x191: {  	[tilespmem:v7+s0+$0x0] =	vst.idx.msk $0xffff, v4;
	v4 =	vor.u32 $0x8, v2  }
0x192: {  	v7 =	vld.idx.msk [tilespmem:v8+s30+$0x0], $0xffff;
	v8 =	vshll.u32 v4, $0x3  }
0x193: {  	v9 =	vor.u32 $0x7, v2;
	v5 =	vadd.s32 v8, v5  }
0x194: {  	v5 =	vor.u32 v6, v5;
	_ =	sdelay $0x3  }
0x195: {  	[tilespmem:v9+s0+$0x0] =	vst.idx.msk $0xffff, v7  }
0x196: {  	v5 =	vld.idx.msk [tilespmem:v5+s30+$0x0], $0xffff;
	_ =	sdelay $0x1  }
0x197: {  	v6 =	vadd.s32 $0x48, v3;
	_ =	sdelay $0x3  }
0x198: {  	[tilespmem:v4+s0+$0x0] =	vst.idx.msk $0xffff, v5  }
0x199: {  	v4 =	vld.idx.msk [tilespmem:v6+s30+$0x0], $0xffff  }
0x19a: {  	v5 =	vor.u32 $0x9, v2  }
0x19b: {  	v6 =	vadd.s32 $0x50, v3;
	_ =	sdelay $0x3  }
0x19c: {  	[tilespmem:v5+s0+$0x0] =	vst.idx.msk $0xffff, v4  }
0x19d: {  	v4 =	vld.idx.msk [tilespmem:v6+s30+$0x0], $0xffff  }
0x19e: {  	v5 =	vor.u32 $0xA, v2  }
0x19f: {  	v6 =	vadd.s32 $0x58, v3;
	_ =	sdelay $0x3  }
0x1a0: {  	[tilespmem:v5+s0+$0x0] =	vst.idx.msk $0xffff, v4  }
0x1a1: {  	v4 =	vld.idx.msk [tilespmem:v6+s30+$0x0], $0xffff  }
0x1a2: {  	v5 =	vor.u32 $0xB, v2  }
0x1a3: {  	v6 =	vadd.s32 $0x60, v3;
	_ =	sdelay $0x3  }
0x1a4: {  	[tilespmem:v5+s0+$0x0] =	vst.idx.msk $0xffff, v4  }
0x1a5: {  	v4 =	vld.idx.msk [tilespmem:v6+s30+$0x0], $0xffff  }
0x1a6: {  	v5 =	vor.u32 $0xC, v2  }
0x1a7: {  	v6 =	vadd.s32 $0x68, v3;
	_ =	sdelay $0x3  }
0x1a8: {  	[tilespmem:v5+s0+$0x0] =	vst.idx.msk $0xffff, v4  }
0x1a9: {  	v4 =	vld.idx.msk [tilespmem:v6+s30+$0x0], $0xffff  }
0x1aa: {  	v5 =	vor.u32 $0xD, v2  }
0x1ab: {  	v6 =	vadd.s32 $0x70, v3;
	_ =	sdelay $0x3  }
0x1ac: {  	[tilespmem:v5+s0+$0x0] =	vst.idx.msk $0xffff, v4  }
0x1ad: {  	v4 =	vld.idx.msk [tilespmem:v6+s30+$0x0], $0xffff  }
0x1ae: {  	v5 =	vor.u32 $0xE, v2  }
0x1af: {  	v3 =	vadd.s32 $0x78, v3;
	_ =	sdelay $0x1  }
.Ltmp2:
0x1b0: {  	(pc) =	sbr.rel @p0 .LBB2_6-.Ltmp2, $4  }
0x1b1: {  	_ = 	snop  }
0x1b2: {  	[tilespmem:v5+s0+$0x0] =	vst.idx.msk $0xffff, v4  }
0x1b3: {  	v3 =	vld.idx.msk [tilespmem:v3+s30+$0x0], $0xffff  }
0x1b4: {  	v2 =	vor.u32 $0xF, v2  }
0x1b5: {  	_ =	sdelay $0x3  }
0x1b6: {  	s5 =	simm.s32 $0x0;
	[tilespmem:v2+s0+$0x0] =	vst.idx.msk $0xffff, v3  }
0x1b7: {  	[hbm4b:s12+s5] =	stream.linear.scatter [tilespmem:s0], [sflag:$0x3], $0x1A00, $0x38;
	[tilespmem:$0x19300] =	vst v63  }
0x1b8: {  	_ =	swait.ge [sflag:s26], $0x1A00  }
0x1b9: {  	[sflag:s26] =	ssyncset.done $0x0  }
0x1ba: {  	[sflag:s26] =	ssyncadd.s32 $0xFFFFE600  }
0x1bb: {  	[tilespmem:s5], [sflag:$0x3] =	stream.linear.gather [hbm4b:s13+s5], $0x1A00, $0x38;
	[tilespmem:$0x19300] =	vst v63  }
0x1bc: {  	_ =	swait.ge [sflag:s26], $0x1A00  }
0x1bd: {  	[sflag:s26] =	ssyncset.done $0x0  }
0x1be: {  	[sflag:s26] =	ssyncadd.s32 $0xFFFFE600  }
0x1bf: {  	[tilespmem:s30], [sflag:$0x1] =	stream.indirect.gather [hbm4b:s3+s30], $0x8, s5, s30, $0xb8;
	[tilespmem:$0x19300] =	vst v63  }
0x1c0: {  	_ =	swait.ge [sflag:s31], $0xD000  }
0x1c1: {  	[sflag:s31] =	ssyncset.done $0x0  }
0x1c2: {  	s4 =	simm.s32 $0x17DE0;
	[sflag:s31] =	ssyncadd.s32 $0xFFFF3000  }
0x1c3: {  	v2 =	vld [tilespmem:s4+$0x0];
	_ =	sdelay $0x3  }
0x1c4: {  	v3 =	vor.u32 s5, v0  }
0x1c5: {  	v5 =	vshll.u32 v3, $0x7;
	v4 =	vand.u32 $0xFFFFFFF8, v2  }
0x1c6: {  	v2 =	vand.u32 $0x7, v2;
	v5 =	vadd.s32 v5, v4  }
0x1c7: {  	v5 =	vor.u32 v2, v5;
	_ =	sdelay $0x4  }
0x1c8: {  	v7 =	vshll.u32 v3, $0x4;
	v6 =	vld.idx.msk [tilespmem:v5+s30+$0x0], $0xffff  }
0x1c9: {  	v3 =	vadd.s32 $0x8, v5;
	_ =	sdelay $0x3  }
0x1ca: {  	[tilespmem:v7+s0+$0x0] =	vst.idx.msk $0xffff, v6  }
0x1cb: {  	v52 =	vor.u32 $0x1, v7;
	v3 =	vld.idx.msk [tilespmem:v3+s30+$0x0], $0xffff  }
0x1cc: {  	v8 =	vadd.s32 $0x10, v5;
	_ =	sdelay $0x3  }
0x1cd: {  	[tilespmem:v52+s0+$0x0] =	vst.idx.msk $0xffff, v3  }
0x1ce: {  	v53 =	vor.u32 $0x2, v7;
	v3 =	vld.idx.msk [tilespmem:v8+s30+$0x0], $0xffff  }
0x1cf: {  	v54 =	vadd.s32 $0x18, v5;
	_ =	sdelay $0x3  }
0x1d0: {  	[tilespmem:v53+s0+$0x0] =	vst.idx.msk $0xffff, v3  }
0x1d1: {  	v55 =	vor.u32 $0x3, v7;
	v3 =	vld.idx.msk [tilespmem:v54+s30+$0x0], $0xffff  }
0x1d2: {  	v56 =	vadd.s32 $0x20, v5;
	_ =	sdelay $0x3  }
0x1d3: {  	[tilespmem:v55+s0+$0x0] =	vst.idx.msk $0xffff, v3  }
0x1d4: {  	v57 =	vor.u32 $0x4, v7;
	v3 =	vld.idx.msk [tilespmem:v56+s30+$0x0], $0xffff  }
0x1d5: {  	v58 =	vadd.s32 $0x28, v5;
	_ =	sdelay $0x3  }
0x1d6: {  	[tilespmem:v57+s0+$0x0] =	vst.idx.msk $0xffff, v3  }
0x1d7: {  	v59 =	vor.u32 $0x5, v7;
	v3 =	vld.idx.msk [tilespmem:v58+s30+$0x0], $0xffff  }
0x1d8: {  	v60 =	vadd.s32 $0x30, v5;
	_ =	sdelay $0x3  }
0x1d9: {  	[tilespmem:v59+s0+$0x0] =	vst.idx.msk $0xffff, v3  }
0x1da: {  	v61 =	vor.u32 $0x6, v7;
	v3 =	vld.idx.msk [tilespmem:v60+s30+$0x0], $0xffff  }
0x1db: {  	v62 =	vadd.s32 $0x38, v5;
	_ =	sdelay $0x2  }
0x1dc: {  	v9 =	vor.u32 $0x8, v7  }
0x1dd: {  	[tilespmem:v61+s0+$0x0] =	vst.idx.msk $0xffff, v3;
	v3 =	vshll.u32 v9, $0x3  }
0x1de: {  	v63 =	vor.u32 $0x7, v7;
	v6 =	vld.idx.msk [tilespmem:v62+s30+$0x0], $0xffff;
	v3 =	vadd.s32 v3, v4  }
0x1df: {  	v2 =	vor.u32 v2, v3;
	_ =	sdelay $0x3  }
0x1e0: {  	[tilespmem:v63+s0+$0x0] =	vst.idx.msk $0xffff, v6  }
0x1e1: {  	v2 =	vld.idx.msk [tilespmem:v2+s30+$0x0], $0xffff  }
0x1e2: {  	v3 =	vadd.s32 $0x48, v5;
	_ =	sdelay $0x3  }
0x1e3: {  	[tilespmem:v9+s0+$0x0] =	vst.idx.msk $0xffff, v2  }
0x1e4: {  	v2 =	vld.idx.msk [tilespmem:v3+s30+$0x0], $0xffff;
	v3 =	vor.u32 $0x9, v7  }
0x1e5: {  	v4 =	vadd.s32 $0x50, v5;
	_ =	sdelay $0x3  }
0x1e6: {  	[tilespmem:v3+s0+$0x0] =	vst.idx.msk $0xffff, v2  }
0x1e7: {  	v3 =	vor.u32 $0xA, v7;
	v2 =	vld.idx.msk [tilespmem:v4+s30+$0x0], $0xffff  }
0x1e8: {  	v4 =	vadd.s32 $0x58, v5;
	_ =	sdelay $0x3  }
0x1e9: {  	[tilespmem:v3+s0+$0x0] =	vst.idx.msk $0xffff, v2  }
0x1ea: {  	v3 =	vor.u32 $0xB, v7;
	v2 =	vld.idx.msk [tilespmem:v4+s30+$0x0], $0xffff  }
0x1eb: {  	v4 =	vadd.s32 $0x60, v5;
	_ =	sdelay $0x3  }
0x1ec: {  	[tilespmem:v3+s0+$0x0] =	vst.idx.msk $0xffff, v2  }
0x1ed: {  	v3 =	vor.u32 $0xC, v7;
	v2 =	vld.idx.msk [tilespmem:v4+s30+$0x0], $0xffff  }
0x1ee: {  	v4 =	vadd.s32 $0x68, v5;
	_ =	sdelay $0x3  }
0x1ef: {  	[tilespmem:v3+s0+$0x0] =	vst.idx.msk $0xffff, v2  }
0x1f0: {  	v3 =	vor.u32 $0xD, v7;
	v2 =	vld.idx.msk [tilespmem:v4+s30+$0x0], $0xffff  }
0x1f1: {  	v4 =	vadd.s32 $0x70, v5;
	_ =	sdelay $0x3  }
0x1f2: {  	[tilespmem:v3+s0+$0x0] =	vst.idx.msk $0xffff, v2  }
0x1f3: {  	v3 =	vor.u32 $0xE, v7;
	v2 =	vld.idx.msk [tilespmem:v4+s30+$0x0], $0xffff  }
0x1f4: {  	v4 =	vadd.s32 $0x78, v5;
	_ =	sdelay $0x3  }
0x1f5: {  	[tilespmem:v3+s0+$0x0] =	vst.idx.msk $0xffff, v2  }
0x1f6: {  	s5 =	simm.s32 $0x10;
	v2 =	vor.u32 $0xF, v7;
	v3 =	vld.idx.msk [tilespmem:v4+s30+$0x0], $0xffff  }
.LBB2_8:
0x1f7: {  	_ =	sdelay $0x2  }
0x1f8: {  	p0 =	sne.s32 s5, $0x190  }
0x1f9: {  	s4 =	sadd.s32 $0x10, s4;
	s6 =	smov.u32 s5;
	s5 =	sadd.s32 $0x10, s5;
	[tilespmem:v2+s0+$0x0] =	vst.idx.msk $0xffff, v3  }
0x1fa: {  	v2 =	vld [tilespmem:s4+$0x0];
	_ =	sdelay $0x3  }
0x1fb: {  	v4 =	vor.u32 s6, v0  }
0x1fc: {  	v3 =	vshll.u32 v4, $0x7;
	v5 =	vand.u32 $0xFFFFFFF8, v2  }
0x1fd: {  	v6 =	vand.u32 $0x7, v2;
	v2 =	vadd.s32 v3, v5  }
0x1fe: {  	v3 =	vor.u32 v6, v2;
	_ =	sdelay $0x4  }
0x1ff: {  	v7 =	vld.idx.msk [tilespmem:v3+s30+$0x0], $0xffff  }
0x200: {  	v2 =	vshll.u32 v4, $0x4  }
0x201: {  	v4 =	vadd.s32 $0x8, v3;
	_ =	sdelay $0x3  }
0x202: {  	[tilespmem:v2+s0+$0x0] =	vst.idx.msk $0xffff, v7  }
0x203: {  	v4 =	vld.idx.msk [tilespmem:v4+s30+$0x0], $0xffff  }
0x204: {  	v7 =	vor.u32 $0x1, v2  }
0x205: {  	v8 =	vadd.s32 $0x10, v3;
	_ =	sdelay $0x3  }
0x206: {  	[tilespmem:v7+s0+$0x0] =	vst.idx.msk $0xffff, v4  }
0x207: {  	v4 =	vld.idx.msk [tilespmem:v8+s30+$0x0], $0xffff  }
0x208: {  	v7 =	vor.u32 $0x2, v2  }
0x209: {  	v8 =	vadd.s32 $0x18, v3;
	_ =	sdelay $0x3  }
0x20a: {  	[tilespmem:v7+s0+$0x0] =	vst.idx.msk $0xffff, v4  }
0x20b: {  	v4 =	vld.idx.msk [tilespmem:v8+s30+$0x0], $0xffff  }
0x20c: {  	v7 =	vor.u32 $0x3, v2  }
0x20d: {  	v8 =	vadd.s32 $0x20, v3;
	_ =	sdelay $0x3  }
0x20e: {  	[tilespmem:v7+s0+$0x0] =	vst.idx.msk $0xffff, v4  }
0x20f: {  	v4 =	vld.idx.msk [tilespmem:v8+s30+$0x0], $0xffff  }
0x210: {  	v7 =	vor.u32 $0x4, v2  }
0x211: {  	v8 =	vadd.s32 $0x28, v3;
	_ =	sdelay $0x3  }
0x212: {  	[tilespmem:v7+s0+$0x0] =	vst.idx.msk $0xffff, v4  }
0x213: {  	v4 =	vld.idx.msk [tilespmem:v8+s30+$0x0], $0xffff  }
0x214: {  	v7 =	vor.u32 $0x5, v2  }
0x215: {  	v8 =	vadd.s32 $0x30, v3;
	_ =	sdelay $0x3  }
0x216: {  	[tilespmem:v7+s0+$0x0] =	vst.idx.msk $0xffff, v4  }
0x217: {  	v4 =	vld.idx.msk [tilespmem:v8+s30+$0x0], $0xffff  }
0x218: {  	v7 =	vor.u32 $0x6, v2  }
0x219: {  	v8 =	vadd.s32 $0x38, v3;
	_ =	sdelay $0x3  }
0x21a: {  	[tilespmem:v7+s0+$0x0] =	vst.idx.msk $0xffff, v4;
	v4 =	vor.u32 $0x8, v2  }
0x21b: {  	v7 =	vld.idx.msk [tilespmem:v8+s30+$0x0], $0xffff;
	v8 =	vshll.u32 v4, $0x3  }
0x21c: {  	v9 =	vor.u32 $0x7, v2;
	v5 =	vadd.s32 v8, v5  }
0x21d: {  	v5 =	vor.u32 v6, v5;
	_ =	sdelay $0x3  }
0x21e: {  	[tilespmem:v9+s0+$0x0] =	vst.idx.msk $0xffff, v7  }
0x21f: {  	v5 =	vld.idx.msk [tilespmem:v5+s30+$0x0], $0xffff;
	_ =	sdelay $0x1  }
0x220: {  	v6 =	vadd.s32 $0x48, v3;
	_ =	sdelay $0x3  }
0x221: {  	[tilespmem:v4+s0+$0x0] =	vst.idx.msk $0xffff, v5  }
0x222: {  	v4 =	vld.idx.msk [tilespmem:v6+s30+$0x0], $0xffff  }
0x223: {  	v5 =	vor.u32 $0x9, v2  }
0x224: {  	v6 =	vadd.s32 $0x50, v3;
	_ =	sdelay $0x3  }
0x225: {  	[tilespmem:v5+s0+$0x0] =	vst.idx.msk $0xffff, v4  }
0x226: {  	v4 =	vld.idx.msk [tilespmem:v6+s30+$0x0], $0xffff  }
0x227: {  	v5 =	vor.u32 $0xA, v2  }
0x228: {  	v6 =	vadd.s32 $0x58, v3;
	_ =	sdelay $0x3  }
0x229: {  	[tilespmem:v5+s0+$0x0] =	vst.idx.msk $0xffff, v4  }
0x22a: {  	v4 =	vld.idx.msk [tilespmem:v6+s30+$0x0], $0xffff  }
0x22b: {  	v5 =	vor.u32 $0xB, v2  }
0x22c: {  	v6 =	vadd.s32 $0x60, v3;
	_ =	sdelay $0x3  }
0x22d: {  	[tilespmem:v5+s0+$0x0] =	vst.idx.msk $0xffff, v4  }
0x22e: {  	v4 =	vld.idx.msk [tilespmem:v6+s30+$0x0], $0xffff  }
0x22f: {  	v5 =	vor.u32 $0xC, v2  }
0x230: {  	v6 =	vadd.s32 $0x68, v3;
	_ =	sdelay $0x3  }
0x231: {  	[tilespmem:v5+s0+$0x0] =	vst.idx.msk $0xffff, v4  }
0x232: {  	v4 =	vld.idx.msk [tilespmem:v6+s30+$0x0], $0xffff  }
0x233: {  	v5 =	vor.u32 $0xD, v2  }
0x234: {  	v6 =	vadd.s32 $0x70, v3;
	_ =	sdelay $0x3  }
0x235: {  	[tilespmem:v5+s0+$0x0] =	vst.idx.msk $0xffff, v4  }
0x236: {  	v4 =	vld.idx.msk [tilespmem:v6+s30+$0x0], $0xffff  }
0x237: {  	v5 =	vor.u32 $0xE, v2  }
0x238: {  	v3 =	vadd.s32 $0x78, v3;
	_ =	sdelay $0x1  }
.Ltmp3:
0x239: {  	(pc) =	sbr.rel @p0 .LBB2_8-.Ltmp3, $4  }
0x23a: {  	_ = 	snop  }
0x23b: {  	[tilespmem:v5+s0+$0x0] =	vst.idx.msk $0xffff, v4  }
0x23c: {  	v3 =	vld.idx.msk [tilespmem:v3+s30+$0x0], $0xffff  }
0x23d: {  	v2 =	vor.u32 $0xF, v2  }
0x23e: {  	_ =	sdelay $0x3  }
0x23f: {  	s5 =	simm.s32 $0x0;
	[tilespmem:v2+s0+$0x0] =	vst.idx.msk $0xffff, v3  }
0x240: {  	[hbm4b:s14+s5] =	stream.linear.scatter [tilespmem:s0], [sflag:$0x3], $0x1A00, $0x38;
	[tilespmem:$0x19300] =	vst v63  }
0x241: {  	_ =	swait.ge [sflag:s26], $0x1A00  }
0x242: {  	[sflag:s26] =	ssyncset.done $0x0  }
0x243: {  	[sflag:s26] =	ssyncadd.s32 $0xFFFFE600  }
0x244: {  	[tilespmem:s5], [sflag:$0x3] =	stream.linear.gather [hbm4b:s15+s5], $0x1A00, $0x38;
	[tilespmem:$0x19300] =	vst v63  }
0x245: {  	_ =	swait.ge [sflag:s26], $0x1A00  }
0x246: {  	[sflag:s26] =	ssyncset.done $0x0  }
0x247: {  	[sflag:s26] =	ssyncadd.s32 $0xFFFFE600  }
0x248: {  	[tilespmem:s30], [sflag:$0x1] =	stream.indirect.gather [hbm4b:s3+s30], $0x8, s5, s30, $0xb8;
	[tilespmem:$0x19300] =	vst v63  }
0x249: {  	_ =	swait.ge [sflag:s31], $0xD000  }
0x24a: {  	[sflag:s31] =	ssyncset.done $0x0  }
0x24b: {  	s4 =	simm.s32 $0x17F80;
	[sflag:s31] =	ssyncadd.s32 $0xFFFF3000  }
0x24c: {  	v2 =	vld [tilespmem:s4+$0x0];
	_ =	sdelay $0x3  }
0x24d: {  	v3 =	vor.u32 s5, v0  }
0x24e: {  	v5 =	vshll.u32 v3, $0x7;
	v4 =	vand.u32 $0xFFFFFFF8, v2  }
0x24f: {  	v2 =	vand.u32 $0x7, v2;
	v5 =	vadd.s32 v5, v4  }
0x250: {  	v5 =	vor.u32 v2, v5;
	_ =	sdelay $0x4  }
0x251: {  	v7 =	vshll.u32 v3, $0x4;
	v6 =	vld.idx.msk [tilespmem:v5+s30+$0x0], $0xffff  }
0x252: {  	v3 =	vadd.s32 $0x8, v5;
	_ =	sdelay $0x3  }
0x253: {  	[tilespmem:v7+s0+$0x0] =	vst.idx.msk $0xffff, v6  }
0x254: {  	v52 =	vor.u32 $0x1, v7;
	v3 =	vld.idx.msk [tilespmem:v3+s30+$0x0], $0xffff  }
0x255: {  	v8 =	vadd.s32 $0x10, v5;
	_ =	sdelay $0x3  }
0x256: {  	[tilespmem:v52+s0+$0x0] =	vst.idx.msk $0xffff, v3  }
0x257: {  	v53 =	vor.u32 $0x2, v7;
	v3 =	vld.idx.msk [tilespmem:v8+s30+$0x0], $0xffff  }
0x258: {  	v54 =	vadd.s32 $0x18, v5;
	_ =	sdelay $0x3  }
0x259: {  	[tilespmem:v53+s0+$0x0] =	vst.idx.msk $0xffff, v3  }
0x25a: {  	v55 =	vor.u32 $0x3, v7;
	v3 =	vld.idx.msk [tilespmem:v54+s30+$0x0], $0xffff  }
0x25b: {  	v56 =	vadd.s32 $0x20, v5;
	_ =	sdelay $0x3  }
0x25c: {  	[tilespmem:v55+s0+$0x0] =	vst.idx.msk $0xffff, v3  }
0x25d: {  	v57 =	vor.u32 $0x4, v7;
	v3 =	vld.idx.msk [tilespmem:v56+s30+$0x0], $0xffff  }
0x25e: {  	v58 =	vadd.s32 $0x28, v5;
	_ =	sdelay $0x3  }
0x25f: {  	[tilespmem:v57+s0+$0x0] =	vst.idx.msk $0xffff, v3  }
0x260: {  	v59 =	vor.u32 $0x5, v7;
	v3 =	vld.idx.msk [tilespmem:v58+s30+$0x0], $0xffff  }
0x261: {  	v60 =	vadd.s32 $0x30, v5;
	_ =	sdelay $0x3  }
0x262: {  	[tilespmem:v59+s0+$0x0] =	vst.idx.msk $0xffff, v3  }
0x263: {  	v61 =	vor.u32 $0x6, v7;
	v3 =	vld.idx.msk [tilespmem:v60+s30+$0x0], $0xffff  }
0x264: {  	v62 =	vadd.s32 $0x38, v5;
	_ =	sdelay $0x2  }
0x265: {  	v9 =	vor.u32 $0x8, v7  }
0x266: {  	[tilespmem:v61+s0+$0x0] =	vst.idx.msk $0xffff, v3;
	v3 =	vshll.u32 v9, $0x3  }
0x267: {  	v63 =	vor.u32 $0x7, v7;
	v6 =	vld.idx.msk [tilespmem:v62+s30+$0x0], $0xffff;
	v3 =	vadd.s32 v3, v4  }
0x268: {  	v2 =	vor.u32 v2, v3;
	_ =	sdelay $0x3  }
0x269: {  	[tilespmem:v63+s0+$0x0] =	vst.idx.msk $0xffff, v6  }
0x26a: {  	v2 =	vld.idx.msk [tilespmem:v2+s30+$0x0], $0xffff  }
0x26b: {  	v3 =	vadd.s32 $0x48, v5;
	_ =	sdelay $0x3  }
0x26c: {  	[tilespmem:v9+s0+$0x0] =	vst.idx.msk $0xffff, v2  }
0x26d: {  	v2 =	vld.idx.msk [tilespmem:v3+s30+$0x0], $0xffff;
	v3 =	vor.u32 $0x9, v7  }
0x26e: {  	v4 =	vadd.s32 $0x50, v5;
	_ =	sdelay $0x3  }
0x26f: {  	[tilespmem:v3+s0+$0x0] =	vst.idx.msk $0xffff, v2  }
0x270: {  	v3 =	vor.u32 $0xA, v7;
	v2 =	vld.idx.msk [tilespmem:v4+s30+$0x0], $0xffff  }
0x271: {  	v4 =	vadd.s32 $0x58, v5;
	_ =	sdelay $0x3  }
0x272: {  	[tilespmem:v3+s0+$0x0] =	vst.idx.msk $0xffff, v2  }
0x273: {  	v3 =	vor.u32 $0xB, v7;
	v2 =	vld.idx.msk [tilespmem:v4+s30+$0x0], $0xffff  }
0x274: {  	v4 =	vadd.s32 $0x60, v5;
	_ =	sdelay $0x3  }
0x275: {  	[tilespmem:v3+s0+$0x0] =	vst.idx.msk $0xffff, v2  }
0x276: {  	v3 =	vor.u32 $0xC, v7;
	v2 =	vld.idx.msk [tilespmem:v4+s30+$0x0], $0xffff  }
0x277: {  	v4 =	vadd.s32 $0x68, v5;
	_ =	sdelay $0x3  }
0x278: {  	[tilespmem:v3+s0+$0x0] =	vst.idx.msk $0xffff, v2  }
0x279: {  	v3 =	vor.u32 $0xD, v7;
	v2 =	vld.idx.msk [tilespmem:v4+s30+$0x0], $0xffff  }
0x27a: {  	v4 =	vadd.s32 $0x70, v5;
	_ =	sdelay $0x3  }
0x27b: {  	[tilespmem:v3+s0+$0x0] =	vst.idx.msk $0xffff, v2  }
0x27c: {  	v3 =	vor.u32 $0xE, v7;
	v2 =	vld.idx.msk [tilespmem:v4+s30+$0x0], $0xffff  }
0x27d: {  	v4 =	vadd.s32 $0x78, v5;
	_ =	sdelay $0x3  }
0x27e: {  	[tilespmem:v3+s0+$0x0] =	vst.idx.msk $0xffff, v2  }
0x27f: {  	s5 =	simm.s32 $0x10;
	v2 =	vor.u32 $0xF, v7;
	v3 =	vld.idx.msk [tilespmem:v4+s30+$0x0], $0xffff  }
.LBB2_10:
0x280: {  	_ =	sdelay $0x2  }
0x281: {  	p0 =	sne.s32 s5, $0x190  }
0x282: {  	s4 =	sadd.s32 $0x10, s4;
	s6 =	smov.u32 s5;
	s5 =	sadd.s32 $0x10, s5;
	[tilespmem:v2+s0+$0x0] =	vst.idx.msk $0xffff, v3  }
0x283: {  	v2 =	vld [tilespmem:s4+$0x0];
	_ =	sdelay $0x3  }
0x284: {  	v4 =	vor.u32 s6, v0  }
0x285: {  	v3 =	vshll.u32 v4, $0x7;
	v5 =	vand.u32 $0xFFFFFFF8, v2  }
0x286: {  	v6 =	vand.u32 $0x7, v2;
	v2 =	vadd.s32 v3, v5  }
0x287: {  	v3 =	vor.u32 v6, v2;
	_ =	sdelay $0x4  }
0x288: {  	v7 =	vld.idx.msk [tilespmem:v3+s30+$0x0], $0xffff  }
0x289: {  	v2 =	vshll.u32 v4, $0x4  }
0x28a: {  	v4 =	vadd.s32 $0x8, v3;
	_ =	sdelay $0x3  }
0x28b: {  	[tilespmem:v2+s0+$0x0] =	vst.idx.msk $0xffff, v7  }
0x28c: {  	v4 =	vld.idx.msk [tilespmem:v4+s30+$0x0], $0xffff  }
0x28d: {  	v7 =	vor.u32 $0x1, v2  }
0x28e: {  	v8 =	vadd.s32 $0x10, v3;
	_ =	sdelay $0x3  }
0x28f: {  	[tilespmem:v7+s0+$0x0] =	vst.idx.msk $0xffff, v4  }
0x290: {  	v4 =	vld.idx.msk [tilespmem:v8+s30+$0x0], $0xffff  }
0x291: {  	v7 =	vor.u32 $0x2, v2  }
0x292: {  	v8 =	vadd.s32 $0x18, v3;
	_ =	sdelay $0x3  }
0x293: {  	[tilespmem:v7+s0+$0x0] =	vst.idx.msk $0xffff, v4  }
0x294: {  	v4 =	vld.idx.msk [tilespmem:v8+s30+$0x0], $0xffff  }
0x295: {  	v7 =	vor.u32 $0x3, v2  }
0x296: {  	v8 =	vadd.s32 $0x20, v3;
	_ =	sdelay $0x3  }
0x297: {  	[tilespmem:v7+s0+$0x0] =	vst.idx.msk $0xffff, v4  }
0x298: {  	v4 =	vld.idx.msk [tilespmem:v8+s30+$0x0], $0xffff  }
0x299: {  	v7 =	vor.u32 $0x4, v2  }
0x29a: {  	v8 =	vadd.s32 $0x28, v3;
	_ =	sdelay $0x3  }
0x29b: {  	[tilespmem:v7+s0+$0x0] =	vst.idx.msk $0xffff, v4  }
0x29c: {  	v4 =	vld.idx.msk [tilespmem:v8+s30+$0x0], $0xffff  }
0x29d: {  	v7 =	vor.u32 $0x5, v2  }
0x29e: {  	v8 =	vadd.s32 $0x30, v3;
	_ =	sdelay $0x3  }
0x29f: {  	[tilespmem:v7+s0+$0x0] =	vst.idx.msk $0xffff, v4  }
0x2a0: {  	v4 =	vld.idx.msk [tilespmem:v8+s30+$0x0], $0xffff  }
0x2a1: {  	v7 =	vor.u32 $0x6, v2  }
0x2a2: {  	v8 =	vadd.s32 $0x38, v3;
	_ =	sdelay $0x3  }
0x2a3: {  	[tilespmem:v7+s0+$0x0] =	vst.idx.msk $0xffff, v4;
	v4 =	vor.u32 $0x8, v2  }
0x2a4: {  	v7 =	vld.idx.msk [tilespmem:v8+s30+$0x0], $0xffff;
	v8 =	vshll.u32 v4, $0x3  }
0x2a5: {  	v9 =	vor.u32 $0x7, v2;
	v5 =	vadd.s32 v8, v5  }
0x2a6: {  	v5 =	vor.u32 v6, v5;
	_ =	sdelay $0x3  }
0x2a7: {  	[tilespmem:v9+s0+$0x0] =	vst.idx.msk $0xffff, v7  }
0x2a8: {  	v5 =	vld.idx.msk [tilespmem:v5+s30+$0x0], $0xffff;
	_ =	sdelay $0x1  }
0x2a9: {  	v6 =	vadd.s32 $0x48, v3;
	_ =	sdelay $0x3  }
0x2aa: {  	[tilespmem:v4+s0+$0x0] =	vst.idx.msk $0xffff, v5  }
0x2ab: {  	v4 =	vld.idx.msk [tilespmem:v6+s30+$0x0], $0xffff  }
0x2ac: {  	v5 =	vor.u32 $0x9, v2  }
0x2ad: {  	v6 =	vadd.s32 $0x50, v3;
	_ =	sdelay $0x3  }
0x2ae: {  	[tilespmem:v5+s0+$0x0] =	vst.idx.msk $0xffff, v4  }
0x2af: {  	v4 =	vld.idx.msk [tilespmem:v6+s30+$0x0], $0xffff  }
0x2b0: {  	v5 =	vor.u32 $0xA, v2  }
0x2b1: {  	v6 =	vadd.s32 $0x58, v3;
	_ =	sdelay $0x3  }
0x2b2: {  	[tilespmem:v5+s0+$0x0] =	vst.idx.msk $0xffff, v4  }
0x2b3: {  	v4 =	vld.idx.msk [tilespmem:v6+s30+$0x0], $0xffff  }
0x2b4: {  	v5 =	vor.u32 $0xB, v2  }
0x2b5: {  	v6 =	vadd.s32 $0x60, v3;
	_ =	sdelay $0x3  }
0x2b6: {  	[tilespmem:v5+s0+$0x0] =	vst.idx.msk $0xffff, v4  }
0x2b7: {  	v4 =	vld.idx.msk [tilespmem:v6+s30+$0x0], $0xffff  }
0x2b8: {  	v5 =	vor.u32 $0xC, v2  }
0x2b9: {  	v6 =	vadd.s32 $0x68, v3;
	_ =	sdelay $0x3  }
0x2ba: {  	[tilespmem:v5+s0+$0x0] =	vst.idx.msk $0xffff, v4  }
0x2bb: {  	v4 =	vld.idx.msk [tilespmem:v6+s30+$0x0], $0xffff  }
0x2bc: {  	v5 =	vor.u32 $0xD, v2  }
0x2bd: {  	v6 =	vadd.s32 $0x70, v3;
	_ =	sdelay $0x3  }
0x2be: {  	[tilespmem:v5+s0+$0x0] =	vst.idx.msk $0xffff, v4  }
0x2bf: {  	v4 =	vld.idx.msk [tilespmem:v6+s30+$0x0], $0xffff  }
0x2c0: {  	v5 =	vor.u32 $0xE, v2  }
0x2c1: {  	v3 =	vadd.s32 $0x78, v3;
	_ =	sdelay $0x1  }
.Ltmp4:
0x2c2: {  	(pc) =	sbr.rel @p0 .LBB2_10-.Ltmp4, $4  }
0x2c3: {  	_ = 	snop  }
0x2c4: {  	[tilespmem:v5+s0+$0x0] =	vst.idx.msk $0xffff, v4  }
0x2c5: {  	v3 =	vld.idx.msk [tilespmem:v3+s30+$0x0], $0xffff  }
0x2c6: {  	v2 =	vor.u32 $0xF, v2  }
0x2c7: {  	_ =	sdelay $0x3  }
0x2c8: {  	s5 =	simm.s32 $0x0;
	[tilespmem:v2+s0+$0x0] =	vst.idx.msk $0xffff, v3  }
0x2c9: {  	[hbm4b:s16+s5] =	stream.linear.scatter [tilespmem:s0], [sflag:$0x3], $0x1A00, $0x38;
	[tilespmem:$0x19300] =	vst v63  }
0x2ca: {  	_ =	swait.ge [sflag:s26], $0x1A00  }
0x2cb: {  	[sflag:s26] =	ssyncset.done $0x0  }
0x2cc: {  	[sflag:s26] =	ssyncadd.s32 $0xFFFFE600  }
0x2cd: {  	[tilespmem:s5], [sflag:$0x3] =	stream.linear.gather [hbm4b:s17+s5], $0x1A00, $0x38;
	[tilespmem:$0x19300] =	vst v63  }
0x2ce: {  	_ =	swait.ge [sflag:s26], $0x1A00  }
0x2cf: {  	[sflag:s26] =	ssyncset.done $0x0  }
0x2d0: {  	[sflag:s26] =	ssyncadd.s32 $0xFFFFE600  }
0x2d1: {  	[tilespmem:s30], [sflag:$0x1] =	stream.indirect.gather [hbm4b:s3+s30], $0x8, s5, s30, $0xb8;
	[tilespmem:$0x19300] =	vst v63  }
0x2d2: {  	_ =	swait.ge [sflag:s31], $0xD000  }
0x2d3: {  	[sflag:s31] =	ssyncset.done $0x0  }
0x2d4: {  	s4 =	simm.s32 $0x18120;
	[sflag:s31] =	ssyncadd.s32 $0xFFFF3000  }
0x2d5: {  	v2 =	vld [tilespmem:s4+$0x0];
	_ =	sdelay $0x3  }
0x2d6: {  	v3 =	vor.u32 s5, v0  }
0x2d7: {  	v5 =	vshll.u32 v3, $0x7;
	v4 =	vand.u32 $0xFFFFFFF8, v2  }
0x2d8: {  	v2 =	vand.u32 $0x7, v2;
	v5 =	vadd.s32 v5, v4  }
0x2d9: {  	v5 =	vor.u32 v2, v5;
	_ =	sdelay $0x4  }
0x2da: {  	v7 =	vshll.u32 v3, $0x4;
	v6 =	vld.idx.msk [tilespmem:v5+s30+$0x0], $0xffff  }
0x2db: {  	v3 =	vadd.s32 $0x8, v5;
	_ =	sdelay $0x3  }
0x2dc: {  	[tilespmem:v7+s0+$0x0] =	vst.idx.msk $0xffff, v6  }
0x2dd: {  	v52 =	vor.u32 $0x1, v7;
	v3 =	vld.idx.msk [tilespmem:v3+s30+$0x0], $0xffff  }
0x2de: {  	v8 =	vadd.s32 $0x10, v5;
	_ =	sdelay $0x3  }
0x2df: {  	[tilespmem:v52+s0+$0x0] =	vst.idx.msk $0xffff, v3  }
0x2e0: {  	v53 =	vor.u32 $0x2, v7;
	v3 =	vld.idx.msk [tilespmem:v8+s30+$0x0], $0xffff  }
0x2e1: {  	v54 =	vadd.s32 $0x18, v5;
	_ =	sdelay $0x3  }
0x2e2: {  	[tilespmem:v53+s0+$0x0] =	vst.idx.msk $0xffff, v3  }
0x2e3: {  	v55 =	vor.u32 $0x3, v7;
	v3 =	vld.idx.msk [tilespmem:v54+s30+$0x0], $0xffff  }
0x2e4: {  	v56 =	vadd.s32 $0x20, v5;
	_ =	sdelay $0x3  }
0x2e5: {  	[tilespmem:v55+s0+$0x0] =	vst.idx.msk $0xffff, v3  }
0x2e6: {  	v57 =	vor.u32 $0x4, v7;
	v3 =	vld.idx.msk [tilespmem:v56+s30+$0x0], $0xffff  }
0x2e7: {  	v58 =	vadd.s32 $0x28, v5;
	_ =	sdelay $0x3  }
0x2e8: {  	[tilespmem:v57+s0+$0x0] =	vst.idx.msk $0xffff, v3  }
0x2e9: {  	v59 =	vor.u32 $0x5, v7;
	v3 =	vld.idx.msk [tilespmem:v58+s30+$0x0], $0xffff  }
0x2ea: {  	v60 =	vadd.s32 $0x30, v5;
	_ =	sdelay $0x3  }
0x2eb: {  	[tilespmem:v59+s0+$0x0] =	vst.idx.msk $0xffff, v3  }
0x2ec: {  	v61 =	vor.u32 $0x6, v7;
	v3 =	vld.idx.msk [tilespmem:v60+s30+$0x0], $0xffff  }
0x2ed: {  	v62 =	vadd.s32 $0x38, v5;
	_ =	sdelay $0x2  }
0x2ee: {  	v9 =	vor.u32 $0x8, v7  }
0x2ef: {  	[tilespmem:v61+s0+$0x0] =	vst.idx.msk $0xffff, v3;
	v3 =	vshll.u32 v9, $0x3  }
0x2f0: {  	v63 =	vor.u32 $0x7, v7;
	v6 =	vld.idx.msk [tilespmem:v62+s30+$0x0], $0xffff;
	v3 =	vadd.s32 v3, v4  }
0x2f1: {  	v2 =	vor.u32 v2, v3;
	_ =	sdelay $0x3  }
0x2f2: {  	[tilespmem:v63+s0+$0x0] =	vst.idx.msk $0xffff, v6  }
0x2f3: {  	v2 =	vld.idx.msk [tilespmem:v2+s30+$0x0], $0xffff  }
0x2f4: {  	v3 =	vadd.s32 $0x48, v5;
	_ =	sdelay $0x3  }
0x2f5: {  	[tilespmem:v9+s0+$0x0] =	vst.idx.msk $0xffff, v2  }
0x2f6: {  	v2 =	vld.idx.msk [tilespmem:v3+s30+$0x0], $0xffff;
	v3 =	vor.u32 $0x9, v7  }
0x2f7: {  	v4 =	vadd.s32 $0x50, v5;
	_ =	sdelay $0x3  }
0x2f8: {  	[tilespmem:v3+s0+$0x0] =	vst.idx.msk $0xffff, v2  }
0x2f9: {  	v3 =	vor.u32 $0xA, v7;
	v2 =	vld.idx.msk [tilespmem:v4+s30+$0x0], $0xffff  }
0x2fa: {  	v4 =	vadd.s32 $0x58, v5;
	_ =	sdelay $0x3  }
0x2fb: {  	[tilespmem:v3+s0+$0x0] =	vst.idx.msk $0xffff, v2  }
0x2fc: {  	v3 =	vor.u32 $0xB, v7;
	v2 =	vld.idx.msk [tilespmem:v4+s30+$0x0], $0xffff  }
0x2fd: {  	v4 =	vadd.s32 $0x60, v5;
	_ =	sdelay $0x3  }
0x2fe: {  	[tilespmem:v3+s0+$0x0] =	vst.idx.msk $0xffff, v2  }
0x2ff: {  	v3 =	vor.u32 $0xC, v7;
	v2 =	vld.idx.msk [tilespmem:v4+s30+$0x0], $0xffff  }
0x300: {  	v4 =	vadd.s32 $0x68, v5;
	_ =	sdelay $0x3  }
0x301: {  	[tilespmem:v3+s0+$0x0] =	vst.idx.msk $0xffff, v2  }
0x302: {  	v3 =	vor.u32 $0xD, v7;
	v2 =	vld.idx.msk [tilespmem:v4+s30+$0x0], $0xffff  }
0x303: {  	v4 =	vadd.s32 $0x70, v5;
	_ =	sdelay $0x3  }
0x304: {  	[tilespmem:v3+s0+$0x0] =	vst.idx.msk $0xffff, v2  }
0x305: {  	v3 =	vor.u32 $0xE, v7;
	v2 =	vld.idx.msk [tilespmem:v4+s30+$0x0], $0xffff  }
0x306: {  	v4 =	vadd.s32 $0x78, v5;
	_ =	sdelay $0x3  }
0x307: {  	[tilespmem:v3+s0+$0x0] =	vst.idx.msk $0xffff, v2  }
0x308: {  	s5 =	simm.s32 $0x10;
	v2 =	vor.u32 $0xF, v7;
	v3 =	vld.idx.msk [tilespmem:v4+s30+$0x0], $0xffff  }
.LBB2_12:
0x309: {  	_ =	sdelay $0x2  }
0x30a: {  	p0 =	sne.s32 s5, $0x190  }
0x30b: {  	s4 =	sadd.s32 $0x10, s4;
	s6 =	smov.u32 s5;
	s5 =	sadd.s32 $0x10, s5;
	[tilespmem:v2+s0+$0x0] =	vst.idx.msk $0xffff, v3  }
0x30c: {  	v2 =	vld [tilespmem:s4+$0x0];
	_ =	sdelay $0x3  }
0x30d: {  	v4 =	vor.u32 s6, v0  }
0x30e: {  	v3 =	vshll.u32 v4, $0x7;
	v5 =	vand.u32 $0xFFFFFFF8, v2  }
0x30f: {  	v6 =	vand.u32 $0x7, v2;
	v2 =	vadd.s32 v3, v5  }
0x310: {  	v3 =	vor.u32 v6, v2;
	_ =	sdelay $0x4  }
0x311: {  	v7 =	vld.idx.msk [tilespmem:v3+s30+$0x0], $0xffff  }
0x312: {  	v2 =	vshll.u32 v4, $0x4  }
0x313: {  	v4 =	vadd.s32 $0x8, v3;
	_ =	sdelay $0x3  }
0x314: {  	[tilespmem:v2+s0+$0x0] =	vst.idx.msk $0xffff, v7  }
0x315: {  	v4 =	vld.idx.msk [tilespmem:v4+s30+$0x0], $0xffff  }
0x316: {  	v7 =	vor.u32 $0x1, v2  }
0x317: {  	v8 =	vadd.s32 $0x10, v3;
	_ =	sdelay $0x3  }
0x318: {  	[tilespmem:v7+s0+$0x0] =	vst.idx.msk $0xffff, v4  }
0x319: {  	v4 =	vld.idx.msk [tilespmem:v8+s30+$0x0], $0xffff  }
0x31a: {  	v7 =	vor.u32 $0x2, v2  }
0x31b: {  	v8 =	vadd.s32 $0x18, v3;
	_ =	sdelay $0x3  }
0x31c: {  	[tilespmem:v7+s0+$0x0] =	vst.idx.msk $0xffff, v4  }
0x31d: {  	v4 =	vld.idx.msk [tilespmem:v8+s30+$0x0], $0xffff  }
0x31e: {  	v7 =	vor.u32 $0x3, v2  }
0x31f: {  	v8 =	vadd.s32 $0x20, v3;
	_ =	sdelay $0x3  }
0x320: {  	[tilespmem:v7+s0+$0x0] =	vst.idx.msk $0xffff, v4  }
0x321: {  	v4 =	vld.idx.msk [tilespmem:v8+s30+$0x0], $0xffff  }
0x322: {  	v7 =	vor.u32 $0x4, v2  }
0x323: {  	v8 =	vadd.s32 $0x28, v3;
	_ =	sdelay $0x3  }
0x324: {  	[tilespmem:v7+s0+$0x0] =	vst.idx.msk $0xffff, v4  }
0x325: {  	v4 =	vld.idx.msk [tilespmem:v8+s30+$0x0], $0xffff  }
0x326: {  	v7 =	vor.u32 $0x5, v2  }
0x327: {  	v8 =	vadd.s32 $0x30, v3;
	_ =	sdelay $0x3  }
0x328: {  	[tilespmem:v7+s0+$0x0] =	vst.idx.msk $0xffff, v4  }
0x329: {  	v4 =	vld.idx.msk [tilespmem:v8+s30+$0x0], $0xffff  }
0x32a: {  	v7 =	vor.u32 $0x6, v2  }
0x32b: {  	v8 =	vadd.s32 $0x38, v3;
	_ =	sdelay $0x3  }
0x32c: {  	[tilespmem:v7+s0+$0x0] =	vst.idx.msk $0xffff, v4;
	v4 =	vor.u32 $0x8, v2  }
0x32d: {  	v7 =	vld.idx.msk [tilespmem:v8+s30+$0x0], $0xffff;
	v8 =	vshll.u32 v4, $0x3  }
0x32e: {  	v9 =	vor.u32 $0x7, v2;
	v5 =	vadd.s32 v8, v5  }
0x32f: {  	v5 =	vor.u32 v6, v5;
	_ =	sdelay $0x3  }
0x330: {  	[tilespmem:v9+s0+$0x0] =	vst.idx.msk $0xffff, v7  }
0x331: {  	v5 =	vld.idx.msk [tilespmem:v5+s30+$0x0], $0xffff;
	_ =	sdelay $0x1  }
0x332: {  	v6 =	vadd.s32 $0x48, v3;
	_ =	sdelay $0x3  }
0x333: {  	[tilespmem:v4+s0+$0x0] =	vst.idx.msk $0xffff, v5  }
0x334: {  	v4 =	vld.idx.msk [tilespmem:v6+s30+$0x0], $0xffff  }
0x335: {  	v5 =	vor.u32 $0x9, v2  }
0x336: {  	v6 =	vadd.s32 $0x50, v3;
	_ =	sdelay $0x3  }
0x337: {  	[tilespmem:v5+s0+$0x0] =	vst.idx.msk $0xffff, v4  }
0x338: {  	v4 =	vld.idx.msk [tilespmem:v6+s30+$0x0], $0xffff  }
0x339: {  	v5 =	vor.u32 $0xA, v2  }
0x33a: {  	v6 =	vadd.s32 $0x58, v3;
	_ =	sdelay $0x3  }
0x33b: {  	[tilespmem:v5+s0+$0x0] =	vst.idx.msk $0xffff, v4  }
0x33c: {  	v4 =	vld.idx.msk [tilespmem:v6+s30+$0x0], $0xffff  }
0x33d: {  	v5 =	vor.u32 $0xB, v2  }
0x33e: {  	v6 =	vadd.s32 $0x60, v3;
	_ =	sdelay $0x3  }
0x33f: {  	[tilespmem:v5+s0+$0x0] =	vst.idx.msk $0xffff, v4  }
0x340: {  	v4 =	vld.idx.msk [tilespmem:v6+s30+$0x0], $0xffff  }
0x341: {  	v5 =	vor.u32 $0xC, v2  }
0x342: {  	v6 =	vadd.s32 $0x68, v3;
	_ =	sdelay $0x3  }
0x343: {  	[tilespmem:v5+s0+$0x0] =	vst.idx.msk $0xffff, v4  }
0x344: {  	v4 =	vld.idx.msk [tilespmem:v6+s30+$0x0], $0xffff  }
0x345: {  	v5 =	vor.u32 $0xD, v2  }
0x346: {  	v6 =	vadd.s32 $0x70, v3;
	_ =	sdelay $0x3  }
0x347: {  	[tilespmem:v5+s0+$0x0] =	vst.idx.msk $0xffff, v4  }
0x348: {  	v4 =	vld.idx.msk [tilespmem:v6+s30+$0x0], $0xffff  }
0x349: {  	v5 =	vor.u32 $0xE, v2  }
0x34a: {  	v3 =	vadd.s32 $0x78, v3;
	_ =	sdelay $0x1  }
.Ltmp5:
0x34b: {  	(pc) =	sbr.rel @p0 .LBB2_12-.Ltmp5, $4  }
0x34c: {  	_ = 	snop  }
0x34d: {  	[tilespmem:v5+s0+$0x0] =	vst.idx.msk $0xffff, v4  }
0x34e: {  	v3 =	vld.idx.msk [tilespmem:v3+s30+$0x0], $0xffff  }
0x34f: {  	v2 =	vor.u32 $0xF, v2  }
0x350: {  	_ =	sdelay $0x3  }
0x351: {  	s5 =	simm.s32 $0x0;
	[tilespmem:v2+s0+$0x0] =	vst.idx.msk $0xffff, v3  }
0x352: {  	[hbm4b:s18+s5] =	stream.linear.scatter [tilespmem:s0], [sflag:$0x3], $0x1A00, $0x38;
	[tilespmem:$0x19300] =	vst v63  }
0x353: {  	_ =	swait.ge [sflag:s26], $0x1A00  }
0x354: {  	[sflag:s26] =	ssyncset.done $0x0  }
0x355: {  	[sflag:s26] =	ssyncadd.s32 $0xFFFFE600  }
0x356: {  	[tilespmem:s5], [sflag:$0x3] =	stream.linear.gather [hbm4b:s19+s5], $0x1A00, $0x38;
	[tilespmem:$0x19300] =	vst v63  }
0x357: {  	_ =	swait.ge [sflag:s26], $0x1A00  }
0x358: {  	[sflag:s26] =	ssyncset.done $0x0  }
0x359: {  	[sflag:s26] =	ssyncadd.s32 $0xFFFFE600  }
0x35a: {  	[tilespmem:s30], [sflag:$0x1] =	stream.indirect.gather [hbm4b:s3+s30], $0x8, s5, s30, $0xb8;
	[tilespmem:$0x19300] =	vst v63  }
0x35b: {  	_ =	swait.ge [sflag:s31], $0xD000  }
0x35c: {  	[sflag:s31] =	ssyncset.done $0x0  }
0x35d: {  	s4 =	simm.s32 $0x182C0;
	[sflag:s31] =	ssyncadd.s32 $0xFFFF3000  }
0x35e: {  	v2 =	vld [tilespmem:s4+$0x0];
	_ =	sdelay $0x3  }
0x35f: {  	v3 =	vor.u32 s5, v0  }
0x360: {  	v5 =	vshll.u32 v3, $0x7;
	v4 =	vand.u32 $0xFFFFFFF8, v2  }
0x361: {  	v2 =	vand.u32 $0x7, v2;
	v5 =	vadd.s32 v5, v4  }
0x362: {  	v5 =	vor.u32 v2, v5;
	_ =	sdelay $0x4  }
0x363: {  	v7 =	vshll.u32 v3, $0x4;
	v6 =	vld.idx.msk [tilespmem:v5+s30+$0x0], $0xffff  }
0x364: {  	v3 =	vadd.s32 $0x8, v5;
	_ =	sdelay $0x3  }
0x365: {  	[tilespmem:v7+s0+$0x0] =	vst.idx.msk $0xffff, v6  }
0x366: {  	v52 =	vor.u32 $0x1, v7;
	v3 =	vld.idx.msk [tilespmem:v3+s30+$0x0], $0xffff  }
0x367: {  	v8 =	vadd.s32 $0x10, v5;
	_ =	sdelay $0x3  }
0x368: {  	[tilespmem:v52+s0+$0x0] =	vst.idx.msk $0xffff, v3  }
0x369: {  	v53 =	vor.u32 $0x2, v7;
	v3 =	vld.idx.msk [tilespmem:v8+s30+$0x0], $0xffff  }
0x36a: {  	v54 =	vadd.s32 $0x18, v5;
	_ =	sdelay $0x3  }
0x36b: {  	[tilespmem:v53+s0+$0x0] =	vst.idx.msk $0xffff, v3  }
0x36c: {  	v55 =	vor.u32 $0x3, v7;
	v3 =	vld.idx.msk [tilespmem:v54+s30+$0x0], $0xffff  }
0x36d: {  	v56 =	vadd.s32 $0x20, v5;
	_ =	sdelay $0x3  }
0x36e: {  	[tilespmem:v55+s0+$0x0] =	vst.idx.msk $0xffff, v3  }
0x36f: {  	v57 =	vor.u32 $0x4, v7;
	v3 =	vld.idx.msk [tilespmem:v56+s30+$0x0], $0xffff  }
0x370: {  	v58 =	vadd.s32 $0x28, v5;
	_ =	sdelay $0x3  }
0x371: {  	[tilespmem:v57+s0+$0x0] =	vst.idx.msk $0xffff, v3  }
0x372: {  	v59 =	vor.u32 $0x5, v7;
	v3 =	vld.idx.msk [tilespmem:v58+s30+$0x0], $0xffff  }
0x373: {  	v60 =	vadd.s32 $0x30, v5;
	_ =	sdelay $0x3  }
0x374: {  	[tilespmem:v59+s0+$0x0] =	vst.idx.msk $0xffff, v3  }
0x375: {  	v61 =	vor.u32 $0x6, v7;
	v3 =	vld.idx.msk [tilespmem:v60+s30+$0x0], $0xffff  }
0x376: {  	v62 =	vadd.s32 $0x38, v5;
	_ =	sdelay $0x2  }
0x377: {  	v9 =	vor.u32 $0x8, v7  }
0x378: {  	[tilespmem:v61+s0+$0x0] =	vst.idx.msk $0xffff, v3;
	v3 =	vshll.u32 v9, $0x3  }
0x379: {  	v63 =	vor.u32 $0x7, v7;
	v6 =	vld.idx.msk [tilespmem:v62+s30+$0x0], $0xffff;
	v3 =	vadd.s32 v3, v4  }
0x37a: {  	v2 =	vor.u32 v2, v3;
	_ =	sdelay $0x3  }
0x37b: {  	[tilespmem:v63+s0+$0x0] =	vst.idx.msk $0xffff, v6  }
0x37c: {  	v2 =	vld.idx.msk [tilespmem:v2+s30+$0x0], $0xffff  }
0x37d: {  	v3 =	vadd.s32 $0x48, v5;
	_ =	sdelay $0x3  }
0x37e: {  	[tilespmem:v9+s0+$0x0] =	vst.idx.msk $0xffff, v2  }
0x37f: {  	v2 =	vld.idx.msk [tilespmem:v3+s30+$0x0], $0xffff;
	v3 =	vor.u32 $0x9, v7  }
0x380: {  	v4 =	vadd.s32 $0x50, v5;
	_ =	sdelay $0x3  }
0x381: {  	[tilespmem:v3+s0+$0x0] =	vst.idx.msk $0xffff, v2  }
0x382: {  	v3 =	vor.u32 $0xA, v7;
	v2 =	vld.idx.msk [tilespmem:v4+s30+$0x0], $0xffff  }
0x383: {  	v4 =	vadd.s32 $0x58, v5;
	_ =	sdelay $0x3  }
0x384: {  	[tilespmem:v3+s0+$0x0] =	vst.idx.msk $0xffff, v2  }
0x385: {  	v3 =	vor.u32 $0xB, v7;
	v2 =	vld.idx.msk [tilespmem:v4+s30+$0x0], $0xffff  }
0x386: {  	v4 =	vadd.s32 $0x60, v5;
	_ =	sdelay $0x3  }
0x387: {  	[tilespmem:v3+s0+$0x0] =	vst.idx.msk $0xffff, v2  }
0x388: {  	v3 =	vor.u32 $0xC, v7;
	v2 =	vld.idx.msk [tilespmem:v4+s30+$0x0], $0xffff  }
0x389: {  	v4 =	vadd.s32 $0x68, v5;
	_ =	sdelay $0x3  }
0x38a: {  	[tilespmem:v3+s0+$0x0] =	vst.idx.msk $0xffff, v2  }
0x38b: {  	v3 =	vor.u32 $0xD, v7;
	v2 =	vld.idx.msk [tilespmem:v4+s30+$0x0], $0xffff  }
0x38c: {  	v4 =	vadd.s32 $0x70, v5;
	_ =	sdelay $0x3  }
0x38d: {  	[tilespmem:v3+s0+$0x0] =	vst.idx.msk $0xffff, v2  }
0x38e: {  	v3 =	vor.u32 $0xE, v7;
	v2 =	vld.idx.msk [tilespmem:v4+s30+$0x0], $0xffff  }
0x38f: {  	v4 =	vadd.s32 $0x78, v5;
	_ =	sdelay $0x3  }
0x390: {  	[tilespmem:v3+s0+$0x0] =	vst.idx.msk $0xffff, v2  }
0x391: {  	s5 =	simm.s32 $0x10;
	v2 =	vor.u32 $0xF, v7;
	v3 =	vld.idx.msk [tilespmem:v4+s30+$0x0], $0xffff  }
.LBB2_14:
0x392: {  	_ =	sdelay $0x2  }
0x393: {  	p0 =	sne.s32 s5, $0x190  }
0x394: {  	s4 =	sadd.s32 $0x10, s4;
	s6 =	smov.u32 s5;
	s5 =	sadd.s32 $0x10, s5;
	[tilespmem:v2+s0+$0x0] =	vst.idx.msk $0xffff, v3  }
0x395: {  	v2 =	vld [tilespmem:s4+$0x0];
	_ =	sdelay $0x3  }
0x396: {  	v4 =	vor.u32 s6, v0  }
0x397: {  	v3 =	vshll.u32 v4, $0x7;
	v5 =	vand.u32 $0xFFFFFFF8, v2  }
0x398: {  	v6 =	vand.u32 $0x7, v2;
	v2 =	vadd.s32 v3, v5  }
0x399: {  	v3 =	vor.u32 v6, v2;
	_ =	sdelay $0x4  }
0x39a: {  	v7 =	vld.idx.msk [tilespmem:v3+s30+$0x0], $0xffff  }
0x39b: {  	v2 =	vshll.u32 v4, $0x4  }
0x39c: {  	v4 =	vadd.s32 $0x8, v3;
	_ =	sdelay $0x3  }
0x39d: {  	[tilespmem:v2+s0+$0x0] =	vst.idx.msk $0xffff, v7  }
0x39e: {  	v4 =	vld.idx.msk [tilespmem:v4+s30+$0x0], $0xffff  }
0x39f: {  	v7 =	vor.u32 $0x1, v2  }
0x3a0: {  	v8 =	vadd.s32 $0x10, v3;
	_ =	sdelay $0x3  }
0x3a1: {  	[tilespmem:v7+s0+$0x0] =	vst.idx.msk $0xffff, v4  }
0x3a2: {  	v4 =	vld.idx.msk [tilespmem:v8+s30+$0x0], $0xffff  }
0x3a3: {  	v7 =	vor.u32 $0x2, v2  }
0x3a4: {  	v8 =	vadd.s32 $0x18, v3;
	_ =	sdelay $0x3  }
0x3a5: {  	[tilespmem:v7+s0+$0x0] =	vst.idx.msk $0xffff, v4  }
0x3a6: {  	v4 =	vld.idx.msk [tilespmem:v8+s30+$0x0], $0xffff  }
0x3a7: {  	v7 =	vor.u32 $0x3, v2  }
0x3a8: {  	v8 =	vadd.s32 $0x20, v3;
	_ =	sdelay $0x3  }
0x3a9: {  	[tilespmem:v7+s0+$0x0] =	vst.idx.msk $0xffff, v4  }
0x3aa: {  	v4 =	vld.idx.msk [tilespmem:v8+s30+$0x0], $0xffff  }
0x3ab: {  	v7 =	vor.u32 $0x4, v2  }
0x3ac: {  	v8 =	vadd.s32 $0x28, v3;
	_ =	sdelay $0x3  }
0x3ad: {  	[tilespmem:v7+s0+$0x0] =	vst.idx.msk $0xffff, v4  }
0x3ae: {  	v4 =	vld.idx.msk [tilespmem:v8+s30+$0x0], $0xffff  }
0x3af: {  	v7 =	vor.u32 $0x5, v2  }
0x3b0: {  	v8 =	vadd.s32 $0x30, v3;
	_ =	sdelay $0x3  }
0x3b1: {  	[tilespmem:v7+s0+$0x0] =	vst.idx.msk $0xffff, v4  }
0x3b2: {  	v4 =	vld.idx.msk [tilespmem:v8+s30+$0x0], $0xffff  }
0x3b3: {  	v7 =	vor.u32 $0x6, v2  }
0x3b4: {  	v8 =	vadd.s32 $0x38, v3;
	_ =	sdelay $0x3  }
0x3b5: {  	[tilespmem:v7+s0+$0x0] =	vst.idx.msk $0xffff, v4;
	v4 =	vor.u32 $0x8, v2  }
0x3b6: {  	v7 =	vld.idx.msk [tilespmem:v8+s30+$0x0], $0xffff;
	v8 =	vshll.u32 v4, $0x3  }
0x3b7: {  	v9 =	vor.u32 $0x7, v2;
	v5 =	vadd.s32 v8, v5  }
0x3b8: {  	v5 =	vor.u32 v6, v5;
	_ =	sdelay $0x3  }
0x3b9: {  	[tilespmem:v9+s0+$0x0] =	vst.idx.msk $0xffff, v7  }
0x3ba: {  	v5 =	vld.idx.msk [tilespmem:v5+s30+$0x0], $0xffff;
	_ =	sdelay $0x1  }
0x3bb: {  	v6 =	vadd.s32 $0x48, v3;
	_ =	sdelay $0x3  }
0x3bc: {  	[tilespmem:v4+s0+$0x0] =	vst.idx.msk $0xffff, v5  }
0x3bd: {  	v4 =	vld.idx.msk [tilespmem:v6+s30+$0x0], $0xffff  }
0x3be: {  	v5 =	vor.u32 $0x9, v2  }
0x3bf: {  	v6 =	vadd.s32 $0x50, v3;
	_ =	sdelay $0x3  }
0x3c0: {  	[tilespmem:v5+s0+$0x0] =	vst.idx.msk $0xffff, v4  }
0x3c1: {  	v4 =	vld.idx.msk [tilespmem:v6+s30+$0x0], $0xffff  }
0x3c2: {  	v5 =	vor.u32 $0xA, v2  }
0x3c3: {  	v6 =	vadd.s32 $0x58, v3;
	_ =	sdelay $0x3  }
0x3c4: {  	[tilespmem:v5+s0+$0x0] =	vst.idx.msk $0xffff, v4  }
0x3c5: {  	v4 =	vld.idx.msk [tilespmem:v6+s30+$0x0], $0xffff  }
0x3c6: {  	v5 =	vor.u32 $0xB, v2  }
0x3c7: {  	v6 =	vadd.s32 $0x60, v3;
	_ =	sdelay $0x3  }
0x3c8: {  	[tilespmem:v5+s0+$0x0] =	vst.idx.msk $0xffff, v4  }
0x3c9: {  	v4 =	vld.idx.msk [tilespmem:v6+s30+$0x0], $0xffff  }
0x3ca: {  	v5 =	vor.u32 $0xC, v2  }
0x3cb: {  	v6 =	vadd.s32 $0x68, v3;
	_ =	sdelay $0x3  }
0x3cc: {  	[tilespmem:v5+s0+$0x0] =	vst.idx.msk $0xffff, v4  }
0x3cd: {  	v4 =	vld.idx.msk [tilespmem:v6+s30+$0x0], $0xffff  }
0x3ce: {  	v5 =	vor.u32 $0xD, v2  }
0x3cf: {  	v6 =	vadd.s32 $0x70, v3;
	_ =	sdelay $0x3  }
0x3d0: {  	[tilespmem:v5+s0+$0x0] =	vst.idx.msk $0xffff, v4  }
0x3d1: {  	v4 =	vld.idx.msk [tilespmem:v6+s30+$0x0], $0xffff  }
0x3d2: {  	v5 =	vor.u32 $0xE, v2  }
0x3d3: {  	v3 =	vadd.s32 $0x78, v3;
	_ =	sdelay $0x1  }
.Ltmp6:
0x3d4: {  	(pc) =	sbr.rel @p0 .LBB2_14-.Ltmp6, $4  }
0x3d5: {  	_ = 	snop  }
0x3d6: {  	[tilespmem:v5+s0+$0x0] =	vst.idx.msk $0xffff, v4  }
0x3d7: {  	v3 =	vld.idx.msk [tilespmem:v3+s30+$0x0], $0xffff  }
0x3d8: {  	v2 =	vor.u32 $0xF, v2  }
0x3d9: {  	_ =	sdelay $0x3  }
0x3da: {  	s5 =	simm.s32 $0x0;
	[tilespmem:v2+s0+$0x0] =	vst.idx.msk $0xffff, v3  }
0x3db: {  	[hbm4b:s20+s5] =	stream.linear.scatter [tilespmem:s0], [sflag:$0x3], $0x1A00, $0x38;
	[tilespmem:$0x19300] =	vst v63  }
0x3dc: {  	_ =	swait.ge [sflag:s26], $0x1A00  }
0x3dd: {  	[sflag:s26] =	ssyncset.done $0x0  }
0x3de: {  	[sflag:s26] =	ssyncadd.s32 $0xFFFFE600  }
0x3df: {  	[tilespmem:s5], [sflag:$0x3] =	stream.linear.gather [hbm4b:s21+s5], $0x1A00, $0x38;
	[tilespmem:$0x19300] =	vst v63  }
0x3e0: {  	_ =	swait.ge [sflag:s26], $0x1A00  }
0x3e1: {  	[sflag:s26] =	ssyncset.done $0x0  }
0x3e2: {  	[sflag:s26] =	ssyncadd.s32 $0xFFFFE600  }
0x3e3: {  	[tilespmem:s30], [sflag:$0x1] =	stream.indirect.gather [hbm4b:s3+s30], $0x8, s5, s30, $0xb8;
	[tilespmem:$0x19300] =	vst v63  }
0x3e4: {  	_ =	swait.ge [sflag:s31], $0xD000  }
0x3e5: {  	[sflag:s31] =	ssyncset.done $0x0  }
0x3e6: {  	s4 =	simm.s32 $0x18460;
	[sflag:s31] =	ssyncadd.s32 $0xFFFF3000  }
0x3e7: {  	v2 =	vld [tilespmem:s4+$0x0];
	_ =	sdelay $0x3  }
0x3e8: {  	v3 =	vor.u32 s5, v0  }
0x3e9: {  	v5 =	vshll.u32 v3, $0x7;
	v4 =	vand.u32 $0xFFFFFFF8, v2  }
0x3ea: {  	v2 =	vand.u32 $0x7, v2;
	v5 =	vadd.s32 v5, v4  }
0x3eb: {  	v5 =	vor.u32 v2, v5;
	_ =	sdelay $0x4  }
0x3ec: {  	v7 =	vshll.u32 v3, $0x4;
	v6 =	vld.idx.msk [tilespmem:v5+s30+$0x0], $0xffff  }
0x3ed: {  	v3 =	vadd.s32 $0x8, v5;
	_ =	sdelay $0x3  }
0x3ee: {  	[tilespmem:v7+s0+$0x0] =	vst.idx.msk $0xffff, v6  }
0x3ef: {  	v52 =	vor.u32 $0x1, v7;
	v3 =	vld.idx.msk [tilespmem:v3+s30+$0x0], $0xffff  }
0x3f0: {  	v8 =	vadd.s32 $0x10, v5;
	_ =	sdelay $0x3  }
0x3f1: {  	[tilespmem:v52+s0+$0x0] =	vst.idx.msk $0xffff, v3  }
0x3f2: {  	v53 =	vor.u32 $0x2, v7;
	v3 =	vld.idx.msk [tilespmem:v8+s30+$0x0], $0xffff  }
0x3f3: {  	v54 =	vadd.s32 $0x18, v5;
	_ =	sdelay $0x3  }
0x3f4: {  	[tilespmem:v53+s0+$0x0] =	vst.idx.msk $0xffff, v3  }
0x3f5: {  	v55 =	vor.u32 $0x3, v7;
	v3 =	vld.idx.msk [tilespmem:v54+s30+$0x0], $0xffff  }
0x3f6: {  	v56 =	vadd.s32 $0x20, v5;
	_ =	sdelay $0x3  }
0x3f7: {  	[tilespmem:v55+s0+$0x0] =	vst.idx.msk $0xffff, v3  }
0x3f8: {  	v57 =	vor.u32 $0x4, v7;
	v3 =	vld.idx.msk [tilespmem:v56+s30+$0x0], $0xffff  }
0x3f9: {  	v58 =	vadd.s32 $0x28, v5;
	_ =	sdelay $0x3  }
0x3fa: {  	[tilespmem:v57+s0+$0x0] =	vst.idx.msk $0xffff, v3  }
0x3fb: {  	v59 =	vor.u32 $0x5, v7;
	v3 =	vld.idx.msk [tilespmem:v58+s30+$0x0], $0xffff  }
0x3fc: {  	v60 =	vadd.s32 $0x30, v5;
	_ =	sdelay $0x3  }
0x3fd: {  	[tilespmem:v59+s0+$0x0] =	vst.idx.msk $0xffff, v3  }
0x3fe: {  	v61 =	vor.u32 $0x6, v7;
	v3 =	vld.idx.msk [tilespmem:v60+s30+$0x0], $0xffff  }
0x3ff: {  	v62 =	vadd.s32 $0x38, v5;
	_ =	sdelay $0x2  }
0x400: {  	v9 =	vor.u32 $0x8, v7  }
0x401: {  	[tilespmem:v61+s0+$0x0] =	vst.idx.msk $0xffff, v3;
	v3 =	vshll.u32 v9, $0x3  }
0x402: {  	v63 =	vor.u32 $0x7, v7;
	v6 =	vld.idx.msk [tilespmem:v62+s30+$0x0], $0xffff;
	v3 =	vadd.s32 v3, v4  }
0x403: {  	v2 =	vor.u32 v2, v3;
	_ =	sdelay $0x3  }
0x404: {  	[tilespmem:v63+s0+$0x0] =	vst.idx.msk $0xffff, v6  }
0x405: {  	v2 =	vld.idx.msk [tilespmem:v2+s30+$0x0], $0xffff  }
0x406: {  	v3 =	vadd.s32 $0x48, v5;
	_ =	sdelay $0x3  }
0x407: {  	[tilespmem:v9+s0+$0x0] =	vst.idx.msk $0xffff, v2  }
0x408: {  	v2 =	vld.idx.msk [tilespmem:v3+s30+$0x0], $0xffff;
	v3 =	vor.u32 $0x9, v7  }
0x409: {  	v4 =	vadd.s32 $0x50, v5;
	_ =	sdelay $0x3  }
0x40a: {  	[tilespmem:v3+s0+$0x0] =	vst.idx.msk $0xffff, v2  }
0x40b: {  	v3 =	vor.u32 $0xA, v7;
	v2 =	vld.idx.msk [tilespmem:v4+s30+$0x0], $0xffff  }
0x40c: {  	v4 =	vadd.s32 $0x58, v5;
	_ =	sdelay $0x3  }
0x40d: {  	[tilespmem:v3+s0+$0x0] =	vst.idx.msk $0xffff, v2  }
0x40e: {  	v3 =	vor.u32 $0xB, v7;
	v2 =	vld.idx.msk [tilespmem:v4+s30+$0x0], $0xffff  }
0x40f: {  	v4 =	vadd.s32 $0x60, v5;
	_ =	sdelay $0x3  }
0x410: {  	[tilespmem:v3+s0+$0x0] =	vst.idx.msk $0xffff, v2  }
0x411: {  	v3 =	vor.u32 $0xC, v7;
	v2 =	vld.idx.msk [tilespmem:v4+s30+$0x0], $0xffff  }
0x412: {  	v4 =	vadd.s32 $0x68, v5;
	_ =	sdelay $0x3  }
0x413: {  	[tilespmem:v3+s0+$0x0] =	vst.idx.msk $0xffff, v2  }
0x414: {  	v3 =	vor.u32 $0xD, v7;
	v2 =	vld.idx.msk [tilespmem:v4+s30+$0x0], $0xffff  }
0x415: {  	v4 =	vadd.s32 $0x70, v5;
	_ =	sdelay $0x3  }
0x416: {  	[tilespmem:v3+s0+$0x0] =	vst.idx.msk $0xffff, v2  }
0x417: {  	v3 =	vor.u32 $0xE, v7;
	v2 =	vld.idx.msk [tilespmem:v4+s30+$0x0], $0xffff  }
0x418: {  	v4 =	vadd.s32 $0x78, v5;
	_ =	sdelay $0x3  }
0x419: {  	[tilespmem:v3+s0+$0x0] =	vst.idx.msk $0xffff, v2  }
0x41a: {  	s5 =	simm.s32 $0x10;
	v2 =	vor.u32 $0xF, v7;
	v3 =	vld.idx.msk [tilespmem:v4+s30+$0x0], $0xffff  }
.LBB2_16:
0x41b: {  	_ =	sdelay $0x2  }
0x41c: {  	p0 =	sne.s32 s5, $0x190  }
0x41d: {  	s4 =	sadd.s32 $0x10, s4;
	s6 =	smov.u32 s5;
	s5 =	sadd.s32 $0x10, s5;
	[tilespmem:v2+s0+$0x0] =	vst.idx.msk $0xffff, v3  }
0x41e: {  	v2 =	vld [tilespmem:s4+$0x0];
	_ =	sdelay $0x3  }
0x41f: {  	v4 =	vor.u32 s6, v0  }
0x420: {  	v3 =	vshll.u32 v4, $0x7;
	v5 =	vand.u32 $0xFFFFFFF8, v2  }
0x421: {  	v6 =	vand.u32 $0x7, v2;
	v2 =	vadd.s32 v3, v5  }
0x422: {  	v3 =	vor.u32 v6, v2;
	_ =	sdelay $0x4  }
0x423: {  	v7 =	vld.idx.msk [tilespmem:v3+s30+$0x0], $0xffff  }
0x424: {  	v2 =	vshll.u32 v4, $0x4  }
0x425: {  	v4 =	vadd.s32 $0x8, v3;
	_ =	sdelay $0x3  }
0x426: {  	[tilespmem:v2+s0+$0x0] =	vst.idx.msk $0xffff, v7  }
0x427: {  	v4 =	vld.idx.msk [tilespmem:v4+s30+$0x0], $0xffff  }
0x428: {  	v7 =	vor.u32 $0x1, v2  }
0x429: {  	v8 =	vadd.s32 $0x10, v3;
	_ =	sdelay $0x3  }
0x42a: {  	[tilespmem:v7+s0+$0x0] =	vst.idx.msk $0xffff, v4  }
0x42b: {  	v4 =	vld.idx.msk [tilespmem:v8+s30+$0x0], $0xffff  }
0x42c: {  	v7 =	vor.u32 $0x2, v2  }
0x42d: {  	v8 =	vadd.s32 $0x18, v3;
	_ =	sdelay $0x3  }
0x42e: {  	[tilespmem:v7+s0+$0x0] =	vst.idx.msk $0xffff, v4  }
0x42f: {  	v4 =	vld.idx.msk [tilespmem:v8+s30+$0x0], $0xffff  }
0x430: {  	v7 =	vor.u32 $0x3, v2  }
0x431: {  	v8 =	vadd.s32 $0x20, v3;
	_ =	sdelay $0x3  }
0x432: {  	[tilespmem:v7+s0+$0x0] =	vst.idx.msk $0xffff, v4  }
0x433: {  	v4 =	vld.idx.msk [tilespmem:v8+s30+$0x0], $0xffff  }
0x434: {  	v7 =	vor.u32 $0x4, v2  }
0x435: {  	v8 =	vadd.s32 $0x28, v3;
	_ =	sdelay $0x3  }
0x436: {  	[tilespmem:v7+s0+$0x0] =	vst.idx.msk $0xffff, v4  }
0x437: {  	v4 =	vld.idx.msk [tilespmem:v8+s30+$0x0], $0xffff  }
0x438: {  	v7 =	vor.u32 $0x5, v2  }
0x439: {  	v8 =	vadd.s32 $0x30, v3;
	_ =	sdelay $0x3  }
0x43a: {  	[tilespmem:v7+s0+$0x0] =	vst.idx.msk $0xffff, v4  }
0x43b: {  	v4 =	vld.idx.msk [tilespmem:v8+s30+$0x0], $0xffff  }
0x43c: {  	v7 =	vor.u32 $0x6, v2  }
0x43d: {  	v8 =	vadd.s32 $0x38, v3;
	_ =	sdelay $0x3  }
0x43e: {  	[tilespmem:v7+s0+$0x0] =	vst.idx.msk $0xffff, v4;
	v4 =	vor.u32 $0x8, v2  }
0x43f: {  	v7 =	vld.idx.msk [tilespmem:v8+s30+$0x0], $0xffff;
	v8 =	vshll.u32 v4, $0x3  }
0x440: {  	v9 =	vor.u32 $0x7, v2;
	v5 =	vadd.s32 v8, v5  }
0x441: {  	v5 =	vor.u32 v6, v5;
	_ =	sdelay $0x3  }
0x442: {  	[tilespmem:v9+s0+$0x0] =	vst.idx.msk $0xffff, v7  }
0x443: {  	v5 =	vld.idx.msk [tilespmem:v5+s30+$0x0], $0xffff;
	_ =	sdelay $0x1  }
0x444: {  	v6 =	vadd.s32 $0x48, v3;
	_ =	sdelay $0x3  }
0x445: {  	[tilespmem:v4+s0+$0x0] =	vst.idx.msk $0xffff, v5  }
0x446: {  	v4 =	vld.idx.msk [tilespmem:v6+s30+$0x0], $0xffff  }
0x447: {  	v5 =	vor.u32 $0x9, v2  }
0x448: {  	v6 =	vadd.s32 $0x50, v3;
	_ =	sdelay $0x3  }
0x449: {  	[tilespmem:v5+s0+$0x0] =	vst.idx.msk $0xffff, v4  }
0x44a: {  	v4 =	vld.idx.msk [tilespmem:v6+s30+$0x0], $0xffff  }
0x44b: {  	v5 =	vor.u32 $0xA, v2  }
0x44c: {  	v6 =	vadd.s32 $0x58, v3;
	_ =	sdelay $0x3  }
0x44d: {  	[tilespmem:v5+s0+$0x0] =	vst.idx.msk $0xffff, v4  }
0x44e: {  	v4 =	vld.idx.msk [tilespmem:v6+s30+$0x0], $0xffff  }
0x44f: {  	v5 =	vor.u32 $0xB, v2  }
0x450: {  	v6 =	vadd.s32 $0x60, v3;
	_ =	sdelay $0x3  }
0x451: {  	[tilespmem:v5+s0+$0x0] =	vst.idx.msk $0xffff, v4  }
0x452: {  	v4 =	vld.idx.msk [tilespmem:v6+s30+$0x0], $0xffff  }
0x453: {  	v5 =	vor.u32 $0xC, v2  }
0x454: {  	v6 =	vadd.s32 $0x68, v3;
	_ =	sdelay $0x3  }
0x455: {  	[tilespmem:v5+s0+$0x0] =	vst.idx.msk $0xffff, v4  }
0x456: {  	v4 =	vld.idx.msk [tilespmem:v6+s30+$0x0], $0xffff  }
0x457: {  	v5 =	vor.u32 $0xD, v2  }
0x458: {  	v6 =	vadd.s32 $0x70, v3;
	_ =	sdelay $0x3  }
0x459: {  	[tilespmem:v5+s0+$0x0] =	vst.idx.msk $0xffff, v4  }
0x45a: {  	v4 =	vld.idx.msk [tilespmem:v6+s30+$0x0], $0xffff  }
0x45b: {  	v5 =	vor.u32 $0xE, v2  }
0x45c: {  	v3 =	vadd.s32 $0x78, v3;
	_ =	sdelay $0x1  }
.Ltmp7:
0x45d: {  	(pc) =	sbr.rel @p0 .LBB2_16-.Ltmp7, $4  }
0x45e: {  	_ = 	snop  }
0x45f: {  	[tilespmem:v5+s0+$0x0] =	vst.idx.msk $0xffff, v4  }
0x460: {  	v3 =	vld.idx.msk [tilespmem:v3+s30+$0x0], $0xffff  }
0x461: {  	v2 =	vor.u32 $0xF, v2  }
0x462: {  	_ =	sdelay $0x3  }
0x463: {  	s4 =	simm.s32 $0x0;
	[tilespmem:v2+s0+$0x0] =	vst.idx.msk $0xffff, v3  }
0x464: {  	[hbm4b:s22+s4] =	stream.linear.scatter [tilespmem:s0], [sflag:$0x3], $0x1A00, $0x38;
	[tilespmem:$0x19300] =	vst v63  }
0x465: {  	_ =	swait.ge [sflag:s26], $0x1A00  }
0x466: {  	[sflag:s26] =	ssyncset.done $0x0  }
0x467: {  	[sflag:s26] =	ssyncadd.s32 $0xFFFFE600  }
0x468: {  	_ =	swait.ge [sflag:s1], $0x6800  }
0x469: {  	[sflag:s1] =	ssyncset.done $0x0  }
0x46a: {  	s5 =	simm.s32 $0x17900;
	[sflag:s1] =	ssyncadd.s32 $0xFFFF9800  }
0x46b: {  	s6 =	simm.s32 $0x10;
	v2 =	vld [tilespmem:s5+$0x0]  }
.LBB2_18:
0x46c: {  	p0 =	sne.s32 s6, $0xCF0;
	_ =	sdelay $0x2  }
0x46d: {  	v3 =	vor.u32 s4, v0;
	s4 =	smov.u32 s6  }
0x46e: {  	v5 =	vshll.u32 v3, $0x3;
	v4 =	vand.u32 $0xFFFFFFF8, v2  }
0x46f: {  	v2 =	vand.u32 $0x7, v2;
	v4 =	vadd.s32 v5, v4  }
0x470: {  	v2 =	vor.u32 v2, v4;
	_ =	sdelay $0x4  }
0x471: {  	v2 =	vld.idx.msk [tilespmem:v2+s29+$0x0], $0xffff  }
0x472: {  	v3 =	vand.u32 v1, v3;
	_ =	sdelay $0x1  }
.Ltmp8:
0x473: {  	(pc) =	sbr.rel @p0 .LBB2_18-.Ltmp8, $3  }
0x474: {  	_ =	sdelay $0x1  }
0x475: {  	s5 =	sadd.s32 $0x10, s5;
	[tilespmem:v3+s28+$0x0] =	vst.idx.msk $0xffff, v2  }
0x476: {  	s6 =	sadd.s32 $0x10, s6;
	v2 =	vld [tilespmem:s5+$0x0]  }
0x477: {  	_ =	sdelay $0x2  }
0x478: {  	v3 =	vor.u32 s4, v0  }
0x479: {  	v5 =	vshll.u32 v3, $0x3;
	v4 =	vand.u32 $0xFFFFFFF8, v2  }
0x47a: {  	v2 =	vand.u32 $0x7, v2;
	v4 =	vadd.s32 v5, v4  }
0x47b: {  	v2 =	vor.u32 v2, v4;
	_ =	sdelay $0x4  }
0x47c: {  	v3 =	vand.u32 v1, v3;
	v2 =	vld.idx.msk [tilespmem:v2+s29+$0x0], $0xffff;
	_ =	sdelay $0x2  }
0x47d: {  	s25 =	sadd.s32 $0x1, s25  }
0x47e: {  	p0 =	sne.s32 s25, s24  }
.Ltmp9:
0x47f: {  	[tilespmem:v3+s28+$0x0] =	vst.idx.msk $0xffff, v2;
	(pc) =	sbr.rel @p0 .LBB2_1-.Ltmp9, $4  }
0x480: {  	[hbm4b:s23+s2] =	stream.linear.scatter [tilespmem:s28], [sflag:$0x3], $0xD00, $0x38;
	[tilespmem:$0x19300] =	vst v63  }
0x481: {  	_ =	swait.ge [sflag:s26], $0xD00  }
0x482: {  	[sflag:s26] =	ssyncset.done $0x0  }
0x483: {  	[sflag:s26] =	ssyncadd.s32 $0xFFFFF300  }
0x484: {  	_ =	sfence.sel $0x180000  }
0x485: {  	[bflag:$0x0] =	sbarrier.arrive $0xFFFF  }
0x486: {  	_ =	strace $0x90000047  }
0x487: {  	s0 =	stileid.u32;
	[bflag:$0x2] =	sbarrier.arrive $0xFFFF  }
0x488: {  	p0 =	sne.s32 s0, $0x0;
	s0 =	rddreg [dreg:$0x1]  }
0x489: {  	s0 =	sadd.s32 @!p0 $0x100000, s0  }
0x48a: {  	[sflag:s0] =	ssyncadd.tile.s32 @!p0 $0x1;
	_ =	shalt  }
.Lfunc_end2:
_tile_overlayer_lowered:
.L_overlay_start_2:
0x48b: {  	(tag) =	ssettag $0x2  }
0x48c: {  	s0 =	rddreg [dreg:$0x0];
	s2 =	stileid.u32  }
0x48d: {  	s1 =	rddreg [dreg:$0x1];
	p0 =	sne.s32 s2, $0x0  }
0x48e: {  	s3 =	rddreg [dreg:$0x2];
	[bflag:$0x3] =	sbarrier.arrive $0xFFFF;
	s2 =	simm.s32 @!p0 $0x1C03  }
0x48f: {  	[timem:s3], [sflag:s2] =	dma.local @!p0 [hbm:s0], s1  }
0x490: {  	s0 =	simm.s32 @!p0 $0x3  }
0x491: {  	_ =	swait.ge @!p0 [sflag:s0], s1  }
0x492: {  	s1 =	ssub.s32 @!p0 $0x0, s1;
	[sflag:s0] =	ssyncset.done @!p0 $0x0  }
0x493: {  	[sflag:s0] =	ssyncadd.s32 @!p0 s1  }
0x494: {  	[bflag:$0x3] =	sbarrier.arrive $0xFFFF  }
0x495: {  	_ =	shalt  }

</sc_bundles>
